<compile_context>
chip_gen: v7x
topology: tpu7x:2x2x1
jax: 0.10.2.dev20260603
libtpu: 0.0.44.dev20260713+nightly
codegen_flags: <defaults>
</compile_context>

<pallas_src>
import functools

import jax
import jax.numpy as jnp
from jax import lax
from jax.experimental import pallas as pl
from jax.experimental.pallas import tpu as pltpu
from jax.experimental.pallas import tpu_sc as plsc

LANES = 16
NBUF = 3
CH = 8


def _make_sc_kernel(B, S, D):
    info = plsc.get_sparse_core_info()
    NC, NS = info.num_cores, info.num_subcores
    NW = NC * NS
    s_per_w = S // NW
    n_ch = s_per_w // CH
    n_col = D // LANES

    mesh = plsc.VectorSubcoreMesh(core_axis_name="c", subcore_axis_name="s")

    scratch = (
        [pltpu.VMEM((B, CH, D), jnp.float32) for _ in range(NBUF)]
        + [pltpu.VMEM((CH, D), jnp.float32) for _ in range(NBUF)]
        + [pltpu.SemaphoreType.DMA for _ in range(2 * NBUF)]
    )

    @functools.partial(
        pl.kernel,
        mesh=mesh,
        out_type=jax.ShapeDtypeStruct((B, S, D), jnp.float32),
        scratch_types=scratch,
        compiler_params=pltpu.CompilerParams(use_tc_tiling_on_sc=True),
    )
    def k(xf, pe, out, *refs):
        xbs = refs[:NBUF]
        pbs = refs[NBUF:2 * NBUF]
        lss = refs[2 * NBUF:3 * NBUF]
        sss = refs[3 * NBUF:4 * NBUF]

        wid = lax.axis_index("s") * NC + lax.axis_index("c")
        s_base = wid * s_per_w

        def start_loads(c):
            p = c % NBUF
            s0 = s_base + c * CH
            return [
                pltpu.async_copy(pe.at[pl.ds(s0, CH), :], pbs[p], lss[p]),
                pltpu.async_copy(xf.at[:, pl.ds(s0, CH), :], xbs[p], lss[p]),
            ]

        def start_stores(c):
            p = c % NBUF
            s0 = s_base + c * CH
            return [
                pltpu.async_copy(xbs[p], out.at[:, pl.ds(s0, CH), :], sss[p]),
            ]

        GPB = 4

        def compute(c):
            p = c % NBUF
            xb, pb = xbs[p], pbs[p]

            def body(r, carry):
                def cbody(j, carry2):
                    base = j * (GPB * LANES)
                    for g in range(GPB):
                        col = base + g * LANES
                        vec = pb[r, pl.ds(col, LANES)]
                        for b in range(B):
                            plsc.addupdate(xb.at[b, r, pl.ds(col, LANES)], vec)
                    return carry2

                lax.fori_loop(0, n_col // GPB, cbody, 0)
                return carry

            lax.fori_loop(0, CH, body, 0)

        loads = {c: start_loads(c) for c in range(min(NBUF, n_ch))}
        stores = {}
        for c in range(n_ch):
            if c >= NBUF - 1:
                for h in stores.pop(c - (NBUF - 1)):
                    h.wait()
                if c + 1 < n_ch:
                    loads[c + 1] = start_loads(c + 1)
            for h in loads.pop(c):
                h.wait()
            compute(c)
            stores[c] = start_stores(c)
        for hs in stores.values():
            for h in hs:
                h.wait()

    return k


def kernel(x, pe_weight):
    B, S, D = x.shape
    return _make_sc_kernel(B, S, D)(x, pe_weight[:S])

# --- scband reference (transcript-rebuilt; emitter-appended) ---
"""Pipeline reference for scband-learnable-pe-51634096833246 (READ-ONLY COPY).

The authoritative reference and input builder live on the scoring server;
editing this copy changes nothing except your own understanding.
"""

import jax, jax.numpy as jnp
import numpy as np

D_MODEL = 1024
MAX_LEN = 2048
B, S = 4, 2048

def setup_inputs(seed: int = 0) -> dict:
    key = jax.random.key(seed)
    kx, kpe = jax.random.split(key)
    x = jax.random.normal(kx, (B, S, D_MODEL), dtype=jnp.float32)
    pe_weight = jax.random.normal(kpe, (MAX_LEN, D_MODEL), dtype=jnp.float32) * 0.02
    return {"x": x, "pe_weight": pe_weight}

def reference(x, pe_weight):
    # x: (B, S, d_model)
    S_ = x.shape[1]
    pos_ids = jnp.arange(S_)[None, :]  # (1, S)
    pe = jnp.take(pe_weight, pos_ids, axis=0)  # (1, S, d_model) embedding gather
    x = x + pe
    # dropout is identity in eval / deterministic reference
    return x

if __name__ == "__main__":
    import jax
    _d = setup_inputs()
    print(jax.jit(kernel)(*tuple(_d.values())))

</pallas_src>

<mosaic_0001>
#map = affine_map<(d0, d1) -> (0, 0, 0)>
#map1 = affine_map<(d0, d1) -> (0, 0)>
module attributes {stable_mosaic.version = 14 : i64} {
  func.func @k(%arg0: i32, %arg1: i32, %arg2: memref<4x2048x1024xf32, #tpu.memory_space<hbm>>, %arg3: memref<2048x1024xf32, #tpu.memory_space<hbm>>, %arg4: memref<4x2048x1024xf32, #tpu.memory_space<hbm>>, %arg5: memref<4x8x1024xf32, #tpu.memory_space<vmem>>, %arg6: memref<4x8x1024xf32, #tpu.memory_space<vmem>>, %arg7: memref<4x8x1024xf32, #tpu.memory_space<vmem>>, %arg8: memref<8x1024xf32, #tpu.memory_space<vmem>>, %arg9: memref<8x1024xf32, #tpu.memory_space<vmem>>, %arg10: memref<8x1024xf32, #tpu.memory_space<vmem>>, %arg11: memref<!tpu.dma_semaphore, #tpu.memory_space<semaphore_mem>>, %arg12: memref<!tpu.dma_semaphore, #tpu.memory_space<semaphore_mem>>, %arg13: memref<!tpu.dma_semaphore, #tpu.memory_space<semaphore_mem>>, %arg14: memref<!tpu.dma_semaphore, #tpu.memory_space<semaphore_mem>>, %arg15: memref<!tpu.dma_semaphore, #tpu.memory_space<semaphore_mem>>, %arg16: memref<!tpu.dma_semaphore, #tpu.memory_space<semaphore_mem>>) attributes {dimension_semantics = [#tpu.dimension_semantics<core_parallel>, #tpu.dimension_semantics<subcore_parallel>], iteration_bounds = array<i64: 2, 16>, scalar_prefetch = 0 : i64, scratch_operands = 12 : i64, tpu.core_type = #tpu.core_type<sc_vector_subcore>, window_params = [{transform_indices = #map}, {transform_indices = #map1}, {transform_indices = #map}]} {
    %mul3A = arith.constant 2 : i32
    %mul3A_0 = arith.muli %arg1, %mul3A : i32
    %add3A = arith.addi %mul3A_0, %arg0 : i32
    %mul3A_1 = arith.constant 64 : i32
    %mul3A_2 = arith.muli %add3A, %mul3A_1 : i32
    %add3A_3 = arith.constant 0 : i32
    %add3A_4 = arith.addi %mul3A_2, %add3A_3 : i32
    %dma_start3A = arith.constant 0 : i32
    %dma_start3A_5 = tpu.memref_slice %arg3[%add3A_4, %dma_start3A] : memref<2048x1024xf32, #tpu.memory_space<hbm>> -> memref<8x1024xf32, #tpu.memory_space<hbm>>
    %dma_start3A_6 = arith.constant 0 : i32
    %dma_start3A_7 = tpu.memref_slice %arg3[%add3A_4, %dma_start3A_6] : memref<2048x1024xf32, #tpu.memory_space<hbm>> -> memref<8x1024xf32, #tpu.memory_space<hbm>>
    tpu.enqueue_dma source(%dma_start3A_7 : memref<8x1024xf32, #tpu.memory_space<hbm>>) target(%arg8 : memref<8x1024xf32, #tpu.memory_space<vmem>>) target_semaphore(%arg11 : memref<!tpu.dma_semaphore, #tpu.memory_space<semaphore_mem>>)
    %dma_start3A_8 = arith.constant 0 : i32
    %dma_start3A_9 = arith.constant 0 : i32
    %dma_start3A_10 = tpu.memref_slice %arg2[%dma_start3A_8, %add3A_4, %dma_start3A_9] : memref<4x2048x1024xf32, #tpu.memory_space<hbm>> -> memref<4x8x1024xf32, #tpu.memory_space<hbm>>
    %dma_start3A_11 = arith.constant 0 : i32
    %dma_start3A_12 = arith.constant 0 : i32
    %dma_start3A_13 = tpu.memref_slice %arg2[%dma_start3A_11, %add3A_4, %dma_start3A_12] : memref<4x2048x1024xf32, #tpu.memory_space<hbm>> -> memref<4x8x1024xf32, #tpu.memory_space<hbm>>
    tpu.enqueue_dma source(%dma_start3A_13 : memref<4x8x1024xf32, #tpu.memory_space<hbm>>) target(%arg5 : memref<4x8x1024xf32, #tpu.memory_space<vmem>>) target_semaphore(%arg11 : memref<!tpu.dma_semaphore, #tpu.memory_space<semaphore_mem>>)
    %add3A_14 = arith.constant 8 : i32
    %add3A_15 = arith.addi %mul3A_2, %add3A_14 : i32
    %dma_start3A_16 = arith.constant 0 : i32
    %dma_start3A_17 = tpu.memref_slice %arg3[%add3A_15, %dma_start3A_16] : memref<2048x1024xf32, #tpu.memory_space<hbm>> -> memref<8x1024xf32, #tpu.memory_space<hbm>>
    %dma_start3A_18 = arith.constant 0 : i32
    %dma_start3A_19 = tpu.memref_slice %arg3[%add3A_15, %dma_start3A_18] : memref<2048x1024xf32, #tpu.memory_space<hbm>> -> memref<8x1024xf32, #tpu.memory_space<hbm>>
    tpu.enqueue_dma source(%dma_start3A_19 : memref<8x1024xf32, #tpu.memory_space<hbm>>) target(%arg9 : memref<8x1024xf32, #tpu.memory_space<vmem>>) target_semaphore(%arg12 : memref<!tpu.dma_semaphore, #tpu.memory_space<semaphore_mem>>)
    %dma_start3A_20 = arith.constant 0 : i32
    %dma_start3A_21 = arith.constant 0 : i32
    %dma_start3A_22 = tpu.memref_slice %arg2[%dma_start3A_20, %add3A_15, %dma_start3A_21] : memref<4x2048x1024xf32, #tpu.memory_space<hbm>> -> memref<4x8x1024xf32, #tpu.memory_space<hbm>>
    %dma_start3A_23 = arith.constant 0 : i32
    %dma_start3A_24 = arith.constant 0 : i32
    %dma_start3A_25 = tpu.memref_slice %arg2[%dma_start3A_23, %add3A_15, %dma_start3A_24] : memref<4x2048x1024xf32, #tpu.memory_space<hbm>> -> memref<4x8x1024xf32, #tpu.memory_space<hbm>>
    tpu.enqueue_dma source(%dma_start3A_25 : memref<4x8x1024xf32, #tpu.memory_space<hbm>>) target(%arg6 : memref<4x8x1024xf32, #tpu.memory_space<vmem>>) target_semaphore(%arg12 : memref<!tpu.dma_semaphore, #tpu.memory_space<semaphore_mem>>)
    %add3A_26 = arith.constant 16 : i32
    %add3A_27 = arith.addi %mul3A_2, %add3A_26 : i32
    %dma_start3A_28 = arith.constant 0 : i32
    %dma_start3A_29 = tpu.memref_slice %arg3[%add3A_27, %dma_start3A_28] : memref<2048x1024xf32, #tpu.memory_space<hbm>> -> memref<8x1024xf32, #tpu.memory_space<hbm>>
    %dma_start3A_30 = arith.constant 0 : i32
    %dma_start3A_31 = tpu.memref_slice %arg3[%add3A_27, %dma_start3A_30] : memref<2048x1024xf32, #tpu.memory_space<hbm>> -> memref<8x1024xf32, #tpu.memory_space<hbm>>
    tpu.enqueue_dma source(%dma_start3A_31 : memref<8x1024xf32, #tpu.memory_space<hbm>>) target(%arg10 : memref<8x1024xf32, #tpu.memory_space<vmem>>) target_semaphore(%arg13 : memref<!tpu.dma_semaphore, #tpu.memory_space<semaphore_mem>>)
    %dma_start3A_32 = arith.constant 0 : i32
    %dma_start3A_33 = arith.constant 0 : i32
    %dma_start3A_34 = tpu.memref_slice %arg2[%dma_start3A_32, %add3A_27, %dma_start3A_33] : memref<4x2048x1024xf32, #tpu.memory_space<hbm>> -> memref<4x8x1024xf32, #tpu.memory_space<hbm>>
    %dma_start3A_35 = arith.constant 0 : i32
    %dma_start3A_36 = arith.constant 0 : i32
    %dma_start3A_37 = tpu.memref_slice %arg2[%dma_start3A_35, %add3A_27, %dma_start3A_36] : memref<4x2048x1024xf32, #tpu.memory_space<hbm>> -> memref<4x8x1024xf32, #tpu.memory_space<hbm>>
    tpu.enqueue_dma source(%dma_start3A_37 : memref<4x8x1024xf32, #tpu.memory_space<hbm>>) target(%arg7 : memref<4x8x1024xf32, #tpu.memory_space<vmem>>) target_semaphore(%arg13 : memref<!tpu.dma_semaphore, #tpu.memory_space<semaphore_mem>>)
    %dma_wait3A = arith.constant 0 : i32
    %dma_wait3A_38 = tpu.memref_slice %arg3[%add3A_4, %dma_wait3A] : memref<2048x1024xf32, #tpu.memory_space<hbm>> -> memref<8x1024xf32, #tpu.memory_space<hbm>>
    %dma_wait3A_39 = arith.constant 0 : i32
    %dma_wait3A_40 = tpu.memref_slice %arg3[%add3A_4, %dma_wait3A_39] : memref<2048x1024xf32, #tpu.memory_space<hbm>> -> memref<8x1024xf32, #tpu.memory_space<hbm>>
    tpu.wait_dma2 semaphore(%arg11 : memref<!tpu.dma_semaphore, #tpu.memory_space<semaphore_mem>>) src(%dma_wait3A_40 : memref<8x1024xf32, #tpu.memory_space<hbm>>) dst(%arg8 : memref<8x1024xf32, #tpu.memory_space<vmem>>)
    %dma_wait3A_41 = arith.constant 0 : i32
    %dma_wait3A_42 = arith.constant 0 : i32
    %dma_wait3A_43 = tpu.memref_slice %arg2[%dma_wait3A_41, %add3A_4, %dma_wait3A_42] : memref<4x2048x1024xf32, #tpu.memory_space<hbm>> -> memref<4x8x1024xf32, #tpu.memory_space<hbm>>
    %dma_wait3A_44 = arith.constant 0 : i32
    %dma_wait3A_45 = arith.constant 0 : i32
    %dma_wait3A_46 = tpu.memref_slice %arg2[%dma_wait3A_44, %add3A_4, %dma_wait3A_45] : memref<4x2048x1024xf32, #tpu.memory_space<hbm>> -> memref<4x8x1024xf32, #tpu.memory_space<hbm>>
    tpu.wait_dma2 semaphore(%arg11 : memref<!tpu.dma_semaphore, #tpu.memory_space<semaphore_mem>>) src(%dma_wait3A_46 : memref<4x8x1024xf32, #tpu.memory_space<hbm>>) dst(%arg5 : memref<4x8x1024xf32, #tpu.memory_space<vmem>>)
    %scan3A = arith.constant 0 : i32
    %scan3A_47 = arith.constant 0 : i32
    %scan3A_48 = arith.constant 8 : i32
    %scan3A_49 = arith.addi %scan3A_47, %scan3A_48 : i32
    %scan3A_50 = arith.constant 1 : i32
    scf.for %scan3A_336 = %scan3A_47 to %scan3A_49 step %scan3A_50  : i32 {
      %scan3A_337 = arith.constant 0 : i32
      %scan3A_338 = arith.constant 0 : i32
      %scan3A_339 = arith.constant 16 : i32
      %scan3A_340 = arith.addi %scan3A_338, %scan3A_339 : i32
      %scan3A_341 = arith.constant 1 : i32
      scf.for %scan3A_343 = %scan3A_338 to %scan3A_340 step %scan3A_341  : i32 {
        %mul3A_344 = arith.constant 64 : i32
        %mul3A_345 = arith.muli %scan3A_343, %mul3A_344 : i32
        %add3A_346 = arith.constant 0 : i32
        %add3A_347 = arith.addi %mul3A_345, %add3A_346 : i32
        %get3A = arith.index_cast %scan3A_336 : i32 to index
        %get3A_348 = arith.index_cast %add3A_347 : i32 to index
        %get3A_349 = tpu.vector_load %arg8[%get3A, %get3A_348] {strides = array<i32>} : memref<8x1024xf32, #tpu.memory_space<vmem>>, vector<1x16xf32>,
        %get3A_350 = vector.shape_cast %get3A_349 : vector<1x16xf32> to vector<16xf32>
        %swap3A = arith.constant 0 : i32
        %swap3A_351 = arith.index_cast %swap3A : i32 to index
        %swap3A_352 = arith.index_cast %scan3A_336 : i32 to index
        %swap3A_353 = arith.index_cast %add3A_347 : i32 to index
        %swap3A_354 = tpu.vector_load %arg5[%swap3A_351, %swap3A_352, %swap3A_353] {strides = array<i32>} : memref<4x8x1024xf32, #tpu.memory_space<vmem>>, vector<1x1x16xf32>,
        %swap3A_355 = vector.shape_cast %swap3A_354 : vector<1x1x16xf32> to vector<16xf32>
        %swap3A_356 = vector.shape_cast %get3A_350 : vector<16xf32> to vector<1x1x16xf32>
        tpu.vector_store %arg5[%swap3A_351, %swap3A_352, %swap3A_353], %swap3A_356 {add = true, strides = array<i32>} : memref<4x8x1024xf32, #tpu.memory_space<vmem>>, vector<1x1x16xf32>,
        %swap3A_357 = arith.constant 1 : i32
        %swap3A_358 = arith.index_cast %swap3A_357 : i32 to index
        %swap3A_359 = arith.index_cast %scan3A_336 : i32 to index
        %swap3A_360 = arith.index_cast %add3A_347 : i32 to index
        %swap3A_361 = tpu.vector_load %arg5[%swap3A_358, %swap3A_359, %swap3A_360] {strides = array<i32>} : memref<4x8x1024xf32, #tpu.memory_space<vmem>>, vector<1x1x16xf32>,
        %swap3A_362 = vector.shape_cast %swap3A_361 : vector<1x1x16xf32> to vector<16xf32>
        %swap3A_363 = vector.shape_cast %get3A_350 : vector<16xf32> to vector<1x1x16xf32>
        tpu.vector_store %arg5[%swap3A_358, %swap3A_359, %swap3A_360], %swap3A_363 {add = true, strides = array<i32>} : memref<4x8x1024xf32, #tpu.memory_space<vmem>>, vector<1x1x16xf32>,
        %swap3A_364 = arith.constant 2 : i32
        %swap3A_365 = arith.index_cast %swap3A_364 : i32 to index
        %swap3A_366 = arith.index_cast %scan3A_336 : i32 to index
        %swap3A_367 = arith.index_cast %add3A_347 : i32 to index
        %swap3A_368 = tpu.vector_load %arg5[%swap3A_365, %swap3A_366, %swap3A_367] {strides = array<i32>} : memref<4x8x1024xf32, #tpu.memory_space<vmem>>, vector<1x1x16xf32>,
        %swap3A_369 = vector.shape_cast %swap3A_368 : vector<1x1x16xf32> to vector<16xf32>
        %swap3A_370 = vector.shape_cast %get3A_350 : vector<16xf32> to vector<1x1x16xf32>
        tpu.vector_store %arg5[%swap3A_365, %swap3A_366, %swap3A_367], %swap3A_370 {add = true, strides = array<i32>} : memref<4x8x1024xf32, #tpu.memory_space<vmem>>, vector<1x1x16xf32>,
        %swap3A_371 = arith.constant 3 : i32
        %swap3A_372 = arith.index_cast %swap3A_371 : i32 to index
        %swap3A_373 = arith.index_cast %scan3A_336 : i32 to index
        %swap3A_374 = arith.index_cast %add3A_347 : i32 to index
        %swap3A_375 = tpu.vector_load %arg5[%swap3A_372, %swap3A_373, %swap3A_374] {strides = array<i32>} : memref<4x8x1024xf32, #tpu.memory_space<vmem>>, vector<1x1x16xf32>,
        %swap3A_376 = vector.shape_cast %swap3A_375 : vector<1x1x16xf32> to vector<16xf32>
        %swap3A_377 = vector.shape_cast %get3A_350 : vector<16xf32> to vector<1x1x16xf32>
        tpu.vector_store %arg5[%swap3A_372, %swap3A_373, %swap3A_374], %swap3A_377 {add = true, strides = array<i32>} : memref<4x8x1024xf32, #tpu.memory_space<vmem>>, vector<1x1x16xf32>,
        %add3A_378 = arith.constant 16 : i32
        %add3A_379 = arith.addi %mul3A_345, %add3A_378 : i32
        %get3A_380 = arith.index_cast %scan3A_336 : i32 to index
        %get3A_381 = arith.index_cast %add3A_379 : i32 to index
        %get3A_382 = tpu.vector_load %arg8[%get3A_380, %get3A_381] {strides = array<i32>} : memref<8x1024xf32, #tpu.memory_space<vmem>>, vector<1x16xf32>,
        %get3A_383 = vector.shape_cast %get3A_382 : vector<1x16xf32> to vector<16xf32>
        %swap3A_384 = arith.constant 0 : i32
        %swap3A_385 = arith.index_cast %swap3A_384 : i32 to index
        %swap3A_386 = arith.index_cast %scan3A_336 : i32 to index
        %swap3A_387 = arith.index_cast %add3A_379 : i32 to index
        %swap3A_388 = tpu.vector_load %arg5[%swap3A_385, %swap3A_386, %swap3A_387] {strides = array<i32>} : memref<4x8x1024xf32, #tpu.memory_space<vmem>>, vector<1x1x16xf32>,
        %swap3A_389 = vector.shape_cast %swap3A_388 : vector<1x1x16xf32> to vector<16xf32>
        %swap3A_390 = vector.shape_cast %get3A_383 : vector<16xf32> to vector<1x1x16xf32>
        tpu.vector_store %arg5[%swap3A_385, %swap3A_386, %swap3A_387], %swap3A_390 {add = true, strides = array<i32>} : memref<4x8x1024xf32, #tpu.memory_space<vmem>>, vector<1x1x16xf32>,
        %swap3A_391 = arith.constant 1 : i32
        %swap3A_392 = arith.index_cast %swap3A_391 : i32 to index
        %swap3A_393 = arith.index_cast %scan3A_336 : i32 to index
        %swap3A_394 = arith.index_cast %add3A_379 : i32 to index
        %swap3A_395 = tpu.vector_load %arg5[%swap3A_392, %swap3A_393, %swap3A_394] {strides = array<i32>} : memref<4x8x1024xf32, #tpu.memory_space<vmem>>, vector<1x1x16xf32>,
        %swap3A_396 = vector.shape_cast %swap3A_395 : vector<1x1x16xf32> to vector<16xf32>
        %swap3A_397 = vector.shape_cast %get3A_383 : vector<16xf32> to vector<1x1x16xf32>
        tpu.vector_store %arg5[%swap3A_392, %swap3A_393, %swap3A_394], %swap3A_397 {add = true, strides = array<i32>} : memref<4x8x1024xf32, #tpu.memory_space<vmem>>, vector<1x1x16xf32>,
        %swap3A_398 = arith.constant 2 : i32
        %swap3A_399 = arith.index_cast %swap3A_398 : i32 to index
        %swap3A_400 = arith.index_cast %scan3A_336 : i32 to index
        %swap3A_401 = arith.index_cast %add3A_379 : i32 to index
        %swap3A_402 = tpu.vector_load %arg5[%swap3A_399, %swap3A_400, %swap3A_401] {strides = array<i32>} : memref<4x8x1024xf32, #tpu.memory_space<vmem>>, vector<1x1x16xf32>,
        %swap3A_403 = vector.shape_cast %swap3A_402 : vector<1x1x16xf32> to vector<16xf32>
        %swap3A_404 = vector.shape_cast %get3A_383 : vector<16xf32> to vector<1x1x16xf32>
        tpu.vector_store %arg5[%swap3A_399, %swap3A_400, %swap3A_401], %swap3A_404 {add = true, strides = array<i32>} : memref<4x8x1024xf32, #tpu.memory_space<vmem>>, vector<1x1x16xf32>,
        %swap3A_405 = arith.constant 3 : i32
        %swap3A_406 = arith.index_cast %swap3A_405 : i32 to index
        %swap3A_407 = arith.index_cast %scan3A_336 : i32 to index
        %swap3A_408 = arith.index_cast %add3A_379 : i32 to index
        %swap3A_409 = tpu.vector_load %arg5[%swap3A_406, %swap3A_407, %swap3A_408] {strides = array<i32>} : memref<4x8x1024xf32, #tpu.memory_space<vmem>>, vector<1x1x16xf32>,
        %swap3A_410 = vector.shape_cast %swap3A_409 : vector<1x1x16xf32> to vector<16xf32>
        %swap3A_411 = vector.shape_cast %get3A_383 : vector<16xf32> to vector<1x1x16xf32>
        tpu.vector_store %arg5[%swap3A_406, %swap3A_407, %swap3A_408], %swap3A_411 {add = true, strides = array<i32>} : memref<4x8x1024xf32, #tpu.memory_space<vmem>>, vector<1x1x16xf32>,
        %add3A_412 = arith.constant 32 : i32
        %add3A_413 = arith.addi %mul3A_345, %add3A_412 : i32
        %get3A_414 = arith.index_cast %scan3A_336 : i32 to index
        %get3A_415 = arith.index_cast %add3A_413 : i32 to index
        %get3A_416 = tpu.vector_load %arg8[%get3A_414, %get3A_415] {strides = array<i32>} : memref<8x1024xf32, #tpu.memory_space<vmem>>, vector<1x16xf32>,
        %get3A_417 = vector.shape_cast %get3A_416 : vector<1x16xf32> to vector<16xf32>
        %swap3A_418 = arith.constant 0 : i32
        %swap3A_419 = arith.index_cast %swap3A_418 : i32 to index
        %swap3A_420 = arith.index_cast %scan3A_336 : i32 to index
        %swap3A_421 = arith.index_cast %add3A_413 : i32 to index
        %swap3A_422 = tpu.vector_load %arg5[%swap3A_419, %swap3A_420, %swap3A_421] {strides = array<i32>} : memref<4x8x1024xf32, #tpu.memory_space<vmem>>, vector<1x1x16xf32>,
        %swap3A_423 = vector.shape_cast %swap3A_422 : vector<1x1x16xf32> to vector<16xf32>
        %swap3A_424 = vector.shape_cast %get3A_417 : vector<16xf32> to vector<1x1x16xf32>
        tpu.vector_store %arg5[%swap3A_419, %swap3A_420, %swap3A_421], %swap3A_424 {add = true, strides = array<i32>} : memref<4x8x1024xf32, #tpu.memory_space<vmem>>, vector<1x1x16xf32>,
        %swap3A_425 = arith.constant 1 : i32
        %swap3A_426 = arith.index_cast %swap3A_425 : i32 to index
        %swap3A_427 = arith.index_cast %scan3A_336 : i32 to index
        %swap3A_428 = arith.index_cast %add3A_413 : i32 to index
        %swap3A_429 = tpu.vector_load %arg5[%swap3A_426, %swap3A_427, %swap3A_428] {strides = array<i32>} : memref<4x8x1024xf32, #tpu.memory_space<vmem>>, vector<1x1x16xf32>,
        %swap3A_430 = vector.shape_cast %swap3A_429 : vector<1x1x16xf32> to vector<16xf32>
        %swap3A_431 = vector.shape_cast %get3A_417 : vector<16xf32> to vector<1x1x16xf32>
        tpu.vector_store %arg5[%swap3A_426, %swap3A_427, %swap3A_428], %swap3A_431 {add = true, strides = array<i32>} : memref<4x8x1024xf32, #tpu.memory_space<vmem>>, vector<1x1x16xf32>,
        %swap3A_432 = arith.constant 2 : i32
        %swap3A_433 = arith.index_cast %swap3A_432 : i32 to index
        %swap3A_434 = arith.index_cast %scan3A_336 : i32 to index
        %swap3A_435 = arith.index_cast %add3A_413 : i32 to index
        %swap3A_436 = tpu.vector_load %arg5[%swap3A_433, %swap3A_434, %swap3A_435] {strides = array<i32>} : memref<4x8x1024xf32, #tpu.memory_space<vmem>>, vector<1x1x16xf32>,
        %swap3A_437 = vector.shape_cast %swap3A_436 : vector<1x1x16xf32> to vector<16xf32>
        %swap3A_438 = vector.shape_cast %get3A_417 : vector<16xf32> to vector<1x1x16xf32>
        tpu.vector_store %arg5[%swap3A_433, %swap3A_434, %swap3A_435], %swap3A_438 {add = true, strides = array<i32>} : memref<4x8x1024xf32, #tpu.memory_space<vmem>>, vector<1x1x16xf32>,
        %swap3A_439 = arith.constant 3 : i32
        %swap3A_440 = arith.index_cast %swap3A_439 : i32 to index
        %swap3A_441 = arith.index_cast %scan3A_336 : i32 to index
        %swap3A_442 = arith.index_cast %add3A_413 : i32 to index
        %swap3A_443 = tpu.vector_load %arg5[%swap3A_440, %swap3A_441, %swap3A_442] {strides = array<i32>} : memref<4x8x1024xf32, #tpu.memory_space<vmem>>, vector<1x1x16xf32>,
        %swap3A_444 = vector.shape_cast %swap3A_443 : vector<1x1x16xf32> to vector<16xf32>
        %swap3A_445 = vector.shape_cast %get3A_417 : vector<16xf32> to vector<1x1x16xf32>
        tpu.vector_store %arg5[%swap3A_440, %swap3A_441, %swap3A_442], %swap3A_445 {add = true, strides = array<i32>} : memref<4x8x1024xf32, #tpu.memory_space<vmem>>, vector<1x1x16xf32>,
        %add3A_446 = arith.constant 48 : i32
        %add3A_447 = arith.addi %mul3A_345, %add3A_446 : i32
        %get3A_448 = arith.index_cast %scan3A_336 : i32 to index
        %get3A_449 = arith.index_cast %add3A_447 : i32 to index
        %get3A_450 = tpu.vector_load %arg8[%get3A_448, %get3A_449] {strides = array<i32>} : memref<8x1024xf32, #tpu.memory_space<vmem>>, vector<1x16xf32>,
        %get3A_451 = vector.shape_cast %get3A_450 : vector<1x16xf32> to vector<16xf32>
        %swap3A_452 = arith.constant 0 : i32
        %swap3A_453 = arith.index_cast %swap3A_452 : i32 to index
        %swap3A_454 = arith.index_cast %scan3A_336 : i32 to index
        %swap3A_455 = arith.index_cast %add3A_447 : i32 to index
        %swap3A_456 = tpu.vector_load %arg5[%swap3A_453, %swap3A_454, %swap3A_455] {strides = array<i32>} : memref<4x8x1024xf32, #tpu.memory_space<vmem>>, vector<1x1x16xf32>,
        %swap3A_457 = vector.shape_cast %swap3A_456 : vector<1x1x16xf32> to vector<16xf32>
        %swap3A_458 = vector.shape_cast %get3A_451 : vector<16xf32> to vector<1x1x16xf32>
        tpu.vector_store %arg5[%swap3A_453, %swap3A_454, %swap3A_455], %swap3A_458 {add = true, strides = array<i32>} : memref<4x8x1024xf32, #tpu.memory_space<vmem>>, vector<1x1x16xf32>,
        %swap3A_459 = arith.constant 1 : i32
        %swap3A_460 = arith.index_cast %swap3A_459 : i32 to index
        %swap3A_461 = arith.index_cast %scan3A_336 : i32 to index
        %swap3A_462 = arith.index_cast %add3A_447 : i32 to index
        %swap3A_463 = tpu.vector_load %arg5[%swap3A_460, %swap3A_461, %swap3A_462] {strides = array<i32>} : memref<4x8x1024xf32, #tpu.memory_space<vmem>>, vector<1x1x16xf32>,
        %swap3A_464 = vector.shape_cast %swap3A_463 : vector<1x1x16xf32> to vector<16xf32>
        %swap3A_465 = vector.shape_cast %get3A_451 : vector<16xf32> to vector<1x1x16xf32>
        tpu.vector_store %arg5[%swap3A_460, %swap3A_461, %swap3A_462], %swap3A_465 {add = true, strides = array<i32>} : memref<4x8x1024xf32, #tpu.memory_space<vmem>>, vector<1x1x16xf32>,
        %swap3A_466 = arith.constant 2 : i32
        %swap3A_467 = arith.index_cast %swap3A_466 : i32 to index
        %swap3A_468 = arith.index_cast %scan3A_336 : i32 to index
        %swap3A_469 = arith.index_cast %add3A_447 : i32 to index
        %swap3A_470 = tpu.vector_load %arg5[%swap3A_467, %swap3A_468, %swap3A_469] {strides = array<i32>} : memref<4x8x1024xf32, #tpu.memory_space<vmem>>, vector<1x1x16xf32>,
        %swap3A_471 = vector.shape_cast %swap3A_470 : vector<1x1x16xf32> to vector<16xf32>
        %swap3A_472 = vector.shape_cast %get3A_451 : vector<16xf32> to vector<1x1x16xf32>
        tpu.vector_store %arg5[%swap3A_467, %swap3A_468, %swap3A_469], %swap3A_472 {add = true, strides = array<i32>} : memref<4x8x1024xf32, #tpu.memory_space<vmem>>, vector<1x1x16xf32>,
        %swap3A_473 = arith.constant 3 : i32
        %swap3A_474 = arith.index_cast %swap3A_473 : i32 to index
        %swap3A_475 = arith.index_cast %scan3A_336 : i32 to index
        %swap3A_476 = arith.index_cast %add3A_447 : i32 to index
        %swap3A_477 = tpu.vector_load %arg5[%swap3A_474, %swap3A_475, %swap3A_476] {strides = array<i32>} : memref<4x8x1024xf32, #tpu.memory_space<vmem>>, vector<1x1x16xf32>,
        %swap3A_478 = vector.shape_cast %swap3A_477 : vector<1x1x16xf32> to vector<16xf32>
        %swap3A_479 = vector.shape_cast %get3A_451 : vector<16xf32> to vector<1x1x16xf32>
        tpu.vector_store %arg5[%swap3A_474, %swap3A_475, %swap3A_476], %swap3A_479 {add = true, strides = array<i32>} : memref<4x8x1024xf32, #tpu.memory_space<vmem>>, vector<1x1x16xf32>,
      }
      %scan3A_342 = arith.constant 16 : i32
    }
    %scan3A_51 = arith.constant 8 : i32
    %add3A_52 = arith.constant 0 : i32
    %add3A_53 = arith.addi %mul3A_2, %add3A_52 : i32
    %dma_start3A_54 = arith.constant 0 : i32
    %dma_start3A_55 = arith.constant 0 : i32
    %dma_start3A_56 = tpu.memref_slice %arg4[%dma_start3A_54, %add3A_53, %dma_start3A_55] : memref<4x2048x1024xf32, #tpu.memory_space<hbm>> -> memref<4x8x1024xf32, #tpu.memory_space<hbm>>
    %dma_start3A_57 = arith.constant 0 : i32
    %dma_start3A_58 = arith.constant 0 : i32
    %dma_start3A_59 = tpu.memref_slice %arg4[%dma_start3A_57, %add3A_53, %dma_start3A_58] : memref<4x2048x1024xf32, #tpu.memory_space<hbm>> -> memref<4x8x1024xf32, #tpu.memory_space<hbm>>
    tpu.enqueue_dma source(%arg5 : memref<4x8x1024xf32, #tpu.memory_space<vmem>>) target(%dma_start3A_59 : memref<4x8x1024xf32, #tpu.memory_space<hbm>>) target_semaphore(%arg14 : memref<!tpu.dma_semaphore, #tpu.memory_space<semaphore_mem>>)
    %dma_wait3A_60 = arith.constant 0 : i32
    %dma_wait3A_61 = tpu.memref_slice %arg3[%add3A_15, %dma_wait3A_60] : memref<2048x1024xf32, #tpu.memory_space<hbm>> -> memref<8x1024xf32, #tpu.memory_space<hbm>>
    %dma_wait3A_62 = arith.constant 0 : i32
    %dma_wait3A_63 = tpu.memref_slice %arg3[%add3A_15, %dma_wait3A_62] : memref<2048x1024xf32, #tpu.memory_space<hbm>> -> memref<8x1024xf32, #tpu.memory_space<hbm>>
    tpu.wait_dma2 semaphore(%arg12 : memref<!tpu.dma_semaphore, #tpu.memory_space<semaphore_mem>>) src(%dma_wait3A_63 : memref<8x1024xf32, #tpu.memory_space<hbm>>) dst(%arg9 : memref<8x1024xf32, #tpu.memory_space<vmem>>)
    %dma_wait3A_64 = arith.constant 0 : i32
    %dma_wait3A_65 = arith.constant 0 : i32
    %dma_wait3A_66 = tpu.memref_slice %arg2[%dma_wait3A_64, %add3A_15, %dma_wait3A_65] : memref<4x2048x1024xf32, #tpu.memory_space<hbm>> -> memref<4x8x1024xf32, #tpu.memory_space<hbm>>
    %dma_wait3A_67 = arith.constant 0 : i32
    %dma_wait3A_68 = arith.constant 0 : i32
    %dma_wait3A_69 = tpu.memref_slice %arg2[%dma_wait3A_67, %add3A_15, %dma_wait3A_68] : memref<4x2048x1024xf32, #tpu.memory_space<hbm>> -> memref<4x8x1024xf32, #tpu.memory_space<hbm>>
    tpu.wait_dma2 semaphore(%arg12 : memref<!tpu.dma_semaphore, #tpu.memory_space<semaphore_mem>>) src(%dma_wait3A_69 : memref<4x8x1024xf32, #tpu.memory_space<hbm>>) dst(%arg6 : memref<4x8x1024xf32, #tpu.memory_space<vmem>>)
    %scan3A_70 = arith.constant 0 : i32
    %scan3A_71 = arith.constant 0 : i32
    %scan3A_72 = arith.constant 8 : i32
    %scan3A_73 = arith.addi %scan3A_71, %scan3A_72 : i32
    %scan3A_74 = arith.constant 1 : i32
    scf.for %scan3A_336 = %scan3A_71 to %scan3A_73 step %scan3A_74  : i32 {
      %scan3A_337 = arith.constant 0 : i32
      %scan3A_338 = arith.constant 0 : i32
      %scan3A_339 = arith.constant 16 : i32
      %scan3A_340 = arith.addi %scan3A_338, %scan3A_339 : i32
      %scan3A_341 = arith.constant 1 : i32
      scf.for %scan3A_343 = %scan3A_338 to %scan3A_340 step %scan3A_341  : i32 {
        %mul3A_344 = arith.constant 64 : i32
        %mul3A_345 = arith.muli %scan3A_343, %mul3A_344 : i32
        %add3A_346 = arith.constant 0 : i32
        %add3A_347 = arith.addi %mul3A_345, %add3A_346 : i32
        %get3A = arith.index_cast %scan3A_336 : i32 to index
        %get3A_348 = arith.index_cast %add3A_347 : i32 to index
        %get3A_349 = tpu.vector_load %arg9[%get3A, %get3A_348] {strides = array<i32>} : memref<8x1024xf32, #tpu.memory_space<vmem>>, vector<1x16xf32>,
        %get3A_350 = vector.shape_cast %get3A_349 : vector<1x16xf32> to vector<16xf32>
        %swap3A = arith.constant 0 : i32
        %swap3A_351 = arith.index_cast %swap3A : i32 to index
        %swap3A_352 = arith.index_cast %scan3A_336 : i32 to index
        %swap3A_353 = arith.index_cast %add3A_347 : i32 to index
        %swap3A_354 = tpu.vector_load %arg6[%swap3A_351, %swap3A_352, %swap3A_353] {strides = array<i32>} : memref<4x8x1024xf32, #tpu.memory_space<vmem>>, vector<1x1x16xf32>,
        %swap3A_355 = vector.shape_cast %swap3A_354 : vector<1x1x16xf32> to vector<16xf32>
        %swap3A_356 = vector.shape_cast %get3A_350 : vector<16xf32> to vector<1x1x16xf32>
        tpu.vector_store %arg6[%swap3A_351, %swap3A_352, %swap3A_353], %swap3A_356 {add = true, strides = array<i32>} : memref<4x8x1024xf32, #tpu.memory_space<vmem>>, vector<1x1x16xf32>,
        %swap3A_357 = arith.constant 1 : i32
        %swap3A_358 = arith.index_cast %swap3A_357 : i32 to index
        %swap3A_359 = arith.index_cast %scan3A_336 : i32 to index
        %swap3A_360 = arith.index_cast %add3A_347 : i32 to index
        %swap3A_361 = tpu.vector_load %arg6[%swap3A_358, %swap3A_359, %swap3A_360] {strides = array<i32>} : memref<4x8x1024xf32, #tpu.memory_space<vmem>>, vector<1x1x16xf32>,
        %swap3A_362 = vector.shape_cast %swap3A_361 : vector<1x1x16xf32> to vector<16xf32>
        %swap3A_363 = vector.shape_cast %get3A_350 : vector<16xf32> to vector<1x1x16xf32>
        tpu.vector_store %arg6[%swap3A_358, %swap3A_359, %swap3A_360], %swap3A_363 {add = true, strides = array<i32>} : memref<4x8x1024xf32, #tpu.memory_space<vmem>>, vector<1x1x16xf32>,
        %swap3A_364 = arith.constant 2 : i32
        %swap3A_365 = arith.index_cast %swap3A_364 : i32 to index
        %swap3A_366 = arith.index_cast %scan3A_336 : i32 to index
        %swap3A_367 = arith.index_cast %add3A_347 : i32 to index
        %swap3A_368 = tpu.vector_load %arg6[%swap3A_365, %swap3A_366, %swap3A_367] {strides = array<i32>} : memref<4x8x1024xf32, #tpu.memory_space<vmem>>, vector<1x1x16xf32>,
        %swap3A_369 = vector.shape_cast %swap3A_368 : vector<1x1x16xf32> to vector<16xf32>
        %swap3A_370 = vector.shape_cast %get3A_350 : vector<16xf32> to vector<1x1x16xf32>
        tpu.vector_store %arg6[%swap3A_365, %swap3A_366, %swap3A_367], %swap3A_370 {add = true, strides = array<i32>} : memref<4x8x1024xf32, #tpu.memory_space<vmem>>, vector<1x1x16xf32>,
        %swap3A_371 = arith.constant 3 : i32
        %swap3A_372 = arith.index_cast %swap3A_371 : i32 to index
        %swap3A_373 = arith.index_cast %scan3A_336 : i32 to index
        %swap3A_374 = arith.index_cast %add3A_347 : i32 to index
        %swap3A_375 = tpu.vector_load %arg6[%swap3A_372, %swap3A_373, %swap3A_374] {strides = array<i32>} : memref<4x8x1024xf32, #tpu.memory_space<vmem>>, vector<1x1x16xf32>,
        %swap3A_376 = vector.shape_cast %swap3A_375 : vector<1x1x16xf32> to vector<16xf32>
        %swap3A_377 = vector.shape_cast %get3A_350 : vector<16xf32> to vector<1x1x16xf32>
        tpu.vector_store %arg6[%swap3A_372, %swap3A_373, %swap3A_374], %swap3A_377 {add = true, strides = array<i32>} : memref<4x8x1024xf32, #tpu.memory_space<vmem>>, vector<1x1x16xf32>,
        %add3A_378 = arith.constant 16 : i32
        %add3A_379 = arith.addi %mul3A_345, %add3A_378 : i32
        %get3A_380 = arith.index_cast %scan3A_336 : i32 to index
        %get3A_381 = arith.index_cast %add3A_379 : i32 to index
        %get3A_382 = tpu.vector_load %arg9[%get3A_380, %get3A_381] {strides = array<i32>} : memref<8x1024xf32, #tpu.memory_space<vmem>>, vector<1x16xf32>,
        %get3A_383 = vector.shape_cast %get3A_382 : vector<1x16xf32> to vector<16xf32>
        %swap3A_384 = arith.constant 0 : i32
        %swap3A_385 = arith.index_cast %swap3A_384 : i32 to index
        %swap3A_386 = arith.index_cast %scan3A_336 : i32 to index
        %swap3A_387 = arith.index_cast %add3A_379 : i32 to index
        %swap3A_388 = tpu.vector_load %arg6[%swap3A_385, %swap3A_386, %swap3A_387] {strides = array<i32>} : memref<4x8x1024xf32, #tpu.memory_space<vmem>>, vector<1x1x16xf32>,
        %swap3A_389 = vector.shape_cast %swap3A_388 : vector<1x1x16xf32> to vector<16xf32>
        %swap3A_390 = vector.shape_cast %get3A_383 : vector<16xf32> to vector<1x1x16xf32>
        tpu.vector_store %arg6[%swap3A_385, %swap3A_386, %swap3A_387], %swap3A_390 {add = true, strides = array<i32>} : memref<4x8x1024xf32, #tpu.memory_space<vmem>>, vector<1x1x16xf32>,
        %swap3A_391 = arith.constant 1 : i32
        %swap3A_392 = arith.index_cast %swap3A_391 : i32 to index
        %swap3A_393 = arith.index_cast %scan3A_336 : i32 to index
        %swap3A_394 = arith.index_cast %add3A_379 : i32 to index
        %swap3A_395 = tpu.vector_load %arg6[%swap3A_392, %swap3A_393, %swap3A_394] {strides = array<i32>} : memref<4x8x1024xf32, #tpu.memory_space<vmem>>, vector<1x1x16xf32>,
        %swap3A_396 = vector.shape_cast %swap3A_395 : vector<1x1x16xf32> to vector<16xf32>
        %swap3A_397 = vector.shape_cast %get3A_383 : vector<16xf32> to vector<1x1x16xf32>
        tpu.vector_store %arg6[%swap3A_392, %swap3A_393, %swap3A_394], %swap3A_397 {add = true, strides = array<i32>} : memref<4x8x1024xf32, #tpu.memory_space<vmem>>, vector<1x1x16xf32>,
        %swap3A_398 = arith.constant 2 : i32
        %swap3A_399 = arith.index_cast %swap3A_398 : i32 to index
        %swap3A_400 = arith.index_cast %scan3A_336 : i32 to index
        %swap3A_401 = arith.index_cast %add3A_379 : i32 to index
        %swap3A_402 = tpu.vector_load %arg6[%swap3A_399, %swap3A_400, %swap3A_401] {strides = array<i32>} : memref<4x8x1024xf32, #tpu.memory_space<vmem>>, vector<1x1x16xf32>,
        %swap3A_403 = vector.shape_cast %swap3A_402 : vector<1x1x16xf32> to vector<16xf32>
        %swap3A_404 = vector.shape_cast %get3A_383 : vector<16xf32> to vector<1x1x16xf32>
        tpu.vector_store %arg6[%swap3A_399, %swap3A_400, %swap3A_401], %swap3A_404 {add = true, strides = array<i32>} : memref<4x8x1024xf32, #tpu.memory_space<vmem>>, vector<1x1x16xf32>,
        %swap3A_405 = arith.constant 3 : i32
        %swap3A_406 = arith.index_cast %swap3A_405 : i32 to index
        %swap3A_407 = arith.index_cast %scan3A_336 : i32 to index
        %swap3A_408 = arith.index_cast %add3A_379 : i32 to index
        %swap3A_409 = tpu.vector_load %arg6[%swap3A_406, %swap3A_407, %swap3A_408] {strides = array<i32>} : memref<4x8x1024xf32, #tpu.memory_space<vmem>>, vector<1x1x16xf32>,
        %swap3A_410 = vector.shape_cast %swap3A_409 : vector<1x1x16xf32> to vector<16xf32>
        %swap3A_411 = vector.shape_cast %get3A_383 : vector<16xf32> to vector<1x1x16xf32>
        tpu.vector_store %arg6[%swap3A_406, %swap3A_407, %swap3A_408], %swap3A_411 {add = true, strides = array<i32>} : memref<4x8x1024xf32, #tpu.memory_space<vmem>>, vector<1x1x16xf32>,
        %add3A_412 = arith.constant 32 : i32
        %add3A_413 = arith.addi %mul3A_345, %add3A_412 : i32
        %get3A_414 = arith.index_cast %scan3A_336 : i32 to index
        %get3A_415 = arith.index_cast %add3A_413 : i32 to index
        %get3A_416 = tpu.vector_load %arg9[%get3A_414, %get3A_415] {strides = array<i32>} : memref<8x1024xf32, #tpu.memory_space<vmem>>, vector<1x16xf32>,
        %get3A_417 = vector.shape_cast %get3A_416 : vector<1x16xf32> to vector<16xf32>
        %swap3A_418 = arith.constant 0 : i32
        %swap3A_419 = arith.index_cast %swap3A_418 : i32 to index
        %swap3A_420 = arith.index_cast %scan3A_336 : i32 to index
        %swap3A_421 = arith.index_cast %add3A_413 : i32 to index
        %swap3A_422 = tpu.vector_load %arg6[%swap3A_419, %swap3A_420, %swap3A_421] {strides = array<i32>} : memref<4x8x1024xf32, #tpu.memory_space<vmem>>, vector<1x1x16xf32>,
        %swap3A_423 = vector.shape_cast %swap3A_422 : vector<1x1x16xf32> to vector<16xf32>
        %swap3A_424 = vector.shape_cast %get3A_417 : vector<16xf32> to vector<1x1x16xf32>
        tpu.vector_store %arg6[%swap3A_419, %swap3A_420, %swap3A_421], %swap3A_424 {add = true, strides = array<i32>} : memref<4x8x1024xf32, #tpu.memory_space<vmem>>, vector<1x1x16xf32>,
        %swap3A_425 = arith.constant 1 : i32
        %swap3A_426 = arith.index_cast %swap3A_425 : i32 to index
        %swap3A_427 = arith.index_cast %scan3A_336 : i32 to index
        %swap3A_428 = arith.index_cast %add3A_413 : i32 to index
        %swap3A_429 = tpu.vector_load %arg6[%swap3A_426, %swap3A_427, %swap3A_428] {strides = array<i32>} : memref<4x8x1024xf32, #tpu.memory_space<vmem>>, vector<1x1x16xf32>,
        %swap3A_430 = vector.shape_cast %swap3A_429 : vector<1x1x16xf32> to vector<16xf32>
        %swap3A_431 = vector.shape_cast %get3A_417 : vector<16xf32> to vector<1x1x16xf32>
        tpu.vector_store %arg6[%swap3A_426, %swap3A_427, %swap3A_428], %swap3A_431 {add = true, strides = array<i32>} : memref<4x8x1024xf32, #tpu.memory_space<vmem>>, vector<1x1x16xf32>,
        %swap3A_432 = arith.constant 2 : i32
        %swap3A_433 = arith.index_cast %swap3A_432 : i32 to index
        %swap3A_434 = arith.index_cast %scan3A_336 : i32 to index
        %swap3A_435 = arith.index_cast %add3A_413 : i32 to index
        %swap3A_436 = tpu.vector_load %arg6[%swap3A_433, %swap3A_434, %swap3A_435] {strides = array<i32>} : memref<4x8x1024xf32, #tpu.memory_space<vmem>>, vector<1x1x16xf32>,
        %swap3A_437 = vector.shape_cast %swap3A_436 : vector<1x1x16xf32> to vector<16xf32>
        %swap3A_438 = vector.shape_cast %get3A_417 : vector<16xf32> to vector<1x1x16xf32>
        tpu.vector_store %arg6[%swap3A_433, %swap3A_434, %swap3A_435], %swap3A_438 {add = true, strides = array<i32>} : memref<4x8x1024xf32, #tpu.memory_space<vmem>>, vector<1x1x16xf32>,
        %swap3A_439 = arith.constant 3 : i32
        %swap3A_440 = arith.index_cast %swap3A_439 : i32 to index
        %swap3A_441 = arith.index_cast %scan3A_336 : i32 to index
        %swap3A_442 = arith.index_cast %add3A_413 : i32 to index
        %swap3A_443 = tpu.vector_load %arg6[%swap3A_440, %swap3A_441, %swap3A_442] {strides = array<i32>} : memref<4x8x1024xf32, #tpu.memory_space<vmem>>, vector<1x1x16xf32>,
        %swap3A_444 = vector.shape_cast %swap3A_443 : vector<1x1x16xf32> to vector<16xf32>
        %swap3A_445 = vector.shape_cast %get3A_417 : vector<16xf32> to vector<1x1x16xf32>
        tpu.vector_store %arg6[%swap3A_440, %swap3A_441, %swap3A_442], %swap3A_445 {add = true, strides = array<i32>} : memref<4x8x1024xf32, #tpu.memory_space<vmem>>, vector<1x1x16xf32>,
        %add3A_446 = arith.constant 48 : i32
        %add3A_447 = arith.addi %mul3A_345, %add3A_446 : i32
        %get3A_448 = arith.index_cast %scan3A_336 : i32 to index
        %get3A_449 = arith.index_cast %add3A_447 : i32 to index
        %get3A_450 = tpu.vector_load %arg9[%get3A_448, %get3A_449] {strides = array<i32>} : memref<8x1024xf32, #tpu.memory_space<vmem>>, vector<1x16xf32>,
        %get3A_451 = vector.shape_cast %get3A_450 : vector<1x16xf32> to vector<16xf32>
        %swap3A_452 = arith.constant 0 : i32
        %swap3A_453 = arith.index_cast %swap3A_452 : i32 to index
        %swap3A_454 = arith.index_cast %scan3A_336 : i32 to index
        %swap3A_455 = arith.index_cast %add3A_447 : i32 to index
        %swap3A_456 = tpu.vector_load %arg6[%swap3A_453, %swap3A_454, %swap3A_455] {strides = array<i32>} : memref<4x8x1024xf32, #tpu.memory_space<vmem>>, vector<1x1x16xf32>,
        %swap3A_457 = vector.shape_cast %swap3A_456 : vector<1x1x16xf32> to vector<16xf32>
        %swap3A_458 = vector.shape_cast %get3A_451 : vector<16xf32> to vector<1x1x16xf32>
        tpu.vector_store %arg6[%swap3A_453, %swap3A_454, %swap3A_455], %swap3A_458 {add = true, strides = array<i32>} : memref<4x8x1024xf32, #tpu.memory_space<vmem>>, vector<1x1x16xf32>,
        %swap3A_459 = arith.constant 1 : i32
        %swap3A_460 = arith.index_cast %swap3A_459 : i32 to index
        %swap3A_461 = arith.index_cast %scan3A_336 : i32 to index
        %swap3A_462 = arith.index_cast %add3A_447 : i32 to index
        %swap3A_463 = tpu.vector_load %arg6[%swap3A_460, %swap3A_461, %swap3A_462] {strides = array<i32>} : memref<4x8x1024xf32, #tpu.memory_space<vmem>>, vector<1x1x16xf32>,
        %swap3A_464 = vector.shape_cast %swap3A_463 : vector<1x1x16xf32> to vector<16xf32>
        %swap3A_465 = vector.shape_cast %get3A_451 : vector<16xf32> to vector<1x1x16xf32>
        tpu.vector_store %arg6[%swap3A_460, %swap3A_461, %swap3A_462], %swap3A_465 {add = true, strides = array<i32>} : memref<4x8x1024xf32, #tpu.memory_space<vmem>>, vector<1x1x16xf32>,
        %swap3A_466 = arith.constant 2 : i32
        %swap3A_467 = arith.index_cast %swap3A_466 : i32 to index
        %swap3A_468 = arith.index_cast %scan3A_336 : i32 to index
        %swap3A_469 = arith.index_cast %add3A_447 : i32 to index
        %swap3A_470 = tpu.vector_load %arg6[%swap3A_467, %swap3A_468, %swap3A_469] {strides = array<i32>} : memref<4x8x1024xf32, #tpu.memory_space<vmem>>, vector<1x1x16xf32>,
        %swap3A_471 = vector.shape_cast %swap3A_470 : vector<1x1x16xf32> to vector<16xf32>
        %swap3A_472 = vector.shape_cast %get3A_451 : vector<16xf32> to vector<1x1x16xf32>
        tpu.vector_store %arg6[%swap3A_467, %swap3A_468, %swap3A_469], %swap3A_472 {add = true, strides = array<i32>} : memref<4x8x1024xf32, #tpu.memory_space<vmem>>, vector<1x1x16xf32>,
        %swap3A_473 = arith.constant 3 : i32
        %swap3A_474 = arith.index_cast %swap3A_473 : i32 to index
        %swap3A_475 = arith.index_cast %scan3A_336 : i32 to index
        %swap3A_476 = arith.index_cast %add3A_447 : i32 to index
        %swap3A_477 = tpu.vector_load %arg6[%swap3A_474, %swap3A_475, %swap3A_476] {strides = array<i32>} : memref<4x8x1024xf32, #tpu.memory_space<vmem>>, vector<1x1x16xf32>,
        %swap3A_478 = vector.shape_cast %swap3A_477 : vector<1x1x16xf32> to vector<16xf32>
        %swap3A_479 = vector.shape_cast %get3A_451 : vector<16xf32> to vector<1x1x16xf32>
        tpu.vector_store %arg6[%swap3A_474, %swap3A_475, %swap3A_476], %swap3A_479 {add = true, strides = array<i32>} : memref<4x8x1024xf32, #tpu.memory_space<vmem>>, vector<1x1x16xf32>,
      }
      %scan3A_342 = arith.constant 16 : i32
    }
    %scan3A_75 = arith.constant 8 : i32
    %add3A_76 = arith.constant 8 : i32
    %add3A_77 = arith.addi %mul3A_2, %add3A_76 : i32
    %dma_start3A_78 = arith.constant 0 : i32
    %dma_start3A_79 = arith.constant 0 : i32
    %dma_start3A_80 = tpu.memref_slice %arg4[%dma_start3A_78, %add3A_77, %dma_start3A_79] : memref<4x2048x1024xf32, #tpu.memory_space<hbm>> -> memref<4x8x1024xf32, #tpu.memory_space<hbm>>
    %dma_start3A_81 = arith.constant 0 : i32
    %dma_start3A_82 = arith.constant 0 : i32
    %dma_start3A_83 = tpu.memref_slice %arg4[%dma_start3A_81, %add3A_77, %dma_start3A_82] : memref<4x2048x1024xf32, #tpu.memory_space<hbm>> -> memref<4x8x1024xf32, #tpu.memory_space<hbm>>
    tpu.enqueue_dma source(%arg6 : memref<4x8x1024xf32, #tpu.memory_space<vmem>>) target(%dma_start3A_83 : memref<4x8x1024xf32, #tpu.memory_space<hbm>>) target_semaphore(%arg15 : memref<!tpu.dma_semaphore, #tpu.memory_space<semaphore_mem>>)
    %dma_wait3A_84 = arith.constant 0 : i32
    %dma_wait3A_85 = arith.constant 0 : i32
    %dma_wait3A_86 = tpu.memref_slice %arg4[%dma_wait3A_84, %add3A_53, %dma_wait3A_85] : memref<4x2048x1024xf32, #tpu.memory_space<hbm>> -> memref<4x8x1024xf32, #tpu.memory_space<hbm>>
    %dma_wait3A_87 = arith.constant 0 : i32
    %dma_wait3A_88 = arith.constant 0 : i32
    %dma_wait3A_89 = tpu.memref_slice %arg4[%dma_wait3A_87, %add3A_53, %dma_wait3A_88] : memref<4x2048x1024xf32, #tpu.memory_space<hbm>> -> memref<4x8x1024xf32, #tpu.memory_space<hbm>>
    tpu.wait_dma2 semaphore(%arg14 : memref<!tpu.dma_semaphore, #tpu.memory_space<semaphore_mem>>) src(%arg5 : memref<4x8x1024xf32, #tpu.memory_space<vmem>>) dst(%dma_wait3A_89 : memref<4x8x1024xf32, #tpu.memory_space<hbm>>)
    %add3A_90 = arith.constant 24 : i32
    %add3A_91 = arith.addi %mul3A_2, %add3A_90 : i32
    %dma_start3A_92 = arith.constant 0 : i32
    %dma_start3A_93 = tpu.memref_slice %arg3[%add3A_91, %dma_start3A_92] : memref<2048x1024xf32, #tpu.memory_space<hbm>> -> memref<8x1024xf32, #tpu.memory_space<hbm>>
    %dma_start3A_94 = arith.constant 0 : i32
    %dma_start3A_95 = tpu.memref_slice %arg3[%add3A_91, %dma_start3A_94] : memref<2048x1024xf32, #tpu.memory_space<hbm>> -> memref<8x1024xf32, #tpu.memory_space<hbm>>
    tpu.enqueue_dma source(%dma_start3A_95 : memref<8x1024xf32, #tpu.memory_space<hbm>>) target(%arg8 : memref<8x1024xf32, #tpu.memory_space<vmem>>) target_semaphore(%arg11 : memref<!tpu.dma_semaphore, #tpu.memory_space<semaphore_mem>>)
    %dma_start3A_96 = arith.constant 0 : i32
    %dma_start3A_97 = arith.constant 0 : i32
    %dma_start3A_98 = tpu.memref_slice %arg2[%dma_start3A_96, %add3A_91, %dma_start3A_97] : memref<4x2048x1024xf32, #tpu.memory_space<hbm>> -> memref<4x8x1024xf32, #tpu.memory_space<hbm>>
    %dma_start3A_99 = arith.constant 0 : i32
    %dma_start3A_100 = arith.constant 0 : i32
    %dma_start3A_101 = tpu.memref_slice %arg2[%dma_start3A_99, %add3A_91, %dma_start3A_100] : memref<4x2048x1024xf32, #tpu.memory_space<hbm>> -> memref<4x8x1024xf32, #tpu.memory_space<hbm>>
    tpu.enqueue_dma source(%dma_start3A_101 : memref<4x8x1024xf32, #tpu.memory_space<hbm>>) target(%arg5 : memref<4x8x1024xf32, #tpu.memory_space<vmem>>) target_semaphore(%arg11 : memref<!tpu.dma_semaphore, #tpu.memory_space<semaphore_mem>>)
    %dma_wait3A_102 = arith.constant 0 : i32
    %dma_wait3A_103 = tpu.memref_slice %arg3[%add3A_27, %dma_wait3A_102] : memref<2048x1024xf32, #tpu.memory_space<hbm>> -> memref<8x1024xf32, #tpu.memory_space<hbm>>
    %dma_wait3A_104 = arith.constant 0 : i32
    %dma_wait3A_105 = tpu.memref_slice %arg3[%add3A_27, %dma_wait3A_104] : memref<2048x1024xf32, #tpu.memory_space<hbm>> -> memref<8x1024xf32, #tpu.memory_space<hbm>>
    tpu.wait_dma2 semaphore(%arg13 : memref<!tpu.dma_semaphore, #tpu.memory_space<semaphore_mem>>) src(%dma_wait3A_105 : memref<8x1024xf32, #tpu.memory_space<hbm>>) dst(%arg10 : memref<8x1024xf32, #tpu.memory_space<vmem>>)
    %dma_wait3A_106 = arith.constant 0 : i32
    %dma_wait3A_107 = arith.constant 0 : i32
    %dma_wait3A_108 = tpu.memref_slice %arg2[%dma_wait3A_106, %add3A_27, %dma_wait3A_107] : memref<4x2048x1024xf32, #tpu.memory_space<hbm>> -> memref<4x8x1024xf32, #tpu.memory_space<hbm>>
    %dma_wait3A_109 = arith.constant 0 : i32
    %dma_wait3A_110 = arith.constant 0 : i32
    %dma_wait3A_111 = tpu.memref_slice %arg2[%dma_wait3A_109, %add3A_27, %dma_wait3A_110] : memref<4x2048x1024xf32, #tpu.memory_space<hbm>> -> memref<4x8x1024xf32, #tpu.memory_space<hbm>>
    tpu.wait_dma2 semaphore(%arg13 : memref<!tpu.dma_semaphore, #tpu.memory_space<semaphore_mem>>) src(%dma_wait3A_111 : memref<4x8x1024xf32, #tpu.memory_space<hbm>>) dst(%arg7 : memref<4x8x1024xf32, #tpu.memory_space<vmem>>)
    %scan3A_112 = arith.constant 0 : i32
    %scan3A_113 = arith.constant 0 : i32
    %scan3A_114 = arith.constant 8 : i32
    %scan3A_115 = arith.addi %scan3A_113, %scan3A_114 : i32
    %scan3A_116 = arith.constant 1 : i32
    scf.for %scan3A_336 = %scan3A_113 to %scan3A_115 step %scan3A_116  : i32 {
      %scan3A_337 = arith.constant 0 : i32
      %scan3A_338 = arith.constant 0 : i32
      %scan3A_339 = arith.constant 16 : i32
      %scan3A_340 = arith.addi %scan3A_338, %scan3A_339 : i32
      %scan3A_341 = arith.constant 1 : i32
      scf.for %scan3A_343 = %scan3A_338 to %scan3A_340 step %scan3A_341  : i32 {
        %mul3A_344 = arith.constant 64 : i32
        %mul3A_345 = arith.muli %scan3A_343, %mul3A_344 : i32
        %add3A_346 = arith.constant 0 : i32
        %add3A_347 = arith.addi %mul3A_345, %add3A_346 : i32
        %get3A = arith.index_cast %scan3A_336 : i32 to index
        %get3A_348 = arith.index_cast %add3A_347 : i32 to index
        %get3A_349 = tpu.vector_load %arg10[%get3A, %get3A_348] {strides = array<i32>} : memref<8x1024xf32, #tpu.memory_space<vmem>>, vector<1x16xf32>,
        %get3A_350 = vector.shape_cast %get3A_349 : vector<1x16xf32> to vector<16xf32>
        %swap3A = arith.constant 0 : i32
        %swap3A_351 = arith.index_cast %swap3A : i32 to index
        %swap3A_352 = arith.index_cast %scan3A_336 : i32 to index
        %swap3A_353 = arith.index_cast %add3A_347 : i32 to index
        %swap3A_354 = tpu.vector_load %arg7[%swap3A_351, %swap3A_352, %swap3A_353] {strides = array<i32>} : memref<4x8x1024xf32, #tpu.memory_space<vmem>>, vector<1x1x16xf32>,
        %swap3A_355 = vector.shape_cast %swap3A_354 : vector<1x1x16xf32> to vector<16xf32>
        %swap3A_356 = vector.shape_cast %get3A_350 : vector<16xf32> to vector<1x1x16xf32>
        tpu.vector_store %arg7[%swap3A_351, %swap3A_352, %swap3A_353], %swap3A_356 {add = true, strides = array<i32>} : memref<4x8x1024xf32, #tpu.memory_space<vmem>>, vector<1x1x16xf32>,
        %swap3A_357 = arith.constant 1 : i32
        %swap3A_358 = arith.index_cast %swap3A_357 : i32 to index
        %swap3A_359 = arith.index_cast %scan3A_336 : i32 to index
        %swap3A_360 = arith.index_cast %add3A_347 : i32 to index
        %swap3A_361 = tpu.vector_load %arg7[%swap3A_358, %swap3A_359, %swap3A_360] {strides = array<i32>} : memref<4x8x1024xf32, #tpu.memory_space<vmem>>, vector<1x1x16xf32>,
        %swap3A_362 = vector.shape_cast %swap3A_361 : vector<1x1x16xf32> to vector<16xf32>
        %swap3A_363 = vector.shape_cast %get3A_350 : vector<16xf32> to vector<1x1x16xf32>
        tpu.vector_store %arg7[%swap3A_358, %swap3A_359, %swap3A_360], %swap3A_363 {add = true, strides = array<i32>} : memref<4x8x1024xf32, #tpu.memory_space<vmem>>, vector<1x1x16xf32>,
        %swap3A_364 = arith.constant 2 : i32
        %swap3A_365 = arith.index_cast %swap3A_364 : i32 to index
        %swap3A_366 = arith.index_cast %scan3A_336 : i32 to index
        %swap3A_367 = arith.index_cast %add3A_347 : i32 to index
        %swap3A_368 = tpu.vector_load %arg7[%swap3A_365, %swap3A_366, %swap3A_367] {strides = array<i32>} : memref<4x8x1024xf32, #tpu.memory_space<vmem>>, vector<1x1x16xf32>,
        %swap3A_369 = vector.shape_cast %swap3A_368 : vector<1x1x16xf32> to vector<16xf32>
        %swap3A_370 = vector.shape_cast %get3A_350 : vector<16xf32> to vector<1x1x16xf32>
        tpu.vector_store %arg7[%swap3A_365, %swap3A_366, %swap3A_367], %swap3A_370 {add = true, strides = array<i32>} : memref<4x8x1024xf32, #tpu.memory_space<vmem>>, vector<1x1x16xf32>,
        %swap3A_371 = arith.constant 3 : i32
        %swap3A_372 = arith.index_cast %swap3A_371 : i32 to index
        %swap3A_373 = arith.index_cast %scan3A_336 : i32 to index
        %swap3A_374 = arith.index_cast %add3A_347 : i32 to index
        %swap3A_375 = tpu.vector_load %arg7[%swap3A_372, %swap3A_373, %swap3A_374] {strides = array<i32>} : memref<4x8x1024xf32, #tpu.memory_space<vmem>>, vector<1x1x16xf32>,
        %swap3A_376 = vector.shape_cast %swap3A_375 : vector<1x1x16xf32> to vector<16xf32>
        %swap3A_377 = vector.shape_cast %get3A_350 : vector<16xf32> to vector<1x1x16xf32>
        tpu.vector_store %arg7[%swap3A_372, %swap3A_373, %swap3A_374], %swap3A_377 {add = true, strides = array<i32>} : memref<4x8x1024xf32, #tpu.memory_space<vmem>>, vector<1x1x16xf32>,
        %add3A_378 = arith.constant 16 : i32
        %add3A_379 = arith.addi %mul3A_345, %add3A_378 : i32
        %get3A_380 = arith.index_cast %scan3A_336 : i32 to index
        %get3A_381 = arith.index_cast %add3A_379 : i32 to index
        %get3A_382 = tpu.vector_load %arg10[%get3A_380, %get3A_381] {strides = array<i32>} : memref<8x1024xf32, #tpu.memory_space<vmem>>, vector<1x16xf32>,
        %get3A_383 = vector.shape_cast %get3A_382 : vector<1x16xf32> to vector<16xf32>
        %swap3A_384 = arith.constant 0 : i32
        %swap3A_385 = arith.index_cast %swap3A_384 : i32 to index
        %swap3A_386 = arith.index_cast %scan3A_336 : i32 to index
        %swap3A_387 = arith.index_cast %add3A_379 : i32 to index
        %swap3A_388 = tpu.vector_load %arg7[%swap3A_385, %swap3A_386, %swap3A_387] {strides = array<i32>} : memref<4x8x1024xf32, #tpu.memory_space<vmem>>, vector<1x1x16xf32>,
        %swap3A_389 = vector.shape_cast %swap3A_388 : vector<1x1x16xf32> to vector<16xf32>
        %swap3A_390 = vector.shape_cast %get3A_383 : vector<16xf32> to vector<1x1x16xf32>
        tpu.vector_store %arg7[%swap3A_385, %swap3A_386, %swap3A_387], %swap3A_390 {add = true, strides = array<i32>} : memref<4x8x1024xf32, #tpu.memory_space<vmem>>, vector<1x1x16xf32>,
        %swap3A_391 = arith.constant 1 : i32
        %swap3A_392 = arith.index_cast %swap3A_391 : i32 to index
        %swap3A_393 = arith.index_cast %scan3A_336 : i32 to index
        %swap3A_394 = arith.index_cast %add3A_379 : i32 to index
        %swap3A_395 = tpu.vector_load %arg7[%swap3A_392, %swap3A_393, %swap3A_394] {strides = array<i32>} : memref<4x8x1024xf32, #tpu.memory_space<vmem>>, vector<1x1x16xf32>,
        %swap3A_396 = vector.shape_cast %swap3A_395 : vector<1x1x16xf32> to vector<16xf32>
        %swap3A_397 = vector.shape_cast %get3A_383 : vector<16xf32> to vector<1x1x16xf32>
        tpu.vector_store %arg7[%swap3A_392, %swap3A_393, %swap3A_394], %swap3A_397 {add = true, strides = array<i32>} : memref<4x8x1024xf32, #tpu.memory_space<vmem>>, vector<1x1x16xf32>,
        %swap3A_398 = arith.constant 2 : i32
        %swap3A_399 = arith.index_cast %swap3A_398 : i32 to index
        %swap3A_400 = arith.index_cast %scan3A_336 : i32 to index
        %swap3A_401 = arith.index_cast %add3A_379 : i32 to index
        %swap3A_402 = tpu.vector_load %arg7[%swap3A_399, %swap3A_400, %swap3A_401] {strides = array<i32>} : memref<4x8x1024xf32, #tpu.memory_space<vmem>>, vector<1x1x16xf32>,
        %swap3A_403 = vector.shape_cast %swap3A_402 : vector<1x1x16xf32> to vector<16xf32>
        %swap3A_404 = vector.shape_cast %get3A_383 : vector<16xf32> to vector<1x1x16xf32>
        tpu.vector_store %arg7[%swap3A_399, %swap3A_400, %swap3A_401], %swap3A_404 {add = true, strides = array<i32>} : memref<4x8x1024xf32, #tpu.memory_space<vmem>>, vector<1x1x16xf32>,
        %swap3A_405 = arith.constant 3 : i32
        %swap3A_406 = arith.index_cast %swap3A_405 : i32 to index
        %swap3A_407 = arith.index_cast %scan3A_336 : i32 to index
        %swap3A_408 = arith.index_cast %add3A_379 : i32 to index
        %swap3A_409 = tpu.vector_load %arg7[%swap3A_406, %swap3A_407, %swap3A_408] {strides = array<i32>} : memref<4x8x1024xf32, #tpu.memory_space<vmem>>, vector<1x1x16xf32>,
        %swap3A_410 = vector.shape_cast %swap3A_409 : vector<1x1x16xf32> to vector<16xf32>
        %swap3A_411 = vector.shape_cast %get3A_383 : vector<16xf32> to vector<1x1x16xf32>
        tpu.vector_store %arg7[%swap3A_406, %swap3A_407, %swap3A_408], %swap3A_411 {add = true, strides = array<i32>} : memref<4x8x1024xf32, #tpu.memory_space<vmem>>, vector<1x1x16xf32>,
        %add3A_412 = arith.constant 32 : i32
        %add3A_413 = arith.addi %mul3A_345, %add3A_412 : i32
        %get3A_414 = arith.index_cast %scan3A_336 : i32 to index
        %get3A_415 = arith.index_cast %add3A_413 : i32 to index
        %get3A_416 = tpu.vector_load %arg10[%get3A_414, %get3A_415] {strides = array<i32>} : memref<8x1024xf32, #tpu.memory_space<vmem>>, vector<1x16xf32>,
        %get3A_417 = vector.shape_cast %get3A_416 : vector<1x16xf32> to vector<16xf32>
        %swap3A_418 = arith.constant 0 : i32
        %swap3A_419 = arith.index_cast %swap3A_418 : i32 to index
        %swap3A_420 = arith.index_cast %scan3A_336 : i32 to index
        %swap3A_421 = arith.index_cast %add3A_413 : i32 to index
        %swap3A_422 = tpu.vector_load %arg7[%swap3A_419, %swap3A_420, %swap3A_421] {strides = array<i32>} : memref<4x8x1024xf32, #tpu.memory_space<vmem>>, vector<1x1x16xf32>,
        %swap3A_423 = vector.shape_cast %swap3A_422 : vector<1x1x16xf32> to vector<16xf32>
        %swap3A_424 = vector.shape_cast %get3A_417 : vector<16xf32> to vector<1x1x16xf32>
        tpu.vector_store %arg7[%swap3A_419, %swap3A_420, %swap3A_421], %swap3A_424 {add = true, strides = array<i32>} : memref<4x8x1024xf32, #tpu.memory_space<vmem>>, vector<1x1x16xf32>,
        %swap3A_425 = arith.constant 1 : i32
        %swap3A_426 = arith.index_cast %swap3A_425 : i32 to index
        %swap3A_427 = arith.index_cast %scan3A_336 : i32 to index
        %swap3A_428 = arith.index_cast %add3A_413 : i32 to index
        %swap3A_429 = tpu.vector_load %arg7[%swap3A_426, %swap3A_427, %swap3A_428] {strides = array<i32>} : memref<4x8x1024xf32, #tpu.memory_space<vmem>>, vector<1x1x16xf32>,
        %swap3A_430 = vector.shape_cast %swap3A_429 : vector<1x1x16xf32> to vector<16xf32>
        %swap3A_431 = vector.shape_cast %get3A_417 : vector<16xf32> to vector<1x1x16xf32>
        tpu.vector_store %arg7[%swap3A_426, %swap3A_427, %swap3A_428], %swap3A_431 {add = true, strides = array<i32>} : memref<4x8x1024xf32, #tpu.memory_space<vmem>>, vector<1x1x16xf32>,
        %swap3A_432 = arith.constant 2 : i32
        %swap3A_433 = arith.index_cast %swap3A_432 : i32 to index
        %swap3A_434 = arith.index_cast %scan3A_336 : i32 to index
        %swap3A_435 = arith.index_cast %add3A_413 : i32 to index
        %swap3A_436 = tpu.vector_load %arg7[%swap3A_433, %swap3A_434, %swap3A_435] {strides = array<i32>} : memref<4x8x1024xf32, #tpu.memory_space<vmem>>, vector<1x1x16xf32>,
        %swap3A_437 = vector.shape_cast %swap3A_436 : vector<1x1x16xf32> to vector<16xf32>
        %swap3A_438 = vector.shape_cast %get3A_417 : vector<16xf32> to vector<1x1x16xf32>
        tpu.vector_store %arg7[%swap3A_433, %swap3A_434, %swap3A_435], %swap3A_438 {add = true, strides = array<i32>} : memref<4x8x1024xf32, #tpu.memory_space<vmem>>, vector<1x1x16xf32>,
        %swap3A_439 = arith.constant 3 : i32
        %swap3A_440 = arith.index_cast %swap3A_439 : i32 to index
        %swap3A_441 = arith.index_cast %scan3A_336 : i32 to index
        %swap3A_442 = arith.index_cast %add3A_413 : i32 to index
        %swap3A_443 = tpu.vector_load %arg7[%swap3A_440, %swap3A_441, %swap3A_442] {strides = array<i32>} : memref<4x8x1024xf32, #tpu.memory_space<vmem>>, vector<1x1x16xf32>,
        %swap3A_444 = vector.shape_cast %swap3A_443 : vector<1x1x16xf32> to vector<16xf32>
        %swap3A_445 = vector.shape_cast %get3A_417 : vector<16xf32> to vector<1x1x16xf32>
        tpu.vector_store %arg7[%swap3A_440, %swap3A_441, %swap3A_442], %swap3A_445 {add = true, strides = array<i32>} : memref<4x8x1024xf32, #tpu.memory_space<vmem>>, vector<1x1x16xf32>,
        %add3A_446 = arith.constant 48 : i32
        %add3A_447 = arith.addi %mul3A_345, %add3A_446 : i32
        %get3A_448 = arith.index_cast %scan3A_336 : i32 to index
        %get3A_449 = arith.index_cast %add3A_447 : i32 to index
        %get3A_450 = tpu.vector_load %arg10[%get3A_448, %get3A_449] {strides = array<i32>} : memref<8x1024xf32, #tpu.memory_space<vmem>>, vector<1x16xf32>,
        %get3A_451 = vector.shape_cast %get3A_450 : vector<1x16xf32> to vector<16xf32>
        %swap3A_452 = arith.constant 0 : i32
        %swap3A_453 = arith.index_cast %swap3A_452 : i32 to index
        %swap3A_454 = arith.index_cast %scan3A_336 : i32 to index
        %swap3A_455 = arith.index_cast %add3A_447 : i32 to index
        %swap3A_456 = tpu.vector_load %arg7[%swap3A_453, %swap3A_454, %swap3A_455] {strides = array<i32>} : memref<4x8x1024xf32, #tpu.memory_space<vmem>>, vector<1x1x16xf32>,
        %swap3A_457 = vector.shape_cast %swap3A_456 : vector<1x1x16xf32> to vector<16xf32>
        %swap3A_458 = vector.shape_cast %get3A_451 : vector<16xf32> to vector<1x1x16xf32>
        tpu.vector_store %arg7[%swap3A_453, %swap3A_454, %swap3A_455], %swap3A_458 {add = true, strides = array<i32>} : memref<4x8x1024xf32, #tpu.memory_space<vmem>>, vector<1x1x16xf32>,
        %swap3A_459 = arith.constant 1 : i32
        %swap3A_460 = arith.index_cast %swap3A_459 : i32 to index
        %swap3A_461 = arith.index_cast %scan3A_336 : i32 to index
        %swap3A_462 = arith.index_cast %add3A_447 : i32 to index
        %swap3A_463 = tpu.vector_load %arg7[%swap3A_460, %swap3A_461, %swap3A_462] {strides = array<i32>} : memref<4x8x1024xf32, #tpu.memory_space<vmem>>, vector<1x1x16xf32>,
        %swap3A_464 = vector.shape_cast %swap3A_463 : vector<1x1x16xf32> to vector<16xf32>
        %swap3A_465 = vector.shape_cast %get3A_451 : vector<16xf32> to vector<1x1x16xf32>
        tpu.vector_store %arg7[%swap3A_460, %swap3A_461, %swap3A_462], %swap3A_465 {add = true, strides = array<i32>} : memref<4x8x1024xf32, #tpu.memory_space<vmem>>, vector<1x1x16xf32>,
        %swap3A_466 = arith.constant 2 : i32
        %swap3A_467 = arith.index_cast %swap3A_466 : i32 to index
        %swap3A_468 = arith.index_cast %scan3A_336 : i32 to index
        %swap3A_469 = arith.index_cast %add3A_447 : i32 to index
        %swap3A_470 = tpu.vector_load %arg7[%swap3A_467, %swap3A_468, %swap3A_469] {strides = array<i32>} : memref<4x8x1024xf32, #tpu.memory_space<vmem>>, vector<1x1x16xf32>,
        %swap3A_471 = vector.shape_cast %swap3A_470 : vector<1x1x16xf32> to vector<16xf32>
        %swap3A_472 = vector.shape_cast %get3A_451 : vector<16xf32> to vector<1x1x16xf32>
        tpu.vector_store %arg7[%swap3A_467, %swap3A_468, %swap3A_469], %swap3A_472 {add = true, strides = array<i32>} : memref<4x8x1024xf32, #tpu.memory_space<vmem>>, vector<1x1x16xf32>,
        %swap3A_473 = arith.constant 3 : i32
        %swap3A_474 = arith.index_cast %swap3A_473 : i32 to index
        %swap3A_475 = arith.index_cast %scan3A_336 : i32 to index
        %swap3A_476 = arith.index_cast %add3A_447 : i32 to index
        %swap3A_477 = tpu.vector_load %arg7[%swap3A_474, %swap3A_475, %swap3A_476] {strides = array<i32>} : memref<4x8x1024xf32, #tpu.memory_space<vmem>>, vector<1x1x16xf32>,
        %swap3A_478 = vector.shape_cast %swap3A_477 : vector<1x1x16xf32> to vector<16xf32>
        %swap3A_479 = vector.shape_cast %get3A_451 : vector<16xf32> to vector<1x1x16xf32>
        tpu.vector_store %arg7[%swap3A_474, %swap3A_475, %swap3A_476], %swap3A_479 {add = true, strides = array<i32>} : memref<4x8x1024xf32, #tpu.memory_space<vmem>>, vector<1x1x16xf32>,
      }
      %scan3A_342 = arith.constant 16 : i32
    }
    %scan3A_117 = arith.constant 8 : i32
    %add3A_118 = arith.constant 16 : i32
    %add3A_119 = arith.addi %mul3A_2, %add3A_118 : i32
    %dma_start3A_120 = arith.constant 0 : i32
    %dma_start3A_121 = arith.constant 0 : i32
    %dma_start3A_122 = tpu.memref_slice %arg4[%dma_start3A_120, %add3A_119, %dma_start3A_121] : memref<4x2048x1024xf32, #tpu.memory_space<hbm>> -> memref<4x8x1024xf32, #tpu.memory_space<hbm>>
    %dma_start3A_123 = arith.constant 0 : i32
    %dma_start3A_124 = arith.constant 0 : i32
    %dma_start3A_125 = tpu.memref_slice %arg4[%dma_start3A_123, %add3A_119, %dma_start3A_124] : memref<4x2048x1024xf32, #tpu.memory_space<hbm>> -> memref<4x8x1024xf32, #tpu.memory_space<hbm>>
    tpu.enqueue_dma source(%arg7 : memref<4x8x1024xf32, #tpu.memory_space<vmem>>) target(%dma_start3A_125 : memref<4x8x1024xf32, #tpu.memory_space<hbm>>) target_semaphore(%arg16 : memref<!tpu.dma_semaphore, #tpu.memory_space<semaphore_mem>>)
    %dma_wait3A_126 = arith.constant 0 : i32
    %dma_wait3A_127 = arith.constant 0 : i32
    %dma_wait3A_128 = tpu.memref_slice %arg4[%dma_wait3A_126, %add3A_77, %dma_wait3A_127] : memref<4x2048x1024xf32, #tpu.memory_space<hbm>> -> memref<4x8x1024xf32, #tpu.memory_space<hbm>>
    %dma_wait3A_129 = arith.constant 0 : i32
    %dma_wait3A_130 = arith.constant 0 : i32
    %dma_wait3A_131 = tpu.memref_slice %arg4[%dma_wait3A_129, %add3A_77, %dma_wait3A_130] : memref<4x2048x1024xf32, #tpu.memory_space<hbm>> -> memref<4x8x1024xf32, #tpu.memory_space<hbm>>
    tpu.wait_dma2 semaphore(%arg15 : memref<!tpu.dma_semaphore, #tpu.memory_space<semaphore_mem>>) src(%arg6 : memref<4x8x1024xf32, #tpu.memory_space<vmem>>) dst(%dma_wait3A_131 : memref<4x8x1024xf32, #tpu.memory_space<hbm>>)
    %add3A_132 = arith.constant 32 : i32
    %add3A_133 = arith.addi %mul3A_2, %add3A_132 : i32
    %dma_start3A_134 = arith.constant 0 : i32
    %dma_start3A_135 = tpu.memref_slice %arg3[%add3A_133, %dma_start3A_134] : memref<2048x1024xf32, #tpu.memory_space<hbm>> -> memref<8x1024xf32, #tpu.memory_space<hbm>>
    %dma_start3A_136 = arith.constant 0 : i32
    %dma_start3A_137 = tpu.memref_slice %arg3[%add3A_133, %dma_start3A_136] : memref<2048x1024xf32, #tpu.memory_space<hbm>> -> memref<8x1024xf32, #tpu.memory_space<hbm>>
    tpu.enqueue_dma source(%dma_start3A_137 : memref<8x1024xf32, #tpu.memory_space<hbm>>) target(%arg9 : memref<8x1024xf32, #tpu.memory_space<vmem>>) target_semaphore(%arg12 : memref<!tpu.dma_semaphore, #tpu.memory_space<semaphore_mem>>)
    %dma_start3A_138 = arith.constant 0 : i32
    %dma_start3A_139 = arith.constant 0 : i32
    %dma_start3A_140 = tpu.memref_slice %arg2[%dma_start3A_138, %add3A_133, %dma_start3A_139] : memref<4x2048x1024xf32, #tpu.memory_space<hbm>> -> memref<4x8x1024xf32, #tpu.memory_space<hbm>>
    %dma_start3A_141 = arith.constant 0 : i32
    %dma_start3A_142 = arith.constant 0 : i32
    %dma_start3A_143 = tpu.memref_slice %arg2[%dma_start3A_141, %add3A_133, %dma_start3A_142] : memref<4x2048x1024xf32, #tpu.memory_space<hbm>> -> memref<4x8x1024xf32, #tpu.memory_space<hbm>>
    tpu.enqueue_dma source(%dma_start3A_143 : memref<4x8x1024xf32, #tpu.memory_space<hbm>>) target(%arg6 : memref<4x8x1024xf32, #tpu.memory_space<vmem>>) target_semaphore(%arg12 : memref<!tpu.dma_semaphore, #tpu.memory_space<semaphore_mem>>)
    %dma_wait3A_144 = arith.constant 0 : i32
    %dma_wait3A_145 = tpu.memref_slice %arg3[%add3A_91, %dma_wait3A_144] : memref<2048x1024xf32, #tpu.memory_space<hbm>> -> memref<8x1024xf32, #tpu.memory_space<hbm>>
    %dma_wait3A_146 = arith.constant 0 : i32
    %dma_wait3A_147 = tpu.memref_slice %arg3[%add3A_91, %dma_wait3A_146] : memref<2048x1024xf32, #tpu.memory_space<hbm>> -> memref<8x1024xf32, #tpu.memory_space<hbm>>
    tpu.wait_dma2 semaphore(%arg11 : memref<!tpu.dma_semaphore, #tpu.memory_space<semaphore_mem>>) src(%dma_wait3A_147 : memref<8x1024xf32, #tpu.memory_space<hbm>>) dst(%arg8 : memref<8x1024xf32, #tpu.memory_space<vmem>>)
    %dma_wait3A_148 = arith.constant 0 : i32
    %dma_wait3A_149 = arith.constant 0 : i32
    %dma_wait3A_150 = tpu.memref_slice %arg2[%dma_wait3A_148, %add3A_91, %dma_wait3A_149] : memref<4x2048x1024xf32, #tpu.memory_space<hbm>> -> memref<4x8x1024xf32, #tpu.memory_space<hbm>>
    %dma_wait3A_151 = arith.constant 0 : i32
    %dma_wait3A_152 = arith.constant 0 : i32
    %dma_wait3A_153 = tpu.memref_slice %arg2[%dma_wait3A_151, %add3A_91, %dma_wait3A_152] : memref<4x2048x1024xf32, #tpu.memory_space<hbm>> -> memref<4x8x1024xf32, #tpu.memory_space<hbm>>
    tpu.wait_dma2 semaphore(%arg11 : memref<!tpu.dma_semaphore, #tpu.memory_space<semaphore_mem>>) src(%dma_wait3A_153 : memref<4x8x1024xf32, #tpu.memory_space<hbm>>) dst(%arg5 : memref<4x8x1024xf32, #tpu.memory_space<vmem>>)
    %scan3A_154 = arith.constant 0 : i32
    %scan3A_155 = arith.constant 0 : i32
    %scan3A_156 = arith.constant 8 : i32
    %scan3A_157 = arith.addi %scan3A_155, %scan3A_156 : i32
    %scan3A_158 = arith.constant 1 : i32
    scf.for %scan3A_336 = %scan3A_155 to %scan3A_157 step %scan3A_158  : i32 {
      %scan3A_337 = arith.constant 0 : i32
      %scan3A_338 = arith.constant 0 : i32
      %scan3A_339 = arith.constant 16 : i32
      %scan3A_340 = arith.addi %scan3A_338, %scan3A_339 : i32
      %scan3A_341 = arith.constant 1 : i32
      scf.for %scan3A_343 = %scan3A_338 to %scan3A_340 step %scan3A_341  : i32 {
        %mul3A_344 = arith.constant 64 : i32
        %mul3A_345 = arith.muli %scan3A_343, %mul3A_344 : i32
        %add3A_346 = arith.constant 0 : i32
        %add3A_347 = arith.addi %mul3A_345, %add3A_346 : i32
        %get3A = arith.index_cast %scan3A_336 : i32 to index
        %get3A_348 = arith.index_cast %add3A_347 : i32 to index
        %get3A_349 = tpu.vector_load %arg8[%get3A, %get3A_348] {strides = array<i32>} : memref<8x1024xf32, #tpu.memory_space<vmem>>, vector<1x16xf32>,
        %get3A_350 = vector.shape_cast %get3A_349 : vector<1x16xf32> to vector<16xf32>
        %swap3A = arith.constant 0 : i32
        %swap3A_351 = arith.index_cast %swap3A : i32 to index
        %swap3A_352 = arith.index_cast %scan3A_336 : i32 to index
        %swap3A_353 = arith.index_cast %add3A_347 : i32 to index
        %swap3A_354 = tpu.vector_load %arg5[%swap3A_351, %swap3A_352, %swap3A_353] {strides = array<i32>} : memref<4x8x1024xf32, #tpu.memory_space<vmem>>, vector<1x1x16xf32>,
        %swap3A_355 = vector.shape_cast %swap3A_354 : vector<1x1x16xf32> to vector<16xf32>
        %swap3A_356 = vector.shape_cast %get3A_350 : vector<16xf32> to vector<1x1x16xf32>
        tpu.vector_store %arg5[%swap3A_351, %swap3A_352, %swap3A_353], %swap3A_356 {add = true, strides = array<i32>} : memref<4x8x1024xf32, #tpu.memory_space<vmem>>, vector<1x1x16xf32>,
        %swap3A_357 = arith.constant 1 : i32
        %swap3A_358 = arith.index_cast %swap3A_357 : i32 to index
        %swap3A_359 = arith.index_cast %scan3A_336 : i32 to index
        %swap3A_360 = arith.index_cast %add3A_347 : i32 to index
        %swap3A_361 = tpu.vector_load %arg5[%swap3A_358, %swap3A_359, %swap3A_360] {strides = array<i32>} : memref<4x8x1024xf32, #tpu.memory_space<vmem>>, vector<1x1x16xf32>,
        %swap3A_362 = vector.shape_cast %swap3A_361 : vector<1x1x16xf32> to vector<16xf32>
        %swap3A_363 = vector.shape_cast %get3A_350 : vector<16xf32> to vector<1x1x16xf32>
        tpu.vector_store %arg5[%swap3A_358, %swap3A_359, %swap3A_360], %swap3A_363 {add = true, strides = array<i32>} : memref<4x8x1024xf32, #tpu.memory_space<vmem>>, vector<1x1x16xf32>,
        %swap3A_364 = arith.constant 2 : i32
        %swap3A_365 = arith.index_cast %swap3A_364 : i32 to index
        %swap3A_366 = arith.index_cast %scan3A_336 : i32 to index
        %swap3A_367 = arith.index_cast %add3A_347 : i32 to index
        %swap3A_368 = tpu.vector_load %arg5[%swap3A_365, %swap3A_366, %swap3A_367] {strides = array<i32>} : memref<4x8x1024xf32, #tpu.memory_space<vmem>>, vector<1x1x16xf32>,
        %swap3A_369 = vector.shape_cast %swap3A_368 : vector<1x1x16xf32> to vector<16xf32>
        %swap3A_370 = vector.shape_cast %get3A_350 : vector<16xf32> to vector<1x1x16xf32>
        tpu.vector_store %arg5[%swap3A_365, %swap3A_366, %swap3A_367], %swap3A_370 {add = true, strides = array<i32>} : memref<4x8x1024xf32, #tpu.memory_space<vmem>>, vector<1x1x16xf32>,
        %swap3A_371 = arith.constant 3 : i32
        %swap3A_372 = arith.index_cast %swap3A_371 : i32 to index
        %swap3A_373 = arith.index_cast %scan3A_336 : i32 to index
        %swap3A_374 = arith.index_cast %add3A_347 : i32 to index
        %swap3A_375 = tpu.vector_load %arg5[%swap3A_372, %swap3A_373, %swap3A_374] {strides = array<i32>} : memref<4x8x1024xf32, #tpu.memory_space<vmem>>, vector<1x1x16xf32>,
        %swap3A_376 = vector.shape_cast %swap3A_375 : vector<1x1x16xf32> to vector<16xf32>
        %swap3A_377 = vector.shape_cast %get3A_350 : vector<16xf32> to vector<1x1x16xf32>
        tpu.vector_store %arg5[%swap3A_372, %swap3A_373, %swap3A_374], %swap3A_377 {add = true, strides = array<i32>} : memref<4x8x1024xf32, #tpu.memory_space<vmem>>, vector<1x1x16xf32>,
        %add3A_378 = arith.constant 16 : i32
        %add3A_379 = arith.addi %mul3A_345, %add3A_378 : i32
        %get3A_380 = arith.index_cast %scan3A_336 : i32 to index
        %get3A_381 = arith.index_cast %add3A_379 : i32 to index
        %get3A_382 = tpu.vector_load %arg8[%get3A_380, %get3A_381] {strides = array<i32>} : memref<8x1024xf32, #tpu.memory_space<vmem>>, vector<1x16xf32>,
        %get3A_383 = vector.shape_cast %get3A_382 : vector<1x16xf32> to vector<16xf32>
        %swap3A_384 = arith.constant 0 : i32
        %swap3A_385 = arith.index_cast %swap3A_384 : i32 to index
        %swap3A_386 = arith.index_cast %scan3A_336 : i32 to index
        %swap3A_387 = arith.index_cast %add3A_379 : i32 to index
        %swap3A_388 = tpu.vector_load %arg5[%swap3A_385, %swap3A_386, %swap3A_387] {strides = array<i32>} : memref<4x8x1024xf32, #tpu.memory_space<vmem>>, vector<1x1x16xf32>,
        %swap3A_389 = vector.shape_cast %swap3A_388 : vector<1x1x16xf32> to vector<16xf32>
        %swap3A_390 = vector.shape_cast %get3A_383 : vector<16xf32> to vector<1x1x16xf32>
        tpu.vector_store %arg5[%swap3A_385, %swap3A_386, %swap3A_387], %swap3A_390 {add = true, strides = array<i32>} : memref<4x8x1024xf32, #tpu.memory_space<vmem>>, vector<1x1x16xf32>,
        %swap3A_391 = arith.constant 1 : i32
        %swap3A_392 = arith.index_cast %swap3A_391 : i32 to index
        %swap3A_393 = arith.index_cast %scan3A_336 : i32 to index
        %swap3A_394 = arith.index_cast %add3A_379 : i32 to index
        %swap3A_395 = tpu.vector_load %arg5[%swap3A_392, %swap3A_393, %swap3A_394] {strides = array<i32>} : memref<4x8x1024xf32, #tpu.memory_space<vmem>>, vector<1x1x16xf32>,
        %swap3A_396 = vector.shape_cast %swap3A_395 : vector<1x1x16xf32> to vector<16xf32>
        %swap3A_397 = vector.shape_cast %get3A_383 : vector<16xf32> to vector<1x1x16xf32>
        tpu.vector_store %arg5[%swap3A_392, %swap3A_393, %swap3A_394], %swap3A_397 {add = true, strides = array<i32>} : memref<4x8x1024xf32, #tpu.memory_space<vmem>>, vector<1x1x16xf32>,
        %swap3A_398 = arith.constant 2 : i32
        %swap3A_399 = arith.index_cast %swap3A_398 : i32 to index
        %swap3A_400 = arith.index_cast %scan3A_336 : i32 to index
        %swap3A_401 = arith.index_cast %add3A_379 : i32 to index
        %swap3A_402 = tpu.vector_load %arg5[%swap3A_399, %swap3A_400, %swap3A_401] {strides = array<i32>} : memref<4x8x1024xf32, #tpu.memory_space<vmem>>, vector<1x1x16xf32>,
        %swap3A_403 = vector.shape_cast %swap3A_402 : vector<1x1x16xf32> to vector<16xf32>
        %swap3A_404 = vector.shape_cast %get3A_383 : vector<16xf32> to vector<1x1x16xf32>
        tpu.vector_store %arg5[%swap3A_399, %swap3A_400, %swap3A_401], %swap3A_404 {add = true, strides = array<i32>} : memref<4x8x1024xf32, #tpu.memory_space<vmem>>, vector<1x1x16xf32>,
        %swap3A_405 = arith.constant 3 : i32
        %swap3A_406 = arith.index_cast %swap3A_405 : i32 to index
        %swap3A_407 = arith.index_cast %scan3A_336 : i32 to index
        %swap3A_408 = arith.index_cast %add3A_379 : i32 to index
        %swap3A_409 = tpu.vector_load %arg5[%swap3A_406, %swap3A_407, %swap3A_408] {strides = array<i32>} : memref<4x8x1024xf32, #tpu.memory_space<vmem>>, vector<1x1x16xf32>,
        %swap3A_410 = vector.shape_cast %swap3A_409 : vector<1x1x16xf32> to vector<16xf32>
        %swap3A_411 = vector.shape_cast %get3A_383 : vector<16xf32> to vector<1x1x16xf32>
        tpu.vector_store %arg5[%swap3A_406, %swap3A_407, %swap3A_408], %swap3A_411 {add = true, strides = array<i32>} : memref<4x8x1024xf32, #tpu.memory_space<vmem>>, vector<1x1x16xf32>,
        %add3A_412 = arith.constant 32 : i32
        %add3A_413 = arith.addi %mul3A_345, %add3A_412 : i32
        %get3A_414 = arith.index_cast %scan3A_336 : i32 to index
        %get3A_415 = arith.index_cast %add3A_413 : i32 to index
        %get3A_416 = tpu.vector_load %arg8[%get3A_414, %get3A_415] {strides = array<i32>} : memref<8x1024xf32, #tpu.memory_space<vmem>>, vector<1x16xf32>,
        %get3A_417 = vector.shape_cast %get3A_416 : vector<1x16xf32> to vector<16xf32>
        %swap3A_418 = arith.constant 0 : i32
        %swap3A_419 = arith.index_cast %swap3A_418 : i32 to index
        %swap3A_420 = arith.index_cast %scan3A_336 : i32 to index
        %swap3A_421 = arith.index_cast %add3A_413 : i32 to index
        %swap3A_422 = tpu.vector_load %arg5[%swap3A_419, %swap3A_420, %swap3A_421] {strides = array<i32>} : memref<4x8x1024xf32, #tpu.memory_space<vmem>>, vector<1x1x16xf32>,
        %swap3A_423 = vector.shape_cast %swap3A_422 : vector<1x1x16xf32> to vector<16xf32>
        %swap3A_424 = vector.shape_cast %get3A_417 : vector<16xf32> to vector<1x1x16xf32>
        tpu.vector_store %arg5[%swap3A_419, %swap3A_420, %swap3A_421], %swap3A_424 {add = true, strides = array<i32>} : memref<4x8x1024xf32, #tpu.memory_space<vmem>>, vector<1x1x16xf32>,
        %swap3A_425 = arith.constant 1 : i32
        %swap3A_426 = arith.index_cast %swap3A_425 : i32 to index
        %swap3A_427 = arith.index_cast %scan3A_336 : i32 to index
        %swap3A_428 = arith.index_cast %add3A_413 : i32 to index
        %swap3A_429 = tpu.vector_load %arg5[%swap3A_426, %swap3A_427, %swap3A_428] {strides = array<i32>} : memref<4x8x1024xf32, #tpu.memory_space<vmem>>, vector<1x1x16xf32>,
        %swap3A_430 = vector.shape_cast %swap3A_429 : vector<1x1x16xf32> to vector<16xf32>
        %swap3A_431 = vector.shape_cast %get3A_417 : vector<16xf32> to vector<1x1x16xf32>
        tpu.vector_store %arg5[%swap3A_426, %swap3A_427, %swap3A_428], %swap3A_431 {add = true, strides = array<i32>} : memref<4x8x1024xf32, #tpu.memory_space<vmem>>, vector<1x1x16xf32>,
        %swap3A_432 = arith.constant 2 : i32
        %swap3A_433 = arith.index_cast %swap3A_432 : i32 to index
        %swap3A_434 = arith.index_cast %scan3A_336 : i32 to index
        %swap3A_435 = arith.index_cast %add3A_413 : i32 to index
        %swap3A_436 = tpu.vector_load %arg5[%swap3A_433, %swap3A_434, %swap3A_435] {strides = array<i32>} : memref<4x8x1024xf32, #tpu.memory_space<vmem>>, vector<1x1x16xf32>,
        %swap3A_437 = vector.shape_cast %swap3A_436 : vector<1x1x16xf32> to vector<16xf32>
        %swap3A_438 = vector.shape_cast %get3A_417 : vector<16xf32> to vector<1x1x16xf32>
        tpu.vector_store %arg5[%swap3A_433, %swap3A_434, %swap3A_435], %swap3A_438 {add = true, strides = array<i32>} : memref<4x8x1024xf32, #tpu.memory_space<vmem>>, vector<1x1x16xf32>,
        %swap3A_439 = arith.constant 3 : i32
        %swap3A_440 = arith.index_cast %swap3A_439 : i32 to index
        %swap3A_441 = arith.index_cast %scan3A_336 : i32 to index
        %swap3A_442 = arith.index_cast %add3A_413 : i32 to index
        %swap3A_443 = tpu.vector_load %arg5[%swap3A_440, %swap3A_441, %swap3A_442] {strides = array<i32>} : memref<4x8x1024xf32, #tpu.memory_space<vmem>>, vector<1x1x16xf32>,
        %swap3A_444 = vector.shape_cast %swap3A_443 : vector<1x1x16xf32> to vector<16xf32>
        %swap3A_445 = vector.shape_cast %get3A_417 : vector<16xf32> to vector<1x1x16xf32>
        tpu.vector_store %arg5[%swap3A_440, %swap3A_441, %swap3A_442], %swap3A_445 {add = true, strides = array<i32>} : memref<4x8x1024xf32, #tpu.memory_space<vmem>>, vector<1x1x16xf32>,
        %add3A_446 = arith.constant 48 : i32
        %add3A_447 = arith.addi %mul3A_345, %add3A_446 : i32
        %get3A_448 = arith.index_cast %scan3A_336 : i32 to index
        %get3A_449 = arith.index_cast %add3A_447 : i32 to index
        %get3A_450 = tpu.vector_load %arg8[%get3A_448, %get3A_449] {strides = array<i32>} : memref<8x1024xf32, #tpu.memory_space<vmem>>, vector<1x16xf32>,
        %get3A_451 = vector.shape_cast %get3A_450 : vector<1x16xf32> to vector<16xf32>
        %swap3A_452 = arith.constant 0 : i32
        %swap3A_453 = arith.index_cast %swap3A_452 : i32 to index
        %swap3A_454 = arith.index_cast %scan3A_336 : i32 to index
        %swap3A_455 = arith.index_cast %add3A_447 : i32 to index
        %swap3A_456 = tpu.vector_load %arg5[%swap3A_453, %swap3A_454, %swap3A_455] {strides = array<i32>} : memref<4x8x1024xf32, #tpu.memory_space<vmem>>, vector<1x1x16xf32>,
        %swap3A_457 = vector.shape_cast %swap3A_456 : vector<1x1x16xf32> to vector<16xf32>
        %swap3A_458 = vector.shape_cast %get3A_451 : vector<16xf32> to vector<1x1x16xf32>
        tpu.vector_store %arg5[%swap3A_453, %swap3A_454, %swap3A_455], %swap3A_458 {add = true, strides = array<i32>} : memref<4x8x1024xf32, #tpu.memory_space<vmem>>, vector<1x1x16xf32>,
        %swap3A_459 = arith.constant 1 : i32
        %swap3A_460 = arith.index_cast %swap3A_459 : i32 to index
        %swap3A_461 = arith.index_cast %scan3A_336 : i32 to index
        %swap3A_462 = arith.index_cast %add3A_447 : i32 to index
        %swap3A_463 = tpu.vector_load %arg5[%swap3A_460, %swap3A_461, %swap3A_462] {strides = array<i32>} : memref<4x8x1024xf32, #tpu.memory_space<vmem>>, vector<1x1x16xf32>,
        %swap3A_464 = vector.shape_cast %swap3A_463 : vector<1x1x16xf32> to vector<16xf32>
        %swap3A_465 = vector.shape_cast %get3A_451 : vector<16xf32> to vector<1x1x16xf32>
        tpu.vector_store %arg5[%swap3A_460, %swap3A_461, %swap3A_462], %swap3A_465 {add = true, strides = array<i32>} : memref<4x8x1024xf32, #tpu.memory_space<vmem>>, vector<1x1x16xf32>,
        %swap3A_466 = arith.constant 2 : i32
        %swap3A_467 = arith.index_cast %swap3A_466 : i32 to index
        %swap3A_468 = arith.index_cast %scan3A_336 : i32 to index
        %swap3A_469 = arith.index_cast %add3A_447 : i32 to index
        %swap3A_470 = tpu.vector_load %arg5[%swap3A_467, %swap3A_468, %swap3A_469] {strides = array<i32>} : memref<4x8x1024xf32, #tpu.memory_space<vmem>>, vector<1x1x16xf32>,
        %swap3A_471 = vector.shape_cast %swap3A_470 : vector<1x1x16xf32> to vector<16xf32>
        %swap3A_472 = vector.shape_cast %get3A_451 : vector<16xf32> to vector<1x1x16xf32>
        tpu.vector_store %arg5[%swap3A_467, %swap3A_468, %swap3A_469], %swap3A_472 {add = true, strides = array<i32>} : memref<4x8x1024xf32, #tpu.memory_space<vmem>>, vector<1x1x16xf32>,
        %swap3A_473 = arith.constant 3 : i32
        %swap3A_474 = arith.index_cast %swap3A_473 : i32 to index
        %swap3A_475 = arith.index_cast %scan3A_336 : i32 to index
        %swap3A_476 = arith.index_cast %add3A_447 : i32 to index
        %swap3A_477 = tpu.vector_load %arg5[%swap3A_474, %swap3A_475, %swap3A_476] {strides = array<i32>} : memref<4x8x1024xf32, #tpu.memory_space<vmem>>, vector<1x1x16xf32>,
        %swap3A_478 = vector.shape_cast %swap3A_477 : vector<1x1x16xf32> to vector<16xf32>
        %swap3A_479 = vector.shape_cast %get3A_451 : vector<16xf32> to vector<1x1x16xf32>
        tpu.vector_store %arg5[%swap3A_474, %swap3A_475, %swap3A_476], %swap3A_479 {add = true, strides = array<i32>} : memref<4x8x1024xf32, #tpu.memory_space<vmem>>, vector<1x1x16xf32>,
      }
      %scan3A_342 = arith.constant 16 : i32
    }
    %scan3A_159 = arith.constant 8 : i32
    %add3A_160 = arith.constant 24 : i32
    %add3A_161 = arith.addi %mul3A_2, %add3A_160 : i32
    %dma_start3A_162 = arith.constant 0 : i32
    %dma_start3A_163 = arith.constant 0 : i32
    %dma_start3A_164 = tpu.memref_slice %arg4[%dma_start3A_162, %add3A_161, %dma_start3A_163] : memref<4x2048x1024xf32, #tpu.memory_space<hbm>> -> memref<4x8x1024xf32, #tpu.memory_space<hbm>>
    %dma_start3A_165 = arith.constant 0 : i32
    %dma_start3A_166 = arith.constant 0 : i32
    %dma_start3A_167 = tpu.memref_slice %arg4[%dma_start3A_165, %add3A_161, %dma_start3A_166] : memref<4x2048x1024xf32, #tpu.memory_space<hbm>> -> memref<4x8x1024xf32, #tpu.memory_space<hbm>>
    tpu.enqueue_dma source(%arg5 : memref<4x8x1024xf32, #tpu.memory_space<vmem>>) target(%dma_start3A_167 : memref<4x8x1024xf32, #tpu.memory_space<hbm>>) target_semaphore(%arg14 : memref<!tpu.dma_semaphore, #tpu.memory_space<semaphore_mem>>)
    %dma_wait3A_168 = arith.constant 0 : i32
    %dma_wait3A_169 = arith.constant 0 : i32
    %dma_wait3A_170 = tpu.memref_slice %arg4[%dma_wait3A_168, %add3A_119, %dma_wait3A_169] : memref<4x2048x1024xf32, #tpu.memory_space<hbm>> -> memref<4x8x1024xf32, #tpu.memory_space<hbm>>
    %dma_wait3A_171 = arith.constant 0 : i32
    %dma_wait3A_172 = arith.constant 0 : i32
    %dma_wait3A_173 = tpu.memref_slice %arg4[%dma_wait3A_171, %add3A_119, %dma_wait3A_172] : memref<4x2048x1024xf32, #tpu.memory_space<hbm>> -> memref<4x8x1024xf32, #tpu.memory_space<hbm>>
    tpu.wait_dma2 semaphore(%arg16 : memref<!tpu.dma_semaphore, #tpu.memory_space<semaphore_mem>>) src(%arg7 : memref<4x8x1024xf32, #tpu.memory_space<vmem>>) dst(%dma_wait3A_173 : memref<4x8x1024xf32, #tpu.memory_space<hbm>>)
    %add3A_174 = arith.constant 40 : i32
    %add3A_175 = arith.addi %mul3A_2, %add3A_174 : i32
    %dma_start3A_176 = arith.constant 0 : i32
    %dma_start3A_177 = tpu.memref_slice %arg3[%add3A_175, %dma_start3A_176] : memref<2048x1024xf32, #tpu.memory_space<hbm>> -> memref<8x1024xf32, #tpu.memory_space<hbm>>
    %dma_start3A_178 = arith.constant 0 : i32
    %dma_start3A_179 = tpu.memref_slice %arg3[%add3A_175, %dma_start3A_178] : memref<2048x1024xf32, #tpu.memory_space<hbm>> -> memref<8x1024xf32, #tpu.memory_space<hbm>>
    tpu.enqueue_dma source(%dma_start3A_179 : memref<8x1024xf32, #tpu.memory_space<hbm>>) target(%arg10 : memref<8x1024xf32, #tpu.memory_space<vmem>>) target_semaphore(%arg13 : memref<!tpu.dma_semaphore, #tpu.memory_space<semaphore_mem>>)
    %dma_start3A_180 = arith.constant 0 : i32
    %dma_start3A_181 = arith.constant 0 : i32
    %dma_start3A_182 = tpu.memref_slice %arg2[%dma_start3A_180, %add3A_175, %dma_start3A_181] : memref<4x2048x1024xf32, #tpu.memory_space<hbm>> -> memref<4x8x1024xf32, #tpu.memory_space<hbm>>
    %dma_start3A_183 = arith.constant 0 : i32
    %dma_start3A_184 = arith.constant 0 : i32
    %dma_start3A_185 = tpu.memref_slice %arg2[%dma_start3A_183, %add3A_175, %dma_start3A_184] : memref<4x2048x1024xf32, #tpu.memory_space<hbm>> -> memref<4x8x1024xf32, #tpu.memory_space<hbm>>
    tpu.enqueue_dma source(%dma_start3A_185 : memref<4x8x1024xf32, #tpu.memory_space<hbm>>) target(%arg7 : memref<4x8x1024xf32, #tpu.memory_space<vmem>>) target_semaphore(%arg13 : memref<!tpu.dma_semaphore, #tpu.memory_space<semaphore_mem>>)
    %dma_wait3A_186 = arith.constant 0 : i32
    %dma_wait3A_187 = tpu.memref_slice %arg3[%add3A_133, %dma_wait3A_186] : memref<2048x1024xf32, #tpu.memory_space<hbm>> -> memref<8x1024xf32, #tpu.memory_space<hbm>>
    %dma_wait3A_188 = arith.constant 0 : i32
    %dma_wait3A_189 = tpu.memref_slice %arg3[%add3A_133, %dma_wait3A_188] : memref<2048x1024xf32, #tpu.memory_space<hbm>> -> memref<8x1024xf32, #tpu.memory_space<hbm>>
    tpu.wait_dma2 semaphore(%arg12 : memref<!tpu.dma_semaphore, #tpu.memory_space<semaphore_mem>>) src(%dma_wait3A_189 : memref<8x1024xf32, #tpu.memory_space<hbm>>) dst(%arg9 : memref<8x1024xf32, #tpu.memory_space<vmem>>)
    %dma_wait3A_190 = arith.constant 0 : i32
    %dma_wait3A_191 = arith.constant 0 : i32
    %dma_wait3A_192 = tpu.memref_slice %arg2[%dma_wait3A_190, %add3A_133, %dma_wait3A_191] : memref<4x2048x1024xf32, #tpu.memory_space<hbm>> -> memref<4x8x1024xf32, #tpu.memory_space<hbm>>
    %dma_wait3A_193 = arith.constant 0 : i32
    %dma_wait3A_194 = arith.constant 0 : i32
    %dma_wait3A_195 = tpu.memref_slice %arg2[%dma_wait3A_193, %add3A_133, %dma_wait3A_194] : memref<4x2048x1024xf32, #tpu.memory_space<hbm>> -> memref<4x8x1024xf32, #tpu.memory_space<hbm>>
    tpu.wait_dma2 semaphore(%arg12 : memref<!tpu.dma_semaphore, #tpu.memory_space<semaphore_mem>>) src(%dma_wait3A_195 : memref<4x8x1024xf32, #tpu.memory_space<hbm>>) dst(%arg6 : memref<4x8x1024xf32, #tpu.memory_space<vmem>>)
    %scan3A_196 = arith.constant 0 : i32
    %scan3A_197 = arith.constant 0 : i32
    %scan3A_198 = arith.constant 8 : i32
    %scan3A_199 = arith.addi %scan3A_197, %scan3A_198 : i32
    %scan3A_200 = arith.constant 1 : i32
    scf.for %scan3A_336 = %scan3A_197 to %scan3A_199 step %scan3A_200  : i32 {
      %scan3A_337 = arith.constant 0 : i32
      %scan3A_338 = arith.constant 0 : i32
      %scan3A_339 = arith.constant 16 : i32
      %scan3A_340 = arith.addi %scan3A_338, %scan3A_339 : i32
      %scan3A_341 = arith.constant 1 : i32
      scf.for %scan3A_343 = %scan3A_338 to %scan3A_340 step %scan3A_341  : i32 {
        %mul3A_344 = arith.constant 64 : i32
        %mul3A_345 = arith.muli %scan3A_343, %mul3A_344 : i32
        %add3A_346 = arith.constant 0 : i32
        %add3A_347 = arith.addi %mul3A_345, %add3A_346 : i32
        %get3A = arith.index_cast %scan3A_336 : i32 to index
        %get3A_348 = arith.index_cast %add3A_347 : i32 to index
        %get3A_349 = tpu.vector_load %arg9[%get3A, %get3A_348] {strides = array<i32>} : memref<8x1024xf32, #tpu.memory_space<vmem>>, vector<1x16xf32>,
        %get3A_350 = vector.shape_cast %get3A_349 : vector<1x16xf32> to vector<16xf32>
        %swap3A = arith.constant 0 : i32
        %swap3A_351 = arith.index_cast %swap3A : i32 to index
        %swap3A_352 = arith.index_cast %scan3A_336 : i32 to index
        %swap3A_353 = arith.index_cast %add3A_347 : i32 to index
        %swap3A_354 = tpu.vector_load %arg6[%swap3A_351, %swap3A_352, %swap3A_353] {strides = array<i32>} : memref<4x8x1024xf32, #tpu.memory_space<vmem>>, vector<1x1x16xf32>,
        %swap3A_355 = vector.shape_cast %swap3A_354 : vector<1x1x16xf32> to vector<16xf32>
        %swap3A_356 = vector.shape_cast %get3A_350 : vector<16xf32> to vector<1x1x16xf32>
        tpu.vector_store %arg6[%swap3A_351, %swap3A_352, %swap3A_353], %swap3A_356 {add = true, strides = array<i32>} : memref<4x8x1024xf32, #tpu.memory_space<vmem>>, vector<1x1x16xf32>,
        %swap3A_357 = arith.constant 1 : i32
        %swap3A_358 = arith.index_cast %swap3A_357 : i32 to index
        %swap3A_359 = arith.index_cast %scan3A_336 : i32 to index
        %swap3A_360 = arith.index_cast %add3A_347 : i32 to index
        %swap3A_361 = tpu.vector_load %arg6[%swap3A_358, %swap3A_359, %swap3A_360] {strides = array<i32>} : memref<4x8x1024xf32, #tpu.memory_space<vmem>>, vector<1x1x16xf32>,
        %swap3A_362 = vector.shape_cast %swap3A_361 : vector<1x1x16xf32> to vector<16xf32>
        %swap3A_363 = vector.shape_cast %get3A_350 : vector<16xf32> to vector<1x1x16xf32>
        tpu.vector_store %arg6[%swap3A_358, %swap3A_359, %swap3A_360], %swap3A_363 {add = true, strides = array<i32>} : memref<4x8x1024xf32, #tpu.memory_space<vmem>>, vector<1x1x16xf32>,
        %swap3A_364 = arith.constant 2 : i32
        %swap3A_365 = arith.index_cast %swap3A_364 : i32 to index
        %swap3A_366 = arith.index_cast %scan3A_336 : i32 to index
        %swap3A_367 = arith.index_cast %add3A_347 : i32 to index
        %swap3A_368 = tpu.vector_load %arg6[%swap3A_365, %swap3A_366, %swap3A_367] {strides = array<i32>} : memref<4x8x1024xf32, #tpu.memory_space<vmem>>, vector<1x1x16xf32>,
        %swap3A_369 = vector.shape_cast %swap3A_368 : vector<1x1x16xf32> to vector<16xf32>
        %swap3A_370 = vector.shape_cast %get3A_350 : vector<16xf32> to vector<1x1x16xf32>
        tpu.vector_store %arg6[%swap3A_365, %swap3A_366, %swap3A_367], %swap3A_370 {add = true, strides = array<i32>} : memref<4x8x1024xf32, #tpu.memory_space<vmem>>, vector<1x1x16xf32>,
        %swap3A_371 = arith.constant 3 : i32
        %swap3A_372 = arith.index_cast %swap3A_371 : i32 to index
        %swap3A_373 = arith.index_cast %scan3A_336 : i32 to index
        %swap3A_374 = arith.index_cast %add3A_347 : i32 to index
        %swap3A_375 = tpu.vector_load %arg6[%swap3A_372, %swap3A_373, %swap3A_374] {strides = array<i32>} : memref<4x8x1024xf32, #tpu.memory_space<vmem>>, vector<1x1x16xf32>,
        %swap3A_376 = vector.shape_cast %swap3A_375 : vector<1x1x16xf32> to vector<16xf32>
        %swap3A_377 = vector.shape_cast %get3A_350 : vector<16xf32> to vector<1x1x16xf32>
        tpu.vector_store %arg6[%swap3A_372, %swap3A_373, %swap3A_374], %swap3A_377 {add = true, strides = array<i32>} : memref<4x8x1024xf32, #tpu.memory_space<vmem>>, vector<1x1x16xf32>,
        %add3A_378 = arith.constant 16 : i32
        %add3A_379 = arith.addi %mul3A_345, %add3A_378 : i32
        %get3A_380 = arith.index_cast %scan3A_336 : i32 to index
        %get3A_381 = arith.index_cast %add3A_379 : i32 to index
        %get3A_382 = tpu.vector_load %arg9[%get3A_380, %get3A_381] {strides = array<i32>} : memref<8x1024xf32, #tpu.memory_space<vmem>>, vector<1x16xf32>,
        %get3A_383 = vector.shape_cast %get3A_382 : vector<1x16xf32> to vector<16xf32>
        %swap3A_384 = arith.constant 0 : i32
        %swap3A_385 = arith.index_cast %swap3A_384 : i32 to index
        %swap3A_386 = arith.index_cast %scan3A_336 : i32 to index
        %swap3A_387 = arith.index_cast %add3A_379 : i32 to index
        %swap3A_388 = tpu.vector_load %arg6[%swap3A_385, %swap3A_386, %swap3A_387] {strides = array<i32>} : memref<4x8x1024xf32, #tpu.memory_space<vmem>>, vector<1x1x16xf32>,
        %swap3A_389 = vector.shape_cast %swap3A_388 : vector<1x1x16xf32> to vector<16xf32>
        %swap3A_390 = vector.shape_cast %get3A_383 : vector<16xf32> to vector<1x1x16xf32>
        tpu.vector_store %arg6[%swap3A_385, %swap3A_386, %swap3A_387], %swap3A_390 {add = true, strides = array<i32>} : memref<4x8x1024xf32, #tpu.memory_space<vmem>>, vector<1x1x16xf32>,
        %swap3A_391 = arith.constant 1 : i32
        %swap3A_392 = arith.index_cast %swap3A_391 : i32 to index
        %swap3A_393 = arith.index_cast %scan3A_336 : i32 to index
        %swap3A_394 = arith.index_cast %add3A_379 : i32 to index
        %swap3A_395 = tpu.vector_load %arg6[%swap3A_392, %swap3A_393, %swap3A_394] {strides = array<i32>} : memref<4x8x1024xf32, #tpu.memory_space<vmem>>, vector<1x1x16xf32>,
        %swap3A_396 = vector.shape_cast %swap3A_395 : vector<1x1x16xf32> to vector<16xf32>
        %swap3A_397 = vector.shape_cast %get3A_383 : vector<16xf32> to vector<1x1x16xf32>
        tpu.vector_store %arg6[%swap3A_392, %swap3A_393, %swap3A_394], %swap3A_397 {add = true, strides = array<i32>} : memref<4x8x1024xf32, #tpu.memory_space<vmem>>, vector<1x1x16xf32>,
        %swap3A_398 = arith.constant 2 : i32
        %swap3A_399 = arith.index_cast %swap3A_398 : i32 to index
        %swap3A_400 = arith.index_cast %scan3A_336 : i32 to index
        %swap3A_401 = arith.index_cast %add3A_379 : i32 to index
        %swap3A_402 = tpu.vector_load %arg6[%swap3A_399, %swap3A_400, %swap3A_401] {strides = array<i32>} : memref<4x8x1024xf32, #tpu.memory_space<vmem>>, vector<1x1x16xf32>,
        %swap3A_403 = vector.shape_cast %swap3A_402 : vector<1x1x16xf32> to vector<16xf32>
        %swap3A_404 = vector.shape_cast %get3A_383 : vector<16xf32> to vector<1x1x16xf32>
        tpu.vector_store %arg6[%swap3A_399, %swap3A_400, %swap3A_401], %swap3A_404 {add = true, strides = array<i32>} : memref<4x8x1024xf32, #tpu.memory_space<vmem>>, vector<1x1x16xf32>,
        %swap3A_405 = arith.constant 3 : i32
        %swap3A_406 = arith.index_cast %swap3A_405 : i32 to index
        %swap3A_407 = arith.index_cast %scan3A_336 : i32 to index
        %swap3A_408 = arith.index_cast %add3A_379 : i32 to index
        %swap3A_409 = tpu.vector_load %arg6[%swap3A_406, %swap3A_407, %swap3A_408] {strides = array<i32>} : memref<4x8x1024xf32, #tpu.memory_space<vmem>>, vector<1x1x16xf32>,
        %swap3A_410 = vector.shape_cast %swap3A_409 : vector<1x1x16xf32> to vector<16xf32>
        %swap3A_411 = vector.shape_cast %get3A_383 : vector<16xf32> to vector<1x1x16xf32>
        tpu.vector_store %arg6[%swap3A_406, %swap3A_407, %swap3A_408], %swap3A_411 {add = true, strides = array<i32>} : memref<4x8x1024xf32, #tpu.memory_space<vmem>>, vector<1x1x16xf32>,
        %add3A_412 = arith.constant 32 : i32
        %add3A_413 = arith.addi %mul3A_345, %add3A_412 : i32
        %get3A_414 = arith.index_cast %scan3A_336 : i32 to index
        %get3A_415 = arith.index_cast %add3A_413 : i32 to index
        %get3A_416 = tpu.vector_load %arg9[%get3A_414, %get3A_415] {strides = array<i32>} : memref<8x1024xf32, #tpu.memory_space<vmem>>, vector<1x16xf32>,
        %get3A_417 = vector.shape_cast %get3A_416 : vector<1x16xf32> to vector<16xf32>
        %swap3A_418 = arith.constant 0 : i32
        %swap3A_419 = arith.index_cast %swap3A_418 : i32 to index
        %swap3A_420 = arith.index_cast %scan3A_336 : i32 to index
        %swap3A_421 = arith.index_cast %add3A_413 : i32 to index
        %swap3A_422 = tpu.vector_load %arg6[%swap3A_419, %swap3A_420, %swap3A_421] {strides = array<i32>} : memref<4x8x1024xf32, #tpu.memory_space<vmem>>, vector<1x1x16xf32>,
        %swap3A_423 = vector.shape_cast %swap3A_422 : vector<1x1x16xf32> to vector<16xf32>
        %swap3A_424 = vector.shape_cast %get3A_417 : vector<16xf32> to vector<1x1x16xf32>
        tpu.vector_store %arg6[%swap3A_419, %swap3A_420, %swap3A_421], %swap3A_424 {add = true, strides = array<i32>} : memref<4x8x1024xf32, #tpu.memory_space<vmem>>, vector<1x1x16xf32>,
        %swap3A_425 = arith.constant 1 : i32
        %swap3A_426 = arith.index_cast %swap3A_425 : i32 to index
        %swap3A_427 = arith.index_cast %scan3A_336 : i32 to index
        %swap3A_428 = arith.index_cast %add3A_413 : i32 to index
        %swap3A_429 = tpu.vector_load %arg6[%swap3A_426, %swap3A_427, %swap3A_428] {strides = array<i32>} : memref<4x8x1024xf32, #tpu.memory_space<vmem>>, vector<1x1x16xf32>,
        %swap3A_430 = vector.shape_cast %swap3A_429 : vector<1x1x16xf32> to vector<16xf32>
        %swap3A_431 = vector.shape_cast %get3A_417 : vector<16xf32> to vector<1x1x16xf32>
        tpu.vector_store %arg6[%swap3A_426, %swap3A_427, %swap3A_428], %swap3A_431 {add = true, strides = array<i32>} : memref<4x8x1024xf32, #tpu.memory_space<vmem>>, vector<1x1x16xf32>,
        %swap3A_432 = arith.constant 2 : i32
        %swap3A_433 = arith.index_cast %swap3A_432 : i32 to index
        %swap3A_434 = arith.index_cast %scan3A_336 : i32 to index
        %swap3A_435 = arith.index_cast %add3A_413 : i32 to index
        %swap3A_436 = tpu.vector_load %arg6[%swap3A_433, %swap3A_434, %swap3A_435] {strides = array<i32>} : memref<4x8x1024xf32, #tpu.memory_space<vmem>>, vector<1x1x16xf32>,
        %swap3A_437 = vector.shape_cast %swap3A_436 : vector<1x1x16xf32> to vector<16xf32>
        %swap3A_438 = vector.shape_cast %get3A_417 : vector<16xf32> to vector<1x1x16xf32>
        tpu.vector_store %arg6[%swap3A_433, %swap3A_434, %swap3A_435], %swap3A_438 {add = true, strides = array<i32>} : memref<4x8x1024xf32, #tpu.memory_space<vmem>>, vector<1x1x16xf32>,
        %swap3A_439 = arith.constant 3 : i32
        %swap3A_440 = arith.index_cast %swap3A_439 : i32 to index
        %swap3A_441 = arith.index_cast %scan3A_336 : i32 to index
        %swap3A_442 = arith.index_cast %add3A_413 : i32 to index
        %swap3A_443 = tpu.vector_load %arg6[%swap3A_440, %swap3A_441, %swap3A_442] {strides = array<i32>} : memref<4x8x1024xf32, #tpu.memory_space<vmem>>, vector<1x1x16xf32>,
        %swap3A_444 = vector.shape_cast %swap3A_443 : vector<1x1x16xf32> to vector<16xf32>
        %swap3A_445 = vector.shape_cast %get3A_417 : vector<16xf32> to vector<1x1x16xf32>
        tpu.vector_store %arg6[%swap3A_440, %swap3A_441, %swap3A_442], %swap3A_445 {add = true, strides = array<i32>} : memref<4x8x1024xf32, #tpu.memory_space<vmem>>, vector<1x1x16xf32>,
        %add3A_446 = arith.constant 48 : i32
        %add3A_447 = arith.addi %mul3A_345, %add3A_446 : i32
        %get3A_448 = arith.index_cast %scan3A_336 : i32 to index
        %get3A_449 = arith.index_cast %add3A_447 : i32 to index
        %get3A_450 = tpu.vector_load %arg9[%get3A_448, %get3A_449] {strides = array<i32>} : memref<8x1024xf32, #tpu.memory_space<vmem>>, vector<1x16xf32>,
        %get3A_451 = vector.shape_cast %get3A_450 : vector<1x16xf32> to vector<16xf32>
        %swap3A_452 = arith.constant 0 : i32
        %swap3A_453 = arith.index_cast %swap3A_452 : i32 to index
        %swap3A_454 = arith.index_cast %scan3A_336 : i32 to index
        %swap3A_455 = arith.index_cast %add3A_447 : i32 to index
        %swap3A_456 = tpu.vector_load %arg6[%swap3A_453, %swap3A_454, %swap3A_455] {strides = array<i32>} : memref<4x8x1024xf32, #tpu.memory_space<vmem>>, vector<1x1x16xf32>,
        %swap3A_457 = vector.shape_cast %swap3A_456 : vector<1x1x16xf32> to vector<16xf32>
        %swap3A_458 = vector.shape_cast %get3A_451 : vector<16xf32> to vector<1x1x16xf32>
        tpu.vector_store %arg6[%swap3A_453, %swap3A_454, %swap3A_455], %swap3A_458 {add = true, strides = array<i32>} : memref<4x8x1024xf32, #tpu.memory_space<vmem>>, vector<1x1x16xf32>,
        %swap3A_459 = arith.constant 1 : i32
        %swap3A_460 = arith.index_cast %swap3A_459 : i32 to index
        %swap3A_461 = arith.index_cast %scan3A_336 : i32 to index
        %swap3A_462 = arith.index_cast %add3A_447 : i32 to index
        %swap3A_463 = tpu.vector_load %arg6[%swap3A_460, %swap3A_461, %swap3A_462] {strides = array<i32>} : memref<4x8x1024xf32, #tpu.memory_space<vmem>>, vector<1x1x16xf32>,
        %swap3A_464 = vector.shape_cast %swap3A_463 : vector<1x1x16xf32> to vector<16xf32>
        %swap3A_465 = vector.shape_cast %get3A_451 : vector<16xf32> to vector<1x1x16xf32>
        tpu.vector_store %arg6[%swap3A_460, %swap3A_461, %swap3A_462], %swap3A_465 {add = true, strides = array<i32>} : memref<4x8x1024xf32, #tpu.memory_space<vmem>>, vector<1x1x16xf32>,
        %swap3A_466 = arith.constant 2 : i32
        %swap3A_467 = arith.index_cast %swap3A_466 : i32 to index
        %swap3A_468 = arith.index_cast %scan3A_336 : i32 to index
        %swap3A_469 = arith.index_cast %add3A_447 : i32 to index
        %swap3A_470 = tpu.vector_load %arg6[%swap3A_467, %swap3A_468, %swap3A_469] {strides = array<i32>} : memref<4x8x1024xf32, #tpu.memory_space<vmem>>, vector<1x1x16xf32>,
        %swap3A_471 = vector.shape_cast %swap3A_470 : vector<1x1x16xf32> to vector<16xf32>
        %swap3A_472 = vector.shape_cast %get3A_451 : vector<16xf32> to vector<1x1x16xf32>
        tpu.vector_store %arg6[%swap3A_467, %swap3A_468, %swap3A_469], %swap3A_472 {add = true, strides = array<i32>} : memref<4x8x1024xf32, #tpu.memory_space<vmem>>, vector<1x1x16xf32>,
        %swap3A_473 = arith.constant 3 : i32
        %swap3A_474 = arith.index_cast %swap3A_473 : i32 to index
        %swap3A_475 = arith.index_cast %scan3A_336 : i32 to index
        %swap3A_476 = arith.index_cast %add3A_447 : i32 to index
        %swap3A_477 = tpu.vector_load %arg6[%swap3A_474, %swap3A_475, %swap3A_476] {strides = array<i32>} : memref<4x8x1024xf32, #tpu.memory_space<vmem>>, vector<1x1x16xf32>,
        %swap3A_478 = vector.shape_cast %swap3A_477 : vector<1x1x16xf32> to vector<16xf32>
        %swap3A_479 = vector.shape_cast %get3A_451 : vector<16xf32> to vector<1x1x16xf32>
        tpu.vector_store %arg6[%swap3A_474, %swap3A_475, %swap3A_476], %swap3A_479 {add = true, strides = array<i32>} : memref<4x8x1024xf32, #tpu.memory_space<vmem>>, vector<1x1x16xf32>,
      }
      %scan3A_342 = arith.constant 16 : i32
    }
    %scan3A_201 = arith.constant 8 : i32
    %add3A_202 = arith.constant 32 : i32
    %add3A_203 = arith.addi %mul3A_2, %add3A_202 : i32
    %dma_start3A_204 = arith.constant 0 : i32
    %dma_start3A_205 = arith.constant 0 : i32
    %dma_start3A_206 = tpu.memref_slice %arg4[%dma_start3A_204, %add3A_203, %dma_start3A_205] : memref<4x2048x1024xf32, #tpu.memory_space<hbm>> -> memref<4x8x1024xf32, #tpu.memory_space<hbm>>
    %dma_start3A_207 = arith.constant 0 : i32
    %dma_start3A_208 = arith.constant 0 : i32
    %dma_start3A_209 = tpu.memref_slice %arg4[%dma_start3A_207, %add3A_203, %dma_start3A_208] : memref<4x2048x1024xf32, #tpu.memory_space<hbm>> -> memref<4x8x1024xf32, #tpu.memory_space<hbm>>
    tpu.enqueue_dma source(%arg6 : memref<4x8x1024xf32, #tpu.memory_space<vmem>>) target(%dma_start3A_209 : memref<4x8x1024xf32, #tpu.memory_space<hbm>>) target_semaphore(%arg15 : memref<!tpu.dma_semaphore, #tpu.memory_space<semaphore_mem>>)
    %dma_wait3A_210 = arith.constant 0 : i32
    %dma_wait3A_211 = arith.constant 0 : i32
    %dma_wait3A_212 = tpu.memref_slice %arg4[%dma_wait3A_210, %add3A_161, %dma_wait3A_211] : memref<4x2048x1024xf32, #tpu.memory_space<hbm>> -> memref<4x8x1024xf32, #tpu.memory_space<hbm>>
    %dma_wait3A_213 = arith.constant 0 : i32
    %dma_wait3A_214 = arith.constant 0 : i32
    %dma_wait3A_215 = tpu.memref_slice %arg4[%dma_wait3A_213, %add3A_161, %dma_wait3A_214] : memref<4x2048x1024xf32, #tpu.memory_space<hbm>> -> memref<4x8x1024xf32, #tpu.memory_space<hbm>>
    tpu.wait_dma2 semaphore(%arg14 : memref<!tpu.dma_semaphore, #tpu.memory_space<semaphore_mem>>) src(%arg5 : memref<4x8x1024xf32, #tpu.memory_space<vmem>>) dst(%dma_wait3A_215 : memref<4x8x1024xf32, #tpu.memory_space<hbm>>)
    %add3A_216 = arith.constant 48 : i32
    %add3A_217 = arith.addi %mul3A_2, %add3A_216 : i32
    %dma_start3A_218 = arith.constant 0 : i32
    %dma_start3A_219 = tpu.memref_slice %arg3[%add3A_217, %dma_start3A_218] : memref<2048x1024xf32, #tpu.memory_space<hbm>> -> memref<8x1024xf32, #tpu.memory_space<hbm>>
    %dma_start3A_220 = arith.constant 0 : i32
    %dma_start3A_221 = tpu.memref_slice %arg3[%add3A_217, %dma_start3A_220] : memref<2048x1024xf32, #tpu.memory_space<hbm>> -> memref<8x1024xf32, #tpu.memory_space<hbm>>
    tpu.enqueue_dma source(%dma_start3A_221 : memref<8x1024xf32, #tpu.memory_space<hbm>>) target(%arg8 : memref<8x1024xf32, #tpu.memory_space<vmem>>) target_semaphore(%arg11 : memref<!tpu.dma_semaphore, #tpu.memory_space<semaphore_mem>>)
    %dma_start3A_222 = arith.constant 0 : i32
    %dma_start3A_223 = arith.constant 0 : i32
    %dma_start3A_224 = tpu.memref_slice %arg2[%dma_start3A_222, %add3A_217, %dma_start3A_223] : memref<4x2048x1024xf32, #tpu.memory_space<hbm>> -> memref<4x8x1024xf32, #tpu.memory_space<hbm>>
    %dma_start3A_225 = arith.constant 0 : i32
    %dma_start3A_226 = arith.constant 0 : i32
    %dma_start3A_227 = tpu.memref_slice %arg2[%dma_start3A_225, %add3A_217, %dma_start3A_226] : memref<4x2048x1024xf32, #tpu.memory_space<hbm>> -> memref<4x8x1024xf32, #tpu.memory_space<hbm>>
    tpu.enqueue_dma source(%dma_start3A_227 : memref<4x8x1024xf32, #tpu.memory_space<hbm>>) target(%arg5 : memref<4x8x1024xf32, #tpu.memory_space<vmem>>) target_semaphore(%arg11 : memref<!tpu.dma_semaphore, #tpu.memory_space<semaphore_mem>>)
    %dma_wait3A_228 = arith.constant 0 : i32
    %dma_wait3A_229 = tpu.memref_slice %arg3[%add3A_175, %dma_wait3A_228] : memref<2048x1024xf32, #tpu.memory_space<hbm>> -> memref<8x1024xf32, #tpu.memory_space<hbm>>
    %dma_wait3A_230 = arith.constant 0 : i32
    %dma_wait3A_231 = tpu.memref_slice %arg3[%add3A_175, %dma_wait3A_230] : memref<2048x1024xf32, #tpu.memory_space<hbm>> -> memref<8x1024xf32, #tpu.memory_space<hbm>>
    tpu.wait_dma2 semaphore(%arg13 : memref<!tpu.dma_semaphore, #tpu.memory_space<semaphore_mem>>) src(%dma_wait3A_231 : memref<8x1024xf32, #tpu.memory_space<hbm>>) dst(%arg10 : memref<8x1024xf32, #tpu.memory_space<vmem>>)
    %dma_wait3A_232 = arith.constant 0 : i32
    %dma_wait3A_233 = arith.constant 0 : i32
    %dma_wait3A_234 = tpu.memref_slice %arg2[%dma_wait3A_232, %add3A_175, %dma_wait3A_233] : memref<4x2048x1024xf32, #tpu.memory_space<hbm>> -> memref<4x8x1024xf32, #tpu.memory_space<hbm>>
    %dma_wait3A_235 = arith.constant 0 : i32
    %dma_wait3A_236 = arith.constant 0 : i32
    %dma_wait3A_237 = tpu.memref_slice %arg2[%dma_wait3A_235, %add3A_175, %dma_wait3A_236] : memref<4x2048x1024xf32, #tpu.memory_space<hbm>> -> memref<4x8x1024xf32, #tpu.memory_space<hbm>>
    tpu.wait_dma2 semaphore(%arg13 : memref<!tpu.dma_semaphore, #tpu.memory_space<semaphore_mem>>) src(%dma_wait3A_237 : memref<4x8x1024xf32, #tpu.memory_space<hbm>>) dst(%arg7 : memref<4x8x1024xf32, #tpu.memory_space<vmem>>)
    %scan3A_238 = arith.constant 0 : i32
    %scan3A_239 = arith.constant 0 : i32
    %scan3A_240 = arith.constant 8 : i32
    %scan3A_241 = arith.addi %scan3A_239, %scan3A_240 : i32
    %scan3A_242 = arith.constant 1 : i32
    scf.for %scan3A_336 = %scan3A_239 to %scan3A_241 step %scan3A_242  : i32 {
      %scan3A_337 = arith.constant 0 : i32
      %scan3A_338 = arith.constant 0 : i32
      %scan3A_339 = arith.constant 16 : i32
      %scan3A_340 = arith.addi %scan3A_338, %scan3A_339 : i32
      %scan3A_341 = arith.constant 1 : i32
      scf.for %scan3A_343 = %scan3A_338 to %scan3A_340 step %scan3A_341  : i32 {
        %mul3A_344 = arith.constant 64 : i32
        %mul3A_345 = arith.muli %scan3A_343, %mul3A_344 : i32
        %add3A_346 = arith.constant 0 : i32
        %add3A_347 = arith.addi %mul3A_345, %add3A_346 : i32
        %get3A = arith.index_cast %scan3A_336 : i32 to index
        %get3A_348 = arith.index_cast %add3A_347 : i32 to index
        %get3A_349 = tpu.vector_load %arg10[%get3A, %get3A_348] {strides = array<i32>} : memref<8x1024xf32, #tpu.memory_space<vmem>>, vector<1x16xf32>,
        %get3A_350 = vector.shape_cast %get3A_349 : vector<1x16xf32> to vector<16xf32>
        %swap3A = arith.constant 0 : i32
        %swap3A_351 = arith.index_cast %swap3A : i32 to index
        %swap3A_352 = arith.index_cast %scan3A_336 : i32 to index
        %swap3A_353 = arith.index_cast %add3A_347 : i32 to index
        %swap3A_354 = tpu.vector_load %arg7[%swap3A_351, %swap3A_352, %swap3A_353] {strides = array<i32>} : memref<4x8x1024xf32, #tpu.memory_space<vmem>>, vector<1x1x16xf32>,
        %swap3A_355 = vector.shape_cast %swap3A_354 : vector<1x1x16xf32> to vector<16xf32>
        %swap3A_356 = vector.shape_cast %get3A_350 : vector<16xf32> to vector<1x1x16xf32>
        tpu.vector_store %arg7[%swap3A_351, %swap3A_352, %swap3A_353], %swap3A_356 {add = true, strides = array<i32>} : memref<4x8x1024xf32, #tpu.memory_space<vmem>>, vector<1x1x16xf32>,
        %swap3A_357 = arith.constant 1 : i32
        %swap3A_358 = arith.index_cast %swap3A_357 : i32 to index
        %swap3A_359 = arith.index_cast %scan3A_336 : i32 to index
        %swap3A_360 = arith.index_cast %add3A_347 : i32 to index
        %swap3A_361 = tpu.vector_load %arg7[%swap3A_358, %swap3A_359, %swap3A_360] {strides = array<i32>} : memref<4x8x1024xf32, #tpu.memory_space<vmem>>, vector<1x1x16xf32>,
        %swap3A_362 = vector.shape_cast %swap3A_361 : vector<1x1x16xf32> to vector<16xf32>
        %swap3A_363 = vector.shape_cast %get3A_350 : vector<16xf32> to vector<1x1x16xf32>
        tpu.vector_store %arg7[%swap3A_358, %swap3A_359, %swap3A_360], %swap3A_363 {add = true, strides = array<i32>} : memref<4x8x1024xf32, #tpu.memory_space<vmem>>, vector<1x1x16xf32>,
        %swap3A_364 = arith.constant 2 : i32
        %swap3A_365 = arith.index_cast %swap3A_364 : i32 to index
        %swap3A_366 = arith.index_cast %scan3A_336 : i32 to index
        %swap3A_367 = arith.index_cast %add3A_347 : i32 to index
        %swap3A_368 = tpu.vector_load %arg7[%swap3A_365, %swap3A_366, %swap3A_367] {strides = array<i32>} : memref<4x8x1024xf32, #tpu.memory_space<vmem>>, vector<1x1x16xf32>,
        %swap3A_369 = vector.shape_cast %swap3A_368 : vector<1x1x16xf32> to vector<16xf32>
        %swap3A_370 = vector.shape_cast %get3A_350 : vector<16xf32> to vector<1x1x16xf32>
        tpu.vector_store %arg7[%swap3A_365, %swap3A_366, %swap3A_367], %swap3A_370 {add = true, strides = array<i32>} : memref<4x8x1024xf32, #tpu.memory_space<vmem>>, vector<1x1x16xf32>,
        %swap3A_371 = arith.constant 3 : i32
        %swap3A_372 = arith.index_cast %swap3A_371 : i32 to index
        %swap3A_373 = arith.index_cast %scan3A_336 : i32 to index
        %swap3A_374 = arith.index_cast %add3A_347 : i32 to index
        %swap3A_375 = tpu.vector_load %arg7[%swap3A_372, %swap3A_373, %swap3A_374] {strides = array<i32>} : memref<4x8x1024xf32, #tpu.memory_space<vmem>>, vector<1x1x16xf32>,
        %swap3A_376 = vector.shape_cast %swap3A_375 : vector<1x1x16xf32> to vector<16xf32>
        %swap3A_377 = vector.shape_cast %get3A_350 : vector<16xf32> to vector<1x1x16xf32>
        tpu.vector_store %arg7[%swap3A_372, %swap3A_373, %swap3A_374], %swap3A_377 {add = true, strides = array<i32>} : memref<4x8x1024xf32, #tpu.memory_space<vmem>>, vector<1x1x16xf32>,
        %add3A_378 = arith.constant 16 : i32
        %add3A_379 = arith.addi %mul3A_345, %add3A_378 : i32
        %get3A_380 = arith.index_cast %scan3A_336 : i32 to index
        %get3A_381 = arith.index_cast %add3A_379 : i32 to index
        %get3A_382 = tpu.vector_load %arg10[%get3A_380, %get3A_381] {strides = array<i32>} : memref<8x1024xf32, #tpu.memory_space<vmem>>, vector<1x16xf32>,
        %get3A_383 = vector.shape_cast %get3A_382 : vector<1x16xf32> to vector<16xf32>
        %swap3A_384 = arith.constant 0 : i32
        %swap3A_385 = arith.index_cast %swap3A_384 : i32 to index
        %swap3A_386 = arith.index_cast %scan3A_336 : i32 to index
        %swap3A_387 = arith.index_cast %add3A_379 : i32 to index
        %swap3A_388 = tpu.vector_load %arg7[%swap3A_385, %swap3A_386, %swap3A_387] {strides = array<i32>} : memref<4x8x1024xf32, #tpu.memory_space<vmem>>, vector<1x1x16xf32>,
        %swap3A_389 = vector.shape_cast %swap3A_388 : vector<1x1x16xf32> to vector<16xf32>
        %swap3A_390 = vector.shape_cast %get3A_383 : vector<16xf32> to vector<1x1x16xf32>
        tpu.vector_store %arg7[%swap3A_385, %swap3A_386, %swap3A_387], %swap3A_390 {add = true, strides = array<i32>} : memref<4x8x1024xf32, #tpu.memory_space<vmem>>, vector<1x1x16xf32>,
        %swap3A_391 = arith.constant 1 : i32
        %swap3A_392 = arith.index_cast %swap3A_391 : i32 to index
        %swap3A_393 = arith.index_cast %scan3A_336 : i32 to index
        %swap3A_394 = arith.index_cast %add3A_379 : i32 to index
        %swap3A_395 = tpu.vector_load %arg7[%swap3A_392, %swap3A_393, %swap3A_394] {strides = array<i32>} : memref<4x8x1024xf32, #tpu.memory_space<vmem>>, vector<1x1x16xf32>,
        %swap3A_396 = vector.shape_cast %swap3A_395 : vector<1x1x16xf32> to vector<16xf32>
        %swap3A_397 = vector.shape_cast %get3A_383 : vector<16xf32> to vector<1x1x16xf32>
        tpu.vector_store %arg7[%swap3A_392, %swap3A_393, %swap3A_394], %swap3A_397 {add = true, strides = array<i32>} : memref<4x8x1024xf32, #tpu.memory_space<vmem>>, vector<1x1x16xf32>,
        %swap3A_398 = arith.constant 2 : i32
        %swap3A_399 = arith.index_cast %swap3A_398 : i32 to index
        %swap3A_400 = arith.index_cast %scan3A_336 : i32 to index
        %swap3A_401 = arith.index_cast %add3A_379 : i32 to index
        %swap3A_402 = tpu.vector_load %arg7[%swap3A_399, %swap3A_400, %swap3A_401] {strides = array<i32>} : memref<4x8x1024xf32, #tpu.memory_space<vmem>>, vector<1x1x16xf32>,
        %swap3A_403 = vector.shape_cast %swap3A_402 : vector<1x1x16xf32> to vector<16xf32>
        %swap3A_404 = vector.shape_cast %get3A_383 : vector<16xf32> to vector<1x1x16xf32>
        tpu.vector_store %arg7[%swap3A_399, %swap3A_400, %swap3A_401], %swap3A_404 {add = true, strides = array<i32>} : memref<4x8x1024xf32, #tpu.memory_space<vmem>>, vector<1x1x16xf32>,
        %swap3A_405 = arith.constant 3 : i32
        %swap3A_406 = arith.index_cast %swap3A_405 : i32 to index
        %swap3A_407 = arith.index_cast %scan3A_336 : i32 to index
        %swap3A_408 = arith.index_cast %add3A_379 : i32 to index
        %swap3A_409 = tpu.vector_load %arg7[%swap3A_406, %swap3A_407, %swap3A_408] {strides = array<i32>} : memref<4x8x1024xf32, #tpu.memory_space<vmem>>, vector<1x1x16xf32>,
        %swap3A_410 = vector.shape_cast %swap3A_409 : vector<1x1x16xf32> to vector<16xf32>
        %swap3A_411 = vector.shape_cast %get3A_383 : vector<16xf32> to vector<1x1x16xf32>
        tpu.vector_store %arg7[%swap3A_406, %swap3A_407, %swap3A_408], %swap3A_411 {add = true, strides = array<i32>} : memref<4x8x1024xf32, #tpu.memory_space<vmem>>, vector<1x1x16xf32>,
        %add3A_412 = arith.constant 32 : i32
        %add3A_413 = arith.addi %mul3A_345, %add3A_412 : i32
        %get3A_414 = arith.index_cast %scan3A_336 : i32 to index
        %get3A_415 = arith.index_cast %add3A_413 : i32 to index
        %get3A_416 = tpu.vector_load %arg10[%get3A_414, %get3A_415] {strides = array<i32>} : memref<8x1024xf32, #tpu.memory_space<vmem>>, vector<1x16xf32>,
        %get3A_417 = vector.shape_cast %get3A_416 : vector<1x16xf32> to vector<16xf32>
        %swap3A_418 = arith.constant 0 : i32
        %swap3A_419 = arith.index_cast %swap3A_418 : i32 to index
        %swap3A_420 = arith.index_cast %scan3A_336 : i32 to index
        %swap3A_421 = arith.index_cast %add3A_413 : i32 to index
        %swap3A_422 = tpu.vector_load %arg7[%swap3A_419, %swap3A_420, %swap3A_421] {strides = array<i32>} : memref<4x8x1024xf32, #tpu.memory_space<vmem>>, vector<1x1x16xf32>,
        %swap3A_423 = vector.shape_cast %swap3A_422 : vector<1x1x16xf32> to vector<16xf32>
        %swap3A_424 = vector.shape_cast %get3A_417 : vector<16xf32> to vector<1x1x16xf32>
        tpu.vector_store %arg7[%swap3A_419, %swap3A_420, %swap3A_421], %swap3A_424 {add = true, strides = array<i32>} : memref<4x8x1024xf32, #tpu.memory_space<vmem>>, vector<1x1x16xf32>,
        %swap3A_425 = arith.constant 1 : i32
        %swap3A_426 = arith.index_cast %swap3A_425 : i32 to index
        %swap3A_427 = arith.index_cast %scan3A_336 : i32 to index
        %swap3A_428 = arith.index_cast %add3A_413 : i32 to index
        %swap3A_429 = tpu.vector_load %arg7[%swap3A_426, %swap3A_427, %swap3A_428] {strides = array<i32>} : memref<4x8x1024xf32, #tpu.memory_space<vmem>>, vector<1x1x16xf32>,
        %swap3A_430 = vector.shape_cast %swap3A_429 : vector<1x1x16xf32> to vector<16xf32>
        %swap3A_431 = vector.shape_cast %get3A_417 : vector<16xf32> to vector<1x1x16xf32>
        tpu.vector_store %arg7[%swap3A_426, %swap3A_427, %swap3A_428], %swap3A_431 {add = true, strides = array<i32>} : memref<4x8x1024xf32, #tpu.memory_space<vmem>>, vector<1x1x16xf32>,
        %swap3A_432 = arith.constant 2 : i32
        %swap3A_433 = arith.index_cast %swap3A_432 : i32 to index
        %swap3A_434 = arith.index_cast %scan3A_336 : i32 to index
        %swap3A_435 = arith.index_cast %add3A_413 : i32 to index
        %swap3A_436 = tpu.vector_load %arg7[%swap3A_433, %swap3A_434, %swap3A_435] {strides = array<i32>} : memref<4x8x1024xf32, #tpu.memory_space<vmem>>, vector<1x1x16xf32>,
        %swap3A_437 = vector.shape_cast %swap3A_436 : vector<1x1x16xf32> to vector<16xf32>
        %swap3A_438 = vector.shape_cast %get3A_417 : vector<16xf32> to vector<1x1x16xf32>
        tpu.vector_store %arg7[%swap3A_433, %swap3A_434, %swap3A_435], %swap3A_438 {add = true, strides = array<i32>} : memref<4x8x1024xf32, #tpu.memory_space<vmem>>, vector<1x1x16xf32>,
        %swap3A_439 = arith.constant 3 : i32
        %swap3A_440 = arith.index_cast %swap3A_439 : i32 to index
        %swap3A_441 = arith.index_cast %scan3A_336 : i32 to index
        %swap3A_442 = arith.index_cast %add3A_413 : i32 to index
        %swap3A_443 = tpu.vector_load %arg7[%swap3A_440, %swap3A_441, %swap3A_442] {strides = array<i32>} : memref<4x8x1024xf32, #tpu.memory_space<vmem>>, vector<1x1x16xf32>,
        %swap3A_444 = vector.shape_cast %swap3A_443 : vector<1x1x16xf32> to vector<16xf32>
        %swap3A_445 = vector.shape_cast %get3A_417 : vector<16xf32> to vector<1x1x16xf32>
        tpu.vector_store %arg7[%swap3A_440, %swap3A_441, %swap3A_442], %swap3A_445 {add = true, strides = array<i32>} : memref<4x8x1024xf32, #tpu.memory_space<vmem>>, vector<1x1x16xf32>,
        %add3A_446 = arith.constant 48 : i32
        %add3A_447 = arith.addi %mul3A_345, %add3A_446 : i32
        %get3A_448 = arith.index_cast %scan3A_336 : i32 to index
        %get3A_449 = arith.index_cast %add3A_447 : i32 to index
        %get3A_450 = tpu.vector_load %arg10[%get3A_448, %get3A_449] {strides = array<i32>} : memref<8x1024xf32, #tpu.memory_space<vmem>>, vector<1x16xf32>,
        %get3A_451 = vector.shape_cast %get3A_450 : vector<1x16xf32> to vector<16xf32>
        %swap3A_452 = arith.constant 0 : i32
        %swap3A_453 = arith.index_cast %swap3A_452 : i32 to index
        %swap3A_454 = arith.index_cast %scan3A_336 : i32 to index
        %swap3A_455 = arith.index_cast %add3A_447 : i32 to index
        %swap3A_456 = tpu.vector_load %arg7[%swap3A_453, %swap3A_454, %swap3A_455] {strides = array<i32>} : memref<4x8x1024xf32, #tpu.memory_space<vmem>>, vector<1x1x16xf32>,
        %swap3A_457 = vector.shape_cast %swap3A_456 : vector<1x1x16xf32> to vector<16xf32>
        %swap3A_458 = vector.shape_cast %get3A_451 : vector<16xf32> to vector<1x1x16xf32>
        tpu.vector_store %arg7[%swap3A_453, %swap3A_454, %swap3A_455], %swap3A_458 {add = true, strides = array<i32>} : memref<4x8x1024xf32, #tpu.memory_space<vmem>>, vector<1x1x16xf32>,
        %swap3A_459 = arith.constant 1 : i32
        %swap3A_460 = arith.index_cast %swap3A_459 : i32 to index
        %swap3A_461 = arith.index_cast %scan3A_336 : i32 to index
        %swap3A_462 = arith.index_cast %add3A_447 : i32 to index
        %swap3A_463 = tpu.vector_load %arg7[%swap3A_460, %swap3A_461, %swap3A_462] {strides = array<i32>} : memref<4x8x1024xf32, #tpu.memory_space<vmem>>, vector<1x1x16xf32>,
        %swap3A_464 = vector.shape_cast %swap3A_463 : vector<1x1x16xf32> to vector<16xf32>
        %swap3A_465 = vector.shape_cast %get3A_451 : vector<16xf32> to vector<1x1x16xf32>
        tpu.vector_store %arg7[%swap3A_460, %swap3A_461, %swap3A_462], %swap3A_465 {add = true, strides = array<i32>} : memref<4x8x1024xf32, #tpu.memory_space<vmem>>, vector<1x1x16xf32>,
        %swap3A_466 = arith.constant 2 : i32
        %swap3A_467 = arith.index_cast %swap3A_466 : i32 to index
        %swap3A_468 = arith.index_cast %scan3A_336 : i32 to index
        %swap3A_469 = arith.index_cast %add3A_447 : i32 to index
        %swap3A_470 = tpu.vector_load %arg7[%swap3A_467, %swap3A_468, %swap3A_469] {strides = array<i32>} : memref<4x8x1024xf32, #tpu.memory_space<vmem>>, vector<1x1x16xf32>,
        %swap3A_471 = vector.shape_cast %swap3A_470 : vector<1x1x16xf32> to vector<16xf32>
        %swap3A_472 = vector.shape_cast %get3A_451 : vector<16xf32> to vector<1x1x16xf32>
        tpu.vector_store %arg7[%swap3A_467, %swap3A_468, %swap3A_469], %swap3A_472 {add = true, strides = array<i32>} : memref<4x8x1024xf32, #tpu.memory_space<vmem>>, vector<1x1x16xf32>,
        %swap3A_473 = arith.constant 3 : i32
        %swap3A_474 = arith.index_cast %swap3A_473 : i32 to index
        %swap3A_475 = arith.index_cast %scan3A_336 : i32 to index
        %swap3A_476 = arith.index_cast %add3A_447 : i32 to index
        %swap3A_477 = tpu.vector_load %arg7[%swap3A_474, %swap3A_475, %swap3A_476] {strides = array<i32>} : memref<4x8x1024xf32, #tpu.memory_space<vmem>>, vector<1x1x16xf32>,
        %swap3A_478 = vector.shape_cast %swap3A_477 : vector<1x1x16xf32> to vector<16xf32>
        %swap3A_479 = vector.shape_cast %get3A_451 : vector<16xf32> to vector<1x1x16xf32>
        tpu.vector_store %arg7[%swap3A_474, %swap3A_475, %swap3A_476], %swap3A_479 {add = true, strides = array<i32>} : memref<4x8x1024xf32, #tpu.memory_space<vmem>>, vector<1x1x16xf32>,
      }
      %scan3A_342 = arith.constant 16 : i32
    }
    %scan3A_243 = arith.constant 8 : i32
    %add3A_244 = arith.constant 40 : i32
    %add3A_245 = arith.addi %mul3A_2, %add3A_244 : i32
    %dma_start3A_246 = arith.constant 0 : i32
    %dma_start3A_247 = arith.constant 0 : i32
    %dma_start3A_248 = tpu.memref_slice %arg4[%dma_start3A_246, %add3A_245, %dma_start3A_247] : memref<4x2048x1024xf32, #tpu.memory_space<hbm>> -> memref<4x8x1024xf32, #tpu.memory_space<hbm>>
    %dma_start3A_249 = arith.constant 0 : i32
    %dma_start3A_250 = arith.constant 0 : i32
    %dma_start3A_251 = tpu.memref_slice %arg4[%dma_start3A_249, %add3A_245, %dma_start3A_250] : memref<4x2048x1024xf32, #tpu.memory_space<hbm>> -> memref<4x8x1024xf32, #tpu.memory_space<hbm>>
    tpu.enqueue_dma source(%arg7 : memref<4x8x1024xf32, #tpu.memory_space<vmem>>) target(%dma_start3A_251 : memref<4x8x1024xf32, #tpu.memory_space<hbm>>) target_semaphore(%arg16 : memref<!tpu.dma_semaphore, #tpu.memory_space<semaphore_mem>>)
    %dma_wait3A_252 = arith.constant 0 : i32
    %dma_wait3A_253 = arith.constant 0 : i32
    %dma_wait3A_254 = tpu.memref_slice %arg4[%dma_wait3A_252, %add3A_203, %dma_wait3A_253] : memref<4x2048x1024xf32, #tpu.memory_space<hbm>> -> memref<4x8x1024xf32, #tpu.memory_space<hbm>>
    %dma_wait3A_255 = arith.constant 0 : i32
    %dma_wait3A_256 = arith.constant 0 : i32
    %dma_wait3A_257 = tpu.memref_slice %arg4[%dma_wait3A_255, %add3A_203, %dma_wait3A_256] : memref<4x2048x1024xf32, #tpu.memory_space<hbm>> -> memref<4x8x1024xf32, #tpu.memory_space<hbm>>
    tpu.wait_dma2 semaphore(%arg15 : memref<!tpu.dma_semaphore, #tpu.memory_space<semaphore_mem>>) src(%arg6 : memref<4x8x1024xf32, #tpu.memory_space<vmem>>) dst(%dma_wait3A_257 : memref<4x8x1024xf32, #tpu.memory_space<hbm>>)
    %add3A_258 = arith.constant 56 : i32
    %add3A_259 = arith.addi %mul3A_2, %add3A_258 : i32
    %dma_start3A_260 = arith.constant 0 : i32
    %dma_start3A_261 = tpu.memref_slice %arg3[%add3A_259, %dma_start3A_260] : memref<2048x1024xf32, #tpu.memory_space<hbm>> -> memref<8x1024xf32, #tpu.memory_space<hbm>>
    %dma_start3A_262 = arith.constant 0 : i32
    %dma_start3A_263 = tpu.memref_slice %arg3[%add3A_259, %dma_start3A_262] : memref<2048x1024xf32, #tpu.memory_space<hbm>> -> memref<8x1024xf32, #tpu.memory_space<hbm>>
    tpu.enqueue_dma source(%dma_start3A_263 : memref<8x1024xf32, #tpu.memory_space<hbm>>) target(%arg9 : memref<8x1024xf32, #tpu.memory_space<vmem>>) target_semaphore(%arg12 : memref<!tpu.dma_semaphore, #tpu.memory_space<semaphore_mem>>)
    %dma_start3A_264 = arith.constant 0 : i32
    %dma_start3A_265 = arith.constant 0 : i32
    %dma_start3A_266 = tpu.memref_slice %arg2[%dma_start3A_264, %add3A_259, %dma_start3A_265] : memref<4x2048x1024xf32, #tpu.memory_space<hbm>> -> memref<4x8x1024xf32, #tpu.memory_space<hbm>>
    %dma_start3A_267 = arith.constant 0 : i32
    %dma_start3A_268 = arith.constant 0 : i32
    %dma_start3A_269 = tpu.memref_slice %arg2[%dma_start3A_267, %add3A_259, %dma_start3A_268] : memref<4x2048x1024xf32, #tpu.memory_space<hbm>> -> memref<4x8x1024xf32, #tpu.memory_space<hbm>>
    tpu.enqueue_dma source(%dma_start3A_269 : memref<4x8x1024xf32, #tpu.memory_space<hbm>>) target(%arg6 : memref<4x8x1024xf32, #tpu.memory_space<vmem>>) target_semaphore(%arg12 : memref<!tpu.dma_semaphore, #tpu.memory_space<semaphore_mem>>)
    %dma_wait3A_270 = arith.constant 0 : i32
    %dma_wait3A_271 = tpu.memref_slice %arg3[%add3A_217, %dma_wait3A_270] : memref<2048x1024xf32, #tpu.memory_space<hbm>> -> memref<8x1024xf32, #tpu.memory_space<hbm>>
    %dma_wait3A_272 = arith.constant 0 : i32
    %dma_wait3A_273 = tpu.memref_slice %arg3[%add3A_217, %dma_wait3A_272] : memref<2048x1024xf32, #tpu.memory_space<hbm>> -> memref<8x1024xf32, #tpu.memory_space<hbm>>
    tpu.wait_dma2 semaphore(%arg11 : memref<!tpu.dma_semaphore, #tpu.memory_space<semaphore_mem>>) src(%dma_wait3A_273 : memref<8x1024xf32, #tpu.memory_space<hbm>>) dst(%arg8 : memref<8x1024xf32, #tpu.memory_space<vmem>>)
    %dma_wait3A_274 = arith.constant 0 : i32
    %dma_wait3A_275 = arith.constant 0 : i32
    %dma_wait3A_276 = tpu.memref_slice %arg2[%dma_wait3A_274, %add3A_217, %dma_wait3A_275] : memref<4x2048x1024xf32, #tpu.memory_space<hbm>> -> memref<4x8x1024xf32, #tpu.memory_space<hbm>>
    %dma_wait3A_277 = arith.constant 0 : i32
    %dma_wait3A_278 = arith.constant 0 : i32
    %dma_wait3A_279 = tpu.memref_slice %arg2[%dma_wait3A_277, %add3A_217, %dma_wait3A_278] : memref<4x2048x1024xf32, #tpu.memory_space<hbm>> -> memref<4x8x1024xf32, #tpu.memory_space<hbm>>
    tpu.wait_dma2 semaphore(%arg11 : memref<!tpu.dma_semaphore, #tpu.memory_space<semaphore_mem>>) src(%dma_wait3A_279 : memref<4x8x1024xf32, #tpu.memory_space<hbm>>) dst(%arg5 : memref<4x8x1024xf32, #tpu.memory_space<vmem>>)
    %scan3A_280 = arith.constant 0 : i32
    %scan3A_281 = arith.constant 0 : i32
    %scan3A_282 = arith.constant 8 : i32
    %scan3A_283 = arith.addi %scan3A_281, %scan3A_282 : i32
    %scan3A_284 = arith.constant 1 : i32
    scf.for %scan3A_336 = %scan3A_281 to %scan3A_283 step %scan3A_284  : i32 {
      %scan3A_337 = arith.constant 0 : i32
      %scan3A_338 = arith.constant 0 : i32
      %scan3A_339 = arith.constant 16 : i32
      %scan3A_340 = arith.addi %scan3A_338, %scan3A_339 : i32
      %scan3A_341 = arith.constant 1 : i32
      scf.for %scan3A_343 = %scan3A_338 to %scan3A_340 step %scan3A_341  : i32 {
        %mul3A_344 = arith.constant 64 : i32
        %mul3A_345 = arith.muli %scan3A_343, %mul3A_344 : i32
        %add3A_346 = arith.constant 0 : i32
        %add3A_347 = arith.addi %mul3A_345, %add3A_346 : i32
        %get3A = arith.index_cast %scan3A_336 : i32 to index
        %get3A_348 = arith.index_cast %add3A_347 : i32 to index
        %get3A_349 = tpu.vector_load %arg8[%get3A, %get3A_348] {strides = array<i32>} : memref<8x1024xf32, #tpu.memory_space<vmem>>, vector<1x16xf32>,
        %get3A_350 = vector.shape_cast %get3A_349 : vector<1x16xf32> to vector<16xf32>
        %swap3A = arith.constant 0 : i32
        %swap3A_351 = arith.index_cast %swap3A : i32 to index
        %swap3A_352 = arith.index_cast %scan3A_336 : i32 to index
        %swap3A_353 = arith.index_cast %add3A_347 : i32 to index
        %swap3A_354 = tpu.vector_load %arg5[%swap3A_351, %swap3A_352, %swap3A_353] {strides = array<i32>} : memref<4x8x1024xf32, #tpu.memory_space<vmem>>, vector<1x1x16xf32>,
        %swap3A_355 = vector.shape_cast %swap3A_354 : vector<1x1x16xf32> to vector<16xf32>
        %swap3A_356 = vector.shape_cast %get3A_350 : vector<16xf32> to vector<1x1x16xf32>
        tpu.vector_store %arg5[%swap3A_351, %swap3A_352, %swap3A_353], %swap3A_356 {add = true, strides = array<i32>} : memref<4x8x1024xf32, #tpu.memory_space<vmem>>, vector<1x1x16xf32>,
        %swap3A_357 = arith.constant 1 : i32
        %swap3A_358 = arith.index_cast %swap3A_357 : i32 to index
        %swap3A_359 = arith.index_cast %scan3A_336 : i32 to index
        %swap3A_360 = arith.index_cast %add3A_347 : i32 to index
        %swap3A_361 = tpu.vector_load %arg5[%swap3A_358, %swap3A_359, %swap3A_360] {strides = array<i32>} : memref<4x8x1024xf32, #tpu.memory_space<vmem>>, vector<1x1x16xf32>,
        %swap3A_362 = vector.shape_cast %swap3A_361 : vector<1x1x16xf32> to vector<16xf32>
        %swap3A_363 = vector.shape_cast %get3A_350 : vector<16xf32> to vector<1x1x16xf32>
        tpu.vector_store %arg5[%swap3A_358, %swap3A_359, %swap3A_360], %swap3A_363 {add = true, strides = array<i32>} : memref<4x8x1024xf32, #tpu.memory_space<vmem>>, vector<1x1x16xf32>,
        %swap3A_364 = arith.constant 2 : i32
        %swap3A_365 = arith.index_cast %swap3A_364 : i32 to index
        %swap3A_366 = arith.index_cast %scan3A_336 : i32 to index
        %swap3A_367 = arith.index_cast %add3A_347 : i32 to index
        %swap3A_368 = tpu.vector_load %arg5[%swap3A_365, %swap3A_366, %swap3A_367] {strides = array<i32>} : memref<4x8x1024xf32, #tpu.memory_space<vmem>>, vector<1x1x16xf32>,
        %swap3A_369 = vector.shape_cast %swap3A_368 : vector<1x1x16xf32> to vector<16xf32>
        %swap3A_370 = vector.shape_cast %get3A_350 : vector<16xf32> to vector<1x1x16xf32>
        tpu.vector_store %arg5[%swap3A_365, %swap3A_366, %swap3A_367], %swap3A_370 {add = true, strides = array<i32>} : memref<4x8x1024xf32, #tpu.memory_space<vmem>>, vector<1x1x16xf32>,
        %swap3A_371 = arith.constant 3 : i32
        %swap3A_372 = arith.index_cast %swap3A_371 : i32 to index
        %swap3A_373 = arith.index_cast %scan3A_336 : i32 to index
        %swap3A_374 = arith.index_cast %add3A_347 : i32 to index
        %swap3A_375 = tpu.vector_load %arg5[%swap3A_372, %swap3A_373, %swap3A_374] {strides = array<i32>} : memref<4x8x1024xf32, #tpu.memory_space<vmem>>, vector<1x1x16xf32>,
        %swap3A_376 = vector.shape_cast %swap3A_375 : vector<1x1x16xf32> to vector<16xf32>
        %swap3A_377 = vector.shape_cast %get3A_350 : vector<16xf32> to vector<1x1x16xf32>
        tpu.vector_store %arg5[%swap3A_372, %swap3A_373, %swap3A_374], %swap3A_377 {add = true, strides = array<i32>} : memref<4x8x1024xf32, #tpu.memory_space<vmem>>, vector<1x1x16xf32>,
        %add3A_378 = arith.constant 16 : i32
        %add3A_379 = arith.addi %mul3A_345, %add3A_378 : i32
        %get3A_380 = arith.index_cast %scan3A_336 : i32 to index
        %get3A_381 = arith.index_cast %add3A_379 : i32 to index
        %get3A_382 = tpu.vector_load %arg8[%get3A_380, %get3A_381] {strides = array<i32>} : memref<8x1024xf32, #tpu.memory_space<vmem>>, vector<1x16xf32>,
        %get3A_383 = vector.shape_cast %get3A_382 : vector<1x16xf32> to vector<16xf32>
        %swap3A_384 = arith.constant 0 : i32
        %swap3A_385 = arith.index_cast %swap3A_384 : i32 to index
        %swap3A_386 = arith.index_cast %scan3A_336 : i32 to index
        %swap3A_387 = arith.index_cast %add3A_379 : i32 to index
        %swap3A_388 = tpu.vector_load %arg5[%swap3A_385, %swap3A_386, %swap3A_387] {strides = array<i32>} : memref<4x8x1024xf32, #tpu.memory_space<vmem>>, vector<1x1x16xf32>,
        %swap3A_389 = vector.shape_cast %swap3A_388 : vector<1x1x16xf32> to vector<16xf32>
        %swap3A_390 = vector.shape_cast %get3A_383 : vector<16xf32> to vector<1x1x16xf32>
        tpu.vector_store %arg5[%swap3A_385, %swap3A_386, %swap3A_387], %swap3A_390 {add = true, strides = array<i32>} : memref<4x8x1024xf32, #tpu.memory_space<vmem>>, vector<1x1x16xf32>,
        %swap3A_391 = arith.constant 1 : i32
        %swap3A_392 = arith.index_cast %swap3A_391 : i32 to index
        %swap3A_393 = arith.index_cast %scan3A_336 : i32 to index
        %swap3A_394 = arith.index_cast %add3A_379 : i32 to index
        %swap3A_395 = tpu.vector_load %arg5[%swap3A_392, %swap3A_393, %swap3A_394] {strides = array<i32>} : memref<4x8x1024xf32, #tpu.memory_space<vmem>>, vector<1x1x16xf32>,
        %swap3A_396 = vector.shape_cast %swap3A_395 : vector<1x1x16xf32> to vector<16xf32>
        %swap3A_397 = vector.shape_cast %get3A_383 : vector<16xf32> to vector<1x1x16xf32>
        tpu.vector_store %arg5[%swap3A_392, %swap3A_393, %swap3A_394], %swap3A_397 {add = true, strides = array<i32>} : memref<4x8x1024xf32, #tpu.memory_space<vmem>>, vector<1x1x16xf32>,
        %swap3A_398 = arith.constant 2 : i32
        %swap3A_399 = arith.index_cast %swap3A_398 : i32 to index
        %swap3A_400 = arith.index_cast %scan3A_336 : i32 to index
        %swap3A_401 = arith.index_cast %add3A_379 : i32 to index
        %swap3A_402 = tpu.vector_load %arg5[%swap3A_399, %swap3A_400, %swap3A_401] {strides = array<i32>} : memref<4x8x1024xf32, #tpu.memory_space<vmem>>, vector<1x1x16xf32>,
        %swap3A_403 = vector.shape_cast %swap3A_402 : vector<1x1x16xf32> to vector<16xf32>
        %swap3A_404 = vector.shape_cast %get3A_383 : vector<16xf32> to vector<1x1x16xf32>
        tpu.vector_store %arg5[%swap3A_399, %swap3A_400, %swap3A_401], %swap3A_404 {add = true, strides = array<i32>} : memref<4x8x1024xf32, #tpu.memory_space<vmem>>, vector<1x1x16xf32>,
        %swap3A_405 = arith.constant 3 : i32
        %swap3A_406 = arith.index_cast %swap3A_405 : i32 to index
        %swap3A_407 = arith.index_cast %scan3A_336 : i32 to index
        %swap3A_408 = arith.index_cast %add3A_379 : i32 to index
        %swap3A_409 = tpu.vector_load %arg5[%swap3A_406, %swap3A_407, %swap3A_408] {strides = array<i32>} : memref<4x8x1024xf32, #tpu.memory_space<vmem>>, vector<1x1x16xf32>,
        %swap3A_410 = vector.shape_cast %swap3A_409 : vector<1x1x16xf32> to vector<16xf32>
        %swap3A_411 = vector.shape_cast %get3A_383 : vector<16xf32> to vector<1x1x16xf32>
        tpu.vector_store %arg5[%swap3A_406, %swap3A_407, %swap3A_408], %swap3A_411 {add = true, strides = array<i32>} : memref<4x8x1024xf32, #tpu.memory_space<vmem>>, vector<1x1x16xf32>,
        %add3A_412 = arith.constant 32 : i32
        %add3A_413 = arith.addi %mul3A_345, %add3A_412 : i32
        %get3A_414 = arith.index_cast %scan3A_336 : i32 to index
        %get3A_415 = arith.index_cast %add3A_413 : i32 to index
        %get3A_416 = tpu.vector_load %arg8[%get3A_414, %get3A_415] {strides = array<i32>} : memref<8x1024xf32, #tpu.memory_space<vmem>>, vector<1x16xf32>,
        %get3A_417 = vector.shape_cast %get3A_416 : vector<1x16xf32> to vector<16xf32>
        %swap3A_418 = arith.constant 0 : i32
        %swap3A_419 = arith.index_cast %swap3A_418 : i32 to index
        %swap3A_420 = arith.index_cast %scan3A_336 : i32 to index
        %swap3A_421 = arith.index_cast %add3A_413 : i32 to index
        %swap3A_422 = tpu.vector_load %arg5[%swap3A_419, %swap3A_420, %swap3A_421] {strides = array<i32>} : memref<4x8x1024xf32, #tpu.memory_space<vmem>>, vector<1x1x16xf32>,
        %swap3A_423 = vector.shape_cast %swap3A_422 : vector<1x1x16xf32> to vector<16xf32>
        %swap3A_424 = vector.shape_cast %get3A_417 : vector<16xf32> to vector<1x1x16xf32>
        tpu.vector_store %arg5[%swap3A_419, %swap3A_420, %swap3A_421], %swap3A_424 {add = true, strides = array<i32>} : memref<4x8x1024xf32, #tpu.memory_space<vmem>>, vector<1x1x16xf32>,
        %swap3A_425 = arith.constant 1 : i32
        %swap3A_426 = arith.index_cast %swap3A_425 : i32 to index
        %swap3A_427 = arith.index_cast %scan3A_336 : i32 to index
        %swap3A_428 = arith.index_cast %add3A_413 : i32 to index
        %swap3A_429 = tpu.vector_load %arg5[%swap3A_426, %swap3A_427, %swap3A_428] {strides = array<i32>} : memref<4x8x1024xf32, #tpu.memory_space<vmem>>, vector<1x1x16xf32>,
        %swap3A_430 = vector.shape_cast %swap3A_429 : vector<1x1x16xf32> to vector<16xf32>
        %swap3A_431 = vector.shape_cast %get3A_417 : vector<16xf32> to vector<1x1x16xf32>
        tpu.vector_store %arg5[%swap3A_426, %swap3A_427, %swap3A_428], %swap3A_431 {add = true, strides = array<i32>} : memref<4x8x1024xf32, #tpu.memory_space<vmem>>, vector<1x1x16xf32>,
        %swap3A_432 = arith.constant 2 : i32
        %swap3A_433 = arith.index_cast %swap3A_432 : i32 to index
        %swap3A_434 = arith.index_cast %scan3A_336 : i32 to index
        %swap3A_435 = arith.index_cast %add3A_413 : i32 to index
        %swap3A_436 = tpu.vector_load %arg5[%swap3A_433, %swap3A_434, %swap3A_435] {strides = array<i32>} : memref<4x8x1024xf32, #tpu.memory_space<vmem>>, vector<1x1x16xf32>,
        %swap3A_437 = vector.shape_cast %swap3A_436 : vector<1x1x16xf32> to vector<16xf32>
        %swap3A_438 = vector.shape_cast %get3A_417 : vector<16xf32> to vector<1x1x16xf32>
        tpu.vector_store %arg5[%swap3A_433, %swap3A_434, %swap3A_435], %swap3A_438 {add = true, strides = array<i32>} : memref<4x8x1024xf32, #tpu.memory_space<vmem>>, vector<1x1x16xf32>,
        %swap3A_439 = arith.constant 3 : i32
        %swap3A_440 = arith.index_cast %swap3A_439 : i32 to index
        %swap3A_441 = arith.index_cast %scan3A_336 : i32 to index
        %swap3A_442 = arith.index_cast %add3A_413 : i32 to index
        %swap3A_443 = tpu.vector_load %arg5[%swap3A_440, %swap3A_441, %swap3A_442] {strides = array<i32>} : memref<4x8x1024xf32, #tpu.memory_space<vmem>>, vector<1x1x16xf32>,
        %swap3A_444 = vector.shape_cast %swap3A_443 : vector<1x1x16xf32> to vector<16xf32>
        %swap3A_445 = vector.shape_cast %get3A_417 : vector<16xf32> to vector<1x1x16xf32>
        tpu.vector_store %arg5[%swap3A_440, %swap3A_441, %swap3A_442], %swap3A_445 {add = true, strides = array<i32>} : memref<4x8x1024xf32, #tpu.memory_space<vmem>>, vector<1x1x16xf32>,
        %add3A_446 = arith.constant 48 : i32
        %add3A_447 = arith.addi %mul3A_345, %add3A_446 : i32
        %get3A_448 = arith.index_cast %scan3A_336 : i32 to index
        %get3A_449 = arith.index_cast %add3A_447 : i32 to index
        %get3A_450 = tpu.vector_load %arg8[%get3A_448, %get3A_449] {strides = array<i32>} : memref<8x1024xf32, #tpu.memory_space<vmem>>, vector<1x16xf32>,
        %get3A_451 = vector.shape_cast %get3A_450 : vector<1x16xf32> to vector<16xf32>
        %swap3A_452 = arith.constant 0 : i32
        %swap3A_453 = arith.index_cast %swap3A_452 : i32 to index
        %swap3A_454 = arith.index_cast %scan3A_336 : i32 to index
        %swap3A_455 = arith.index_cast %add3A_447 : i32 to index
        %swap3A_456 = tpu.vector_load %arg5[%swap3A_453, %swap3A_454, %swap3A_455] {strides = array<i32>} : memref<4x8x1024xf32, #tpu.memory_space<vmem>>, vector<1x1x16xf32>,
        %swap3A_457 = vector.shape_cast %swap3A_456 : vector<1x1x16xf32> to vector<16xf32>
        %swap3A_458 = vector.shape_cast %get3A_451 : vector<16xf32> to vector<1x1x16xf32>
        tpu.vector_store %arg5[%swap3A_453, %swap3A_454, %swap3A_455], %swap3A_458 {add = true, strides = array<i32>} : memref<4x8x1024xf32, #tpu.memory_space<vmem>>, vector<1x1x16xf32>,
        %swap3A_459 = arith.constant 1 : i32
        %swap3A_460 = arith.index_cast %swap3A_459 : i32 to index
        %swap3A_461 = arith.index_cast %scan3A_336 : i32 to index
        %swap3A_462 = arith.index_cast %add3A_447 : i32 to index
        %swap3A_463 = tpu.vector_load %arg5[%swap3A_460, %swap3A_461, %swap3A_462] {strides = array<i32>} : memref<4x8x1024xf32, #tpu.memory_space<vmem>>, vector<1x1x16xf32>,
        %swap3A_464 = vector.shape_cast %swap3A_463 : vector<1x1x16xf32> to vector<16xf32>
        %swap3A_465 = vector.shape_cast %get3A_451 : vector<16xf32> to vector<1x1x16xf32>
        tpu.vector_store %arg5[%swap3A_460, %swap3A_461, %swap3A_462], %swap3A_465 {add = true, strides = array<i32>} : memref<4x8x1024xf32, #tpu.memory_space<vmem>>, vector<1x1x16xf32>,
        %swap3A_466 = arith.constant 2 : i32
        %swap3A_467 = arith.index_cast %swap3A_466 : i32 to index
        %swap3A_468 = arith.index_cast %scan3A_336 : i32 to index
        %swap3A_469 = arith.index_cast %add3A_447 : i32 to index
        %swap3A_470 = tpu.vector_load %arg5[%swap3A_467, %swap3A_468, %swap3A_469] {strides = array<i32>} : memref<4x8x1024xf32, #tpu.memory_space<vmem>>, vector<1x1x16xf32>,
        %swap3A_471 = vector.shape_cast %swap3A_470 : vector<1x1x16xf32> to vector<16xf32>
        %swap3A_472 = vector.shape_cast %get3A_451 : vector<16xf32> to vector<1x1x16xf32>
        tpu.vector_store %arg5[%swap3A_467, %swap3A_468, %swap3A_469], %swap3A_472 {add = true, strides = array<i32>} : memref<4x8x1024xf32, #tpu.memory_space<vmem>>, vector<1x1x16xf32>,
        %swap3A_473 = arith.constant 3 : i32
        %swap3A_474 = arith.index_cast %swap3A_473 : i32 to index
        %swap3A_475 = arith.index_cast %scan3A_336 : i32 to index
        %swap3A_476 = arith.index_cast %add3A_447 : i32 to index
        %swap3A_477 = tpu.vector_load %arg5[%swap3A_474, %swap3A_475, %swap3A_476] {strides = array<i32>} : memref<4x8x1024xf32, #tpu.memory_space<vmem>>, vector<1x1x16xf32>,
        %swap3A_478 = vector.shape_cast %swap3A_477 : vector<1x1x16xf32> to vector<16xf32>
        %swap3A_479 = vector.shape_cast %get3A_451 : vector<16xf32> to vector<1x1x16xf32>
        tpu.vector_store %arg5[%swap3A_474, %swap3A_475, %swap3A_476], %swap3A_479 {add = true, strides = array<i32>} : memref<4x8x1024xf32, #tpu.memory_space<vmem>>, vector<1x1x16xf32>,
      }
      %scan3A_342 = arith.constant 16 : i32
    }
    %scan3A_285 = arith.constant 8 : i32
    %add3A_286 = arith.constant 48 : i32
    %add3A_287 = arith.addi %mul3A_2, %add3A_286 : i32
    %dma_start3A_288 = arith.constant 0 : i32
    %dma_start3A_289 = arith.constant 0 : i32
    %dma_start3A_290 = tpu.memref_slice %arg4[%dma_start3A_288, %add3A_287, %dma_start3A_289] : memref<4x2048x1024xf32, #tpu.memory_space<hbm>> -> memref<4x8x1024xf32, #tpu.memory_space<hbm>>
    %dma_start3A_291 = arith.constant 0 : i32
    %dma_start3A_292 = arith.constant 0 : i32
    %dma_start3A_293 = tpu.memref_slice %arg4[%dma_start3A_291, %add3A_287, %dma_start3A_292] : memref<4x2048x1024xf32, #tpu.memory_space<hbm>> -> memref<4x8x1024xf32, #tpu.memory_space<hbm>>
    tpu.enqueue_dma source(%arg5 : memref<4x8x1024xf32, #tpu.memory_space<vmem>>) target(%dma_start3A_293 : memref<4x8x1024xf32, #tpu.memory_space<hbm>>) target_semaphore(%arg14 : memref<!tpu.dma_semaphore, #tpu.memory_space<semaphore_mem>>)
    %dma_wait3A_294 = arith.constant 0 : i32
    %dma_wait3A_295 = arith.constant 0 : i32
    %dma_wait3A_296 = tpu.memref_slice %arg4[%dma_wait3A_294, %add3A_245, %dma_wait3A_295] : memref<4x2048x1024xf32, #tpu.memory_space<hbm>> -> memref<4x8x1024xf32, #tpu.memory_space<hbm>>
    %dma_wait3A_297 = arith.constant 0 : i32
    %dma_wait3A_298 = arith.constant 0 : i32
    %dma_wait3A_299 = tpu.memref_slice %arg4[%dma_wait3A_297, %add3A_245, %dma_wait3A_298] : memref<4x2048x1024xf32, #tpu.memory_space<hbm>> -> memref<4x8x1024xf32, #tpu.memory_space<hbm>>
    tpu.wait_dma2 semaphore(%arg16 : memref<!tpu.dma_semaphore, #tpu.memory_space<semaphore_mem>>) src(%arg7 : memref<4x8x1024xf32, #tpu.memory_space<vmem>>) dst(%dma_wait3A_299 : memref<4x8x1024xf32, #tpu.memory_space<hbm>>)
    %dma_wait3A_300 = arith.constant 0 : i32
    %dma_wait3A_301 = tpu.memref_slice %arg3[%add3A_259, %dma_wait3A_300] : memref<2048x1024xf32, #tpu.memory_space<hbm>> -> memref<8x1024xf32, #tpu.memory_space<hbm>>
    %dma_wait3A_302 = arith.constant 0 : i32
    %dma_wait3A_303 = tpu.memref_slice %arg3[%add3A_259, %dma_wait3A_302] : memref<2048x1024xf32, #tpu.memory_space<hbm>> -> memref<8x1024xf32, #tpu.memory_space<hbm>>
    tpu.wait_dma2 semaphore(%arg12 : memref<!tpu.dma_semaphore, #tpu.memory_space<semaphore_mem>>) src(%dma_wait3A_303 : memref<8x1024xf32, #tpu.memory_space<hbm>>) dst(%arg9 : memref<8x1024xf32, #tpu.memory_space<vmem>>)
    %dma_wait3A_304 = arith.constant 0 : i32
    %dma_wait3A_305 = arith.constant 0 : i32
    %dma_wait3A_306 = tpu.memref_slice %arg2[%dma_wait3A_304, %add3A_259, %dma_wait3A_305] : memref<4x2048x1024xf32, #tpu.memory_space<hbm>> -> memref<4x8x1024xf32, #tpu.memory_space<hbm>>
    %dma_wait3A_307 = arith.constant 0 : i32
    %dma_wait3A_308 = arith.constant 0 : i32
    %dma_wait3A_309 = tpu.memref_slice %arg2[%dma_wait3A_307, %add3A_259, %dma_wait3A_308] : memref<4x2048x1024xf32, #tpu.memory_space<hbm>> -> memref<4x8x1024xf32, #tpu.memory_space<hbm>>
    tpu.wait_dma2 semaphore(%arg12 : memref<!tpu.dma_semaphore, #tpu.memory_space<semaphore_mem>>) src(%dma_wait3A_309 : memref<4x8x1024xf32, #tpu.memory_space<hbm>>) dst(%arg6 : memref<4x8x1024xf32, #tpu.memory_space<vmem>>)
    %scan3A_310 = arith.constant 0 : i32
    %scan3A_311 = arith.constant 0 : i32
    %scan3A_312 = arith.constant 8 : i32
    %scan3A_313 = arith.addi %scan3A_311, %scan3A_312 : i32
    %scan3A_314 = arith.constant 1 : i32
    scf.for %scan3A_336 = %scan3A_311 to %scan3A_313 step %scan3A_314  : i32 {
      %scan3A_337 = arith.constant 0 : i32
      %scan3A_338 = arith.constant 0 : i32
      %scan3A_339 = arith.constant 16 : i32
      %scan3A_340 = arith.addi %scan3A_338, %scan3A_339 : i32
      %scan3A_341 = arith.constant 1 : i32
      scf.for %scan3A_343 = %scan3A_338 to %scan3A_340 step %scan3A_341  : i32 {
        %mul3A_344 = arith.constant 64 : i32
        %mul3A_345 = arith.muli %scan3A_343, %mul3A_344 : i32
        %add3A_346 = arith.constant 0 : i32
        %add3A_347 = arith.addi %mul3A_345, %add3A_346 : i32
        %get3A = arith.index_cast %scan3A_336 : i32 to index
        %get3A_348 = arith.index_cast %add3A_347 : i32 to index
        %get3A_349 = tpu.vector_load %arg9[%get3A, %get3A_348] {strides = array<i32>} : memref<8x1024xf32, #tpu.memory_space<vmem>>, vector<1x16xf32>,
        %get3A_350 = vector.shape_cast %get3A_349 : vector<1x16xf32> to vector<16xf32>
        %swap3A = arith.constant 0 : i32
        %swap3A_351 = arith.index_cast %swap3A : i32 to index
        %swap3A_352 = arith.index_cast %scan3A_336 : i32 to index
        %swap3A_353 = arith.index_cast %add3A_347 : i32 to index
        %swap3A_354 = tpu.vector_load %arg6[%swap3A_351, %swap3A_352, %swap3A_353] {strides = array<i32>} : memref<4x8x1024xf32, #tpu.memory_space<vmem>>, vector<1x1x16xf32>,
        %swap3A_355 = vector.shape_cast %swap3A_354 : vector<1x1x16xf32> to vector<16xf32>
        %swap3A_356 = vector.shape_cast %get3A_350 : vector<16xf32> to vector<1x1x16xf32>
        tpu.vector_store %arg6[%swap3A_351, %swap3A_352, %swap3A_353], %swap3A_356 {add = true, strides = array<i32>} : memref<4x8x1024xf32, #tpu.memory_space<vmem>>, vector<1x1x16xf32>,
        %swap3A_357 = arith.constant 1 : i32
        %swap3A_358 = arith.index_cast %swap3A_357 : i32 to index
        %swap3A_359 = arith.index_cast %scan3A_336 : i32 to index
        %swap3A_360 = arith.index_cast %add3A_347 : i32 to index
        %swap3A_361 = tpu.vector_load %arg6[%swap3A_358, %swap3A_359, %swap3A_360] {strides = array<i32>} : memref<4x8x1024xf32, #tpu.memory_space<vmem>>, vector<1x1x16xf32>,
        %swap3A_362 = vector.shape_cast %swap3A_361 : vector<1x1x16xf32> to vector<16xf32>
        %swap3A_363 = vector.shape_cast %get3A_350 : vector<16xf32> to vector<1x1x16xf32>
        tpu.vector_store %arg6[%swap3A_358, %swap3A_359, %swap3A_360], %swap3A_363 {add = true, strides = array<i32>} : memref<4x8x1024xf32, #tpu.memory_space<vmem>>, vector<1x1x16xf32>,
        %swap3A_364 = arith.constant 2 : i32
        %swap3A_365 = arith.index_cast %swap3A_364 : i32 to index
        %swap3A_366 = arith.index_cast %scan3A_336 : i32 to index
        %swap3A_367 = arith.index_cast %add3A_347 : i32 to index
        %swap3A_368 = tpu.vector_load %arg6[%swap3A_365, %swap3A_366, %swap3A_367] {strides = array<i32>} : memref<4x8x1024xf32, #tpu.memory_space<vmem>>, vector<1x1x16xf32>,
        %swap3A_369 = vector.shape_cast %swap3A_368 : vector<1x1x16xf32> to vector<16xf32>
        %swap3A_370 = vector.shape_cast %get3A_350 : vector<16xf32> to vector<1x1x16xf32>
        tpu.vector_store %arg6[%swap3A_365, %swap3A_366, %swap3A_367], %swap3A_370 {add = true, strides = array<i32>} : memref<4x8x1024xf32, #tpu.memory_space<vmem>>, vector<1x1x16xf32>,
        %swap3A_371 = arith.constant 3 : i32
        %swap3A_372 = arith.index_cast %swap3A_371 : i32 to index
        %swap3A_373 = arith.index_cast %scan3A_336 : i32 to index
        %swap3A_374 = arith.index_cast %add3A_347 : i32 to index
        %swap3A_375 = tpu.vector_load %arg6[%swap3A_372, %swap3A_373, %swap3A_374] {strides = array<i32>} : memref<4x8x1024xf32, #tpu.memory_space<vmem>>, vector<1x1x16xf32>,
        %swap3A_376 = vector.shape_cast %swap3A_375 : vector<1x1x16xf32> to vector<16xf32>
        %swap3A_377 = vector.shape_cast %get3A_350 : vector<16xf32> to vector<1x1x16xf32>
        tpu.vector_store %arg6[%swap3A_372, %swap3A_373, %swap3A_374], %swap3A_377 {add = true, strides = array<i32>} : memref<4x8x1024xf32, #tpu.memory_space<vmem>>, vector<1x1x16xf32>,
        %add3A_378 = arith.constant 16 : i32
        %add3A_379 = arith.addi %mul3A_345, %add3A_378 : i32
        %get3A_380 = arith.index_cast %scan3A_336 : i32 to index
        %get3A_381 = arith.index_cast %add3A_379 : i32 to index
        %get3A_382 = tpu.vector_load %arg9[%get3A_380, %get3A_381] {strides = array<i32>} : memref<8x1024xf32, #tpu.memory_space<vmem>>, vector<1x16xf32>,
        %get3A_383 = vector.shape_cast %get3A_382 : vector<1x16xf32> to vector<16xf32>
        %swap3A_384 = arith.constant 0 : i32
        %swap3A_385 = arith.index_cast %swap3A_384 : i32 to index
        %swap3A_386 = arith.index_cast %scan3A_336 : i32 to index
        %swap3A_387 = arith.index_cast %add3A_379 : i32 to index
        %swap3A_388 = tpu.vector_load %arg6[%swap3A_385, %swap3A_386, %swap3A_387] {strides = array<i32>} : memref<4x8x1024xf32, #tpu.memory_space<vmem>>, vector<1x1x16xf32>,
        %swap3A_389 = vector.shape_cast %swap3A_388 : vector<1x1x16xf32> to vector<16xf32>
        %swap3A_390 = vector.shape_cast %get3A_383 : vector<16xf32> to vector<1x1x16xf32>
        tpu.vector_store %arg6[%swap3A_385, %swap3A_386, %swap3A_387], %swap3A_390 {add = true, strides = array<i32>} : memref<4x8x1024xf32, #tpu.memory_space<vmem>>, vector<1x1x16xf32>,
        %swap3A_391 = arith.constant 1 : i32
        %swap3A_392 = arith.index_cast %swap3A_391 : i32 to index
        %swap3A_393 = arith.index_cast %scan3A_336 : i32 to index
        %swap3A_394 = arith.index_cast %add3A_379 : i32 to index
        %swap3A_395 = tpu.vector_load %arg6[%swap3A_392, %swap3A_393, %swap3A_394] {strides = array<i32>} : memref<4x8x1024xf32, #tpu.memory_space<vmem>>, vector<1x1x16xf32>,
        %swap3A_396 = vector.shape_cast %swap3A_395 : vector<1x1x16xf32> to vector<16xf32>
        %swap3A_397 = vector.shape_cast %get3A_383 : vector<16xf32> to vector<1x1x16xf32>
        tpu.vector_store %arg6[%swap3A_392, %swap3A_393, %swap3A_394], %swap3A_397 {add = true, strides = array<i32>} : memref<4x8x1024xf32, #tpu.memory_space<vmem>>, vector<1x1x16xf32>,
        %swap3A_398 = arith.constant 2 : i32
        %swap3A_399 = arith.index_cast %swap3A_398 : i32 to index
        %swap3A_400 = arith.index_cast %scan3A_336 : i32 to index
        %swap3A_401 = arith.index_cast %add3A_379 : i32 to index
        %swap3A_402 = tpu.vector_load %arg6[%swap3A_399, %swap3A_400, %swap3A_401] {strides = array<i32>} : memref<4x8x1024xf32, #tpu.memory_space<vmem>>, vector<1x1x16xf32>,
        %swap3A_403 = vector.shape_cast %swap3A_402 : vector<1x1x16xf32> to vector<16xf32>
        %swap3A_404 = vector.shape_cast %get3A_383 : vector<16xf32> to vector<1x1x16xf32>
        tpu.vector_store %arg6[%swap3A_399, %swap3A_400, %swap3A_401], %swap3A_404 {add = true, strides = array<i32>} : memref<4x8x1024xf32, #tpu.memory_space<vmem>>, vector<1x1x16xf32>,
        %swap3A_405 = arith.constant 3 : i32
        %swap3A_406 = arith.index_cast %swap3A_405 : i32 to index
        %swap3A_407 = arith.index_cast %scan3A_336 : i32 to index
        %swap3A_408 = arith.index_cast %add3A_379 : i32 to index
        %swap3A_409 = tpu.vector_load %arg6[%swap3A_406, %swap3A_407, %swap3A_408] {strides = array<i32>} : memref<4x8x1024xf32, #tpu.memory_space<vmem>>, vector<1x1x16xf32>,
        %swap3A_410 = vector.shape_cast %swap3A_409 : vector<1x1x16xf32> to vector<16xf32>
        %swap3A_411 = vector.shape_cast %get3A_383 : vector<16xf32> to vector<1x1x16xf32>
        tpu.vector_store %arg6[%swap3A_406, %swap3A_407, %swap3A_408], %swap3A_411 {add = true, strides = array<i32>} : memref<4x8x1024xf32, #tpu.memory_space<vmem>>, vector<1x1x16xf32>,
        %add3A_412 = arith.constant 32 : i32
        %add3A_413 = arith.addi %mul3A_345, %add3A_412 : i32
        %get3A_414 = arith.index_cast %scan3A_336 : i32 to index
        %get3A_415 = arith.index_cast %add3A_413 : i32 to index
        %get3A_416 = tpu.vector_load %arg9[%get3A_414, %get3A_415] {strides = array<i32>} : memref<8x1024xf32, #tpu.memory_space<vmem>>, vector<1x16xf32>,
        %get3A_417 = vector.shape_cast %get3A_416 : vector<1x16xf32> to vector<16xf32>
        %swap3A_418 = arith.constant 0 : i32
        %swap3A_419 = arith.index_cast %swap3A_418 : i32 to index
        %swap3A_420 = arith.index_cast %scan3A_336 : i32 to index
        %swap3A_421 = arith.index_cast %add3A_413 : i32 to index
        %swap3A_422 = tpu.vector_load %arg6[%swap3A_419, %swap3A_420, %swap3A_421] {strides = array<i32>} : memref<4x8x1024xf32, #tpu.memory_space<vmem>>, vector<1x1x16xf32>,
        %swap3A_423 = vector.shape_cast %swap3A_422 : vector<1x1x16xf32> to vector<16xf32>
        %swap3A_424 = vector.shape_cast %get3A_417 : vector<16xf32> to vector<1x1x16xf32>
        tpu.vector_store %arg6[%swap3A_419, %swap3A_420, %swap3A_421], %swap3A_424 {add = true, strides = array<i32>} : memref<4x8x1024xf32, #tpu.memory_space<vmem>>, vector<1x1x16xf32>,
        %swap3A_425 = arith.constant 1 : i32
        %swap3A_426 = arith.index_cast %swap3A_425 : i32 to index
        %swap3A_427 = arith.index_cast %scan3A_336 : i32 to index
        %swap3A_428 = arith.index_cast %add3A_413 : i32 to index
        %swap3A_429 = tpu.vector_load %arg6[%swap3A_426, %swap3A_427, %swap3A_428] {strides = array<i32>} : memref<4x8x1024xf32, #tpu.memory_space<vmem>>, vector<1x1x16xf32>,
        %swap3A_430 = vector.shape_cast %swap3A_429 : vector<1x1x16xf32> to vector<16xf32>
        %swap3A_431 = vector.shape_cast %get3A_417 : vector<16xf32> to vector<1x1x16xf32>
        tpu.vector_store %arg6[%swap3A_426, %swap3A_427, %swap3A_428], %swap3A_431 {add = true, strides = array<i32>} : memref<4x8x1024xf32, #tpu.memory_space<vmem>>, vector<1x1x16xf32>,
        %swap3A_432 = arith.constant 2 : i32
        %swap3A_433 = arith.index_cast %swap3A_432 : i32 to index
        %swap3A_434 = arith.index_cast %scan3A_336 : i32 to index
        %swap3A_435 = arith.index_cast %add3A_413 : i32 to index
        %swap3A_436 = tpu.vector_load %arg6[%swap3A_433, %swap3A_434, %swap3A_435] {strides = array<i32>} : memref<4x8x1024xf32, #tpu.memory_space<vmem>>, vector<1x1x16xf32>,
        %swap3A_437 = vector.shape_cast %swap3A_436 : vector<1x1x16xf32> to vector<16xf32>
        %swap3A_438 = vector.shape_cast %get3A_417 : vector<16xf32> to vector<1x1x16xf32>
        tpu.vector_store %arg6[%swap3A_433, %swap3A_434, %swap3A_435], %swap3A_438 {add = true, strides = array<i32>} : memref<4x8x1024xf32, #tpu.memory_space<vmem>>, vector<1x1x16xf32>,
        %swap3A_439 = arith.constant 3 : i32
        %swap3A_440 = arith.index_cast %swap3A_439 : i32 to index
        %swap3A_441 = arith.index_cast %scan3A_336 : i32 to index
        %swap3A_442 = arith.index_cast %add3A_413 : i32 to index
        %swap3A_443 = tpu.vector_load %arg6[%swap3A_440, %swap3A_441, %swap3A_442] {strides = array<i32>} : memref<4x8x1024xf32, #tpu.memory_space<vmem>>, vector<1x1x16xf32>,
        %swap3A_444 = vector.shape_cast %swap3A_443 : vector<1x1x16xf32> to vector<16xf32>
        %swap3A_445 = vector.shape_cast %get3A_417 : vector<16xf32> to vector<1x1x16xf32>
        tpu.vector_store %arg6[%swap3A_440, %swap3A_441, %swap3A_442], %swap3A_445 {add = true, strides = array<i32>} : memref<4x8x1024xf32, #tpu.memory_space<vmem>>, vector<1x1x16xf32>,
        %add3A_446 = arith.constant 48 : i32
        %add3A_447 = arith.addi %mul3A_345, %add3A_446 : i32
        %get3A_448 = arith.index_cast %scan3A_336 : i32 to index
        %get3A_449 = arith.index_cast %add3A_447 : i32 to index
        %get3A_450 = tpu.vector_load %arg9[%get3A_448, %get3A_449] {strides = array<i32>} : memref<8x1024xf32, #tpu.memory_space<vmem>>, vector<1x16xf32>,
        %get3A_451 = vector.shape_cast %get3A_450 : vector<1x16xf32> to vector<16xf32>
        %swap3A_452 = arith.constant 0 : i32
        %swap3A_453 = arith.index_cast %swap3A_452 : i32 to index
        %swap3A_454 = arith.index_cast %scan3A_336 : i32 to index
        %swap3A_455 = arith.index_cast %add3A_447 : i32 to index
        %swap3A_456 = tpu.vector_load %arg6[%swap3A_453, %swap3A_454, %swap3A_455] {strides = array<i32>} : memref<4x8x1024xf32, #tpu.memory_space<vmem>>, vector<1x1x16xf32>,
        %swap3A_457 = vector.shape_cast %swap3A_456 : vector<1x1x16xf32> to vector<16xf32>
        %swap3A_458 = vector.shape_cast %get3A_451 : vector<16xf32> to vector<1x1x16xf32>
        tpu.vector_store %arg6[%swap3A_453, %swap3A_454, %swap3A_455], %swap3A_458 {add = true, strides = array<i32>} : memref<4x8x1024xf32, #tpu.memory_space<vmem>>, vector<1x1x16xf32>,
        %swap3A_459 = arith.constant 1 : i32
        %swap3A_460 = arith.index_cast %swap3A_459 : i32 to index
        %swap3A_461 = arith.index_cast %scan3A_336 : i32 to index
        %swap3A_462 = arith.index_cast %add3A_447 : i32 to index
        %swap3A_463 = tpu.vector_load %arg6[%swap3A_460, %swap3A_461, %swap3A_462] {strides = array<i32>} : memref<4x8x1024xf32, #tpu.memory_space<vmem>>, vector<1x1x16xf32>,
        %swap3A_464 = vector.shape_cast %swap3A_463 : vector<1x1x16xf32> to vector<16xf32>
        %swap3A_465 = vector.shape_cast %get3A_451 : vector<16xf32> to vector<1x1x16xf32>
        tpu.vector_store %arg6[%swap3A_460, %swap3A_461, %swap3A_462], %swap3A_465 {add = true, strides = array<i32>} : memref<4x8x1024xf32, #tpu.memory_space<vmem>>, vector<1x1x16xf32>,
        %swap3A_466 = arith.constant 2 : i32
        %swap3A_467 = arith.index_cast %swap3A_466 : i32 to index
        %swap3A_468 = arith.index_cast %scan3A_336 : i32 to index
        %swap3A_469 = arith.index_cast %add3A_447 : i32 to index
        %swap3A_470 = tpu.vector_load %arg6[%swap3A_467, %swap3A_468, %swap3A_469] {strides = array<i32>} : memref<4x8x1024xf32, #tpu.memory_space<vmem>>, vector<1x1x16xf32>,
        %swap3A_471 = vector.shape_cast %swap3A_470 : vector<1x1x16xf32> to vector<16xf32>
        %swap3A_472 = vector.shape_cast %get3A_451 : vector<16xf32> to vector<1x1x16xf32>
        tpu.vector_store %arg6[%swap3A_467, %swap3A_468, %swap3A_469], %swap3A_472 {add = true, strides = array<i32>} : memref<4x8x1024xf32, #tpu.memory_space<vmem>>, vector<1x1x16xf32>,
        %swap3A_473 = arith.constant 3 : i32
        %swap3A_474 = arith.index_cast %swap3A_473 : i32 to index
        %swap3A_475 = arith.index_cast %scan3A_336 : i32 to index
        %swap3A_476 = arith.index_cast %add3A_447 : i32 to index
        %swap3A_477 = tpu.vector_load %arg6[%swap3A_474, %swap3A_475, %swap3A_476] {strides = array<i32>} : memref<4x8x1024xf32, #tpu.memory_space<vmem>>, vector<1x1x16xf32>,
        %swap3A_478 = vector.shape_cast %swap3A_477 : vector<1x1x16xf32> to vector<16xf32>
        %swap3A_479 = vector.shape_cast %get3A_451 : vector<16xf32> to vector<1x1x16xf32>
        tpu.vector_store %arg6[%swap3A_474, %swap3A_475, %swap3A_476], %swap3A_479 {add = true, strides = array<i32>} : memref<4x8x1024xf32, #tpu.memory_space<vmem>>, vector<1x1x16xf32>,
      }
      %scan3A_342 = arith.constant 16 : i32
    }
    %scan3A_315 = arith.constant 8 : i32
    %add3A_316 = arith.constant 56 : i32
    %add3A_317 = arith.addi %mul3A_2, %add3A_316 : i32
    %dma_start3A_318 = arith.constant 0 : i32
    %dma_start3A_319 = arith.constant 0 : i32
    %dma_start3A_320 = tpu.memref_slice %arg4[%dma_start3A_318, %add3A_317, %dma_start3A_319] : memref<4x2048x1024xf32, #tpu.memory_space<hbm>> -> memref<4x8x1024xf32, #tpu.memory_space<hbm>>
    %dma_start3A_321 = arith.constant 0 : i32
    %dma_start3A_322 = arith.constant 0 : i32
    %dma_start3A_323 = tpu.memref_slice %arg4[%dma_start3A_321, %add3A_317, %dma_start3A_322] : memref<4x2048x1024xf32, #tpu.memory_space<hbm>> -> memref<4x8x1024xf32, #tpu.memory_space<hbm>>
    tpu.enqueue_dma source(%arg6 : memref<4x8x1024xf32, #tpu.memory_space<vmem>>) target(%dma_start3A_323 : memref<4x8x1024xf32, #tpu.memory_space<hbm>>) target_semaphore(%arg15 : memref<!tpu.dma_semaphore, #tpu.memory_space<semaphore_mem>>)
    %dma_wait3A_324 = arith.constant 0 : i32
    %dma_wait3A_325 = arith.constant 0 : i32
    %dma_wait3A_326 = tpu.memref_slice %arg4[%dma_wait3A_324, %add3A_287, %dma_wait3A_325] : memref<4x2048x1024xf32, #tpu.memory_space<hbm>> -> memref<4x8x1024xf32, #tpu.memory_space<hbm>>
    %dma_wait3A_327 = arith.constant 0 : i32
    %dma_wait3A_328 = arith.constant 0 : i32
    %dma_wait3A_329 = tpu.memref_slice %arg4[%dma_wait3A_327, %add3A_287, %dma_wait3A_328] : memref<4x2048x1024xf32, #tpu.memory_space<hbm>> -> memref<4x8x1024xf32, #tpu.memory_space<hbm>>
    tpu.wait_dma2 semaphore(%arg14 : memref<!tpu.dma_semaphore, #tpu.memory_space<semaphore_mem>>) src(%arg5 : memref<4x8x1024xf32, #tpu.memory_space<vmem>>) dst(%dma_wait3A_329 : memref<4x8x1024xf32, #tpu.memory_space<hbm>>)
    %dma_wait3A_330 = arith.constant 0 : i32
    %dma_wait3A_331 = arith.constant 0 : i32
    %dma_wait3A_332 = tpu.memref_slice %arg4[%dma_wait3A_330, %add3A_317, %dma_wait3A_331] : memref<4x2048x1024xf32, #tpu.memory_space<hbm>> -> memref<4x8x1024xf32, #tpu.memory_space<hbm>>
    %dma_wait3A_333 = arith.constant 0 : i32
    %dma_wait3A_334 = arith.constant 0 : i32
    %dma_wait3A_335 = tpu.memref_slice %arg4[%dma_wait3A_333, %add3A_317, %dma_wait3A_334] : memref<4x2048x1024xf32, #tpu.memory_space<hbm>> -> memref<4x8x1024xf32, #tpu.memory_space<hbm>>
    tpu.wait_dma2 semaphore(%arg15 : memref<!tpu.dma_semaphore, #tpu.memory_space<semaphore_mem>>) src(%arg6 : memref<4x8x1024xf32, #tpu.memory_space<vmem>>) dst(%dma_wait3A_335 : memref<4x8x1024xf32, #tpu.memory_space<hbm>>)
    return
  }
}

</mosaic_0001>

<sc_bundles>
// kernel: kernel.3.cloned.1.call-start
scs
__scs_entry_jumppad:
0x0: {  	(pc) =	sbr.rel $0x88, $3  }
0x1: {  	(tag) =	ssettag $0x0;
	lr =	simm.s32 $0x1  }
0x2: {  	[smem:$0x3F9F] =	sst lr;
	_ =	strace $0xD0000000  }
0x3: {  	_ = 	snop  }
0x4: {  	_ = 	snop  }
0x5: {  	_ = 	snop  }
0x6: {  	_ = 	snop  }
0x7: {  	_ = 	snop  }
__scs_overlays_trampoline_lowered:
0x8: {  	[smem:$0x3FAE] =	sst s0  }
0x9: {  	[smem:$0x3FAF] =	sst s1  }
0xa: {  	[smem:$0x3FB0] =	sst s2  }
0xb: {  	[smem:$0x3FB1] =	sst s3  }
0xc: {  	[smem:$0x3FB2] =	sst s4  }
0xd: {  	[smem:$0x3FB3] =	sst s5  }
0xe: {  	[smem:$0x3FB4] =	sst s6  }
0xf: {  	[smem:$0x3FB5] =	sst s7  }
0x10: {  	[smem:$0x3FB6] =	sst s8  }
0x11: {  	[smem:$0x3FB7] =	sst s9;
	s0 =	simm.s32 @!p0 $0x0  }
0x12: {  	s1 =	sld [smem:$0x3F9D];
	s0 =	simm.s32 @p0 $0x1  }
0x13: {  	[smem:$0x3FB8] =	sst s0;
	s0 =	simm.s32 @!p1 $0x0  }
0x14: {  	s2 =	sld [smem:$0x3F9C];
	s0 =	simm.s32 @p1 $0x1  }
0x15: {  	[smem:$0x3FB9] =	sst s0;
	s0 =	simm.s32 @!p2 $0x0  }
0x16: {  	s3 =	sld [smem:$0x3FDB];
	s0 =	simm.s32 @p2 $0x1  }
0x17: {  	s4 =	simm.s32 $0x1BF5;
	[smem:$0x3FBB] =	sst s0  }
0x18: {  	s0 =	sld [smem:$0x3F9E];
	_ =	swait.ge [sflag:s4], $0x0  }
0x19: {  	s7 =	sld [smem:$0x3F9F]  }
0x1a: {  	s8 =	sadd.s32 $0xFFFFE003, lr  }
0x1b: {  	s9 =	sadd.s32 $0xFFFFFEF7, lr;
	s5 =	simm.s32 $0xFFFFFFFF;
	p2 =	slt.u32 s8, $0xFFFFF086  }
0x1c: {  	p1 =	slt.u32 s9, $0xF7A;
	s5 =	simm.s32 @!p2 $0x0  }
0x1d: {  	s5 =	simm.s32 @p1 $0x1;
	p0 =	seq.s32 s7, s2  }
0x1e: {  	s7 =	smul.u32 @!p0 $0xF7A, s2;
	p2 =	seq.s32 @!p0 s5, $0x0  }
0x1f: {  	s9 =	smul.u32 $0xF7A, s1;
	s8 =	simm.s32 @!p0 $0x1BF5;
	p2 =	por !p2, p0  }
0x20: {  	[sflag:s8] =	ssyncset.s32 @!p0 $0xFFFFF086;
	s6 =	sadd.s32 @!p0 s3, s7;
	s7 =	simm.s32 @!p0 $0x108  }
0x21: {  	s3 =	sadd.s32 s3, s9;
	s6 =	sadd.s32 @!p0 $0x88, s6;
	s7 =	simm.s32 @p2 $0x1082  }
0x22: {  	[simem:s7], [sflag:s8] =	dma.local @!p0 [hbm:s6], $0xF7A  }
0x23: {  	s9 =	sor.u32 $0xD0000000, s2;
	s6 =	simm.s32 $0x108;
	_ =	swait.ge @!p0 [sflag:s8], $0x0  }
0x24: {  	s3 =	sadd.s32 $0x88, s3;
	s6 =	simm.s32 @!p1 $0x1082;
	[sflag:s4] =	ssyncset.s32 $0xFFFFF086  }
0x25: {  	[simem:s6], [sflag:s4] =	dma.local [hbm:s3], $0xF7A  }
0x26: {  	[smem:$0x3F9F] =	sst s1;
	(tag) =	ssettag s2;
	_ =	strace s9  }
0x27: {  	s1 =	sld [smem:$0x3FAF]  }
0x28: {  	s2 =	sld [smem:$0x3FB0]  }
0x29: {  	s4 =	sld [smem:$0x3FB2]  }
0x2a: {  	p0 =	seq.s32 s5, $0x0;
	s5 =	sld [smem:$0x3FB3]  }
0x2b: {  	s6 =	sld [smem:$0x3FB4]  }
0x2c: {  	s7 =	sld [smem:$0x3FB5]  }
0x2d: {  	s3 =	simm.s32 $0x108;
	s8 =	sld [smem:$0x3FB6]  }
0x2e: {  	s3 =	simm.s32 @!p0 $0x1082;
	s9 =	sld [smem:$0x3FB7]  }
0x2f: {  	lr =	sadd.s32 s0, s3;
	s0 =	sld [smem:$0x3FAE]  }
0x30: {  	s3 =	sld [smem:$0x3FB1]  }
0x31: {  	[smem:$0x3FBA] =	sst s10  }
0x32: {  	s10 =	sld [smem:$0x3FB8];
	_ =	sdelay $0x3  }
0x33: {  	p0 =	seq.s32 s10, $0x1;
	s10 =	sld [smem:$0x3FBA];
	_ =	sdelay $0x3  }
0x34: {  	[smem:$0x3FBA] =	sst s10  }
0x35: {  	s10 =	sld [smem:$0x3FB9];
	_ =	sdelay $0x3  }
0x36: {  	p1 =	seq.s32 s10, $0x1;
	s10 =	sld [smem:$0x3FBA];
	_ =	sdelay $0x3  }
0x37: {  	[smem:$0x3FBA] =	sst s10  }
0x38: {  	s10 =	sld [smem:$0x3FBB]  }
0x39: {  	_ = 	snop;
	(pc) =	sbr.ind lr, $3  }
0x3a: {  	_ = 	snop  }
0x3b: {  	_ = 	snop  }
0x3c: {  	p2 =	seq.s32 s10, $0x1;
	s10 =	sld [smem:$0x3FBA]  }
0x3d: {  	_ =	shalt  }
0x3e: {  	_ =	shalt  }
0x3f: {  	_ =	shalt  }
0x40: {  	_ =	shalt  }
0x41: {  	_ =	shalt  }
0x42: {  	_ =	shalt  }
0x43: {  	_ =	shalt  }
0x44: {  	_ =	shalt  }
0x45: {  	_ =	shalt  }
0x46: {  	_ =	shalt  }
0x47: {  	_ =	shalt  }
0x48: {  	_ =	shalt  }
0x49: {  	_ =	shalt  }
0x4a: {  	_ =	shalt  }
0x4b: {  	_ =	shalt  }
0x4c: {  	_ =	shalt  }
0x4d: {  	_ =	shalt  }
0x4e: {  	_ =	shalt  }
0x4f: {  	_ =	shalt  }
0x50: {  	_ =	shalt  }
0x51: {  	_ =	shalt  }
0x52: {  	_ =	shalt  }
0x53: {  	_ =	shalt  }
0x54: {  	_ =	shalt  }
0x55: {  	_ =	shalt  }
0x56: {  	_ =	shalt  }
0x57: {  	_ =	shalt  }
0x58: {  	_ =	shalt  }
0x59: {  	_ =	shalt  }
0x5a: {  	_ =	shalt  }
0x5b: {  	_ =	shalt  }
0x5c: {  	_ =	shalt  }
0x5d: {  	_ =	shalt  }
0x5e: {  	_ =	shalt  }
0x5f: {  	_ =	shalt  }
0x60: {  	_ =	shalt  }
0x61: {  	_ =	shalt  }
0x62: {  	_ =	shalt  }
0x63: {  	_ =	shalt  }
0x64: {  	_ =	shalt  }
0x65: {  	_ =	shalt  }
0x66: {  	_ =	shalt  }
0x67: {  	_ =	shalt  }
0x68: {  	_ =	shalt  }
0x69: {  	_ =	shalt  }
0x6a: {  	_ =	shalt  }
0x6b: {  	_ =	shalt  }
0x6c: {  	_ =	shalt  }
0x6d: {  	_ =	shalt  }
0x6e: {  	_ =	shalt  }
0x6f: {  	_ =	shalt  }
0x70: {  	_ =	shalt  }
0x71: {  	_ =	shalt  }
0x72: {  	_ =	shalt  }
0x73: {  	_ =	shalt  }
0x74: {  	_ =	shalt  }
0x75: {  	_ =	shalt  }
0x76: {  	_ =	shalt  }
0x77: {  	_ =	shalt  }
0x78: {  	_ =	shalt  }
0x79: {  	_ =	shalt  }
0x7a: {  	_ =	shalt  }
0x7b: {  	_ =	shalt  }
0x7c: {  	_ =	shalt  }
0x7d: {  	_ =	shalt  }
0x7e: {  	_ =	shalt  }
0x7f: {  	_ =	shalt  }
0x80: {  	_ =	shalt  }
0x81: {  	_ =	shalt  }
0x82: {  	_ =	shalt  }
0x83: {  	_ =	shalt  }
0x84: {  	_ =	shalt  }
0x85: {  	_ =	shalt  }
0x86: {  	_ =	shalt  }
0x87: {  	_ =	shalt  }
.Lfunc_end0:
.L_simem_size_0:
called_computation_lowered:
.L_overlay_start_0:
0x88: {  	s2 =	sld [smem:$0x3FD9]  }
0x89: {  	s3 =	sld [smem:$0x3FFE];
	_ =	sdelay $0x1  }
0x8a: {  	s1 =	srdreg.scid  }
0x8b: {  	s0 =	sand.u32 $0x1, s1  }
0x8c: {  	s18 =	sshll.u32 s0, $0xA;
	s2 =	sadd.s32 s3, s2  }
0x8d: {  	s2 =	sadd.s32 s2, s18  }
0x8e: {  	[smem:$0x3FC6] =	sst s2  }
0x8f: {  	_ = 	snop  }
0x90: {  	s2 =	sld [smem:$0x3FC9]  }
0x91: {  	s19 =	sld [smem:$0x3FC8]  }
0x92: {  	s4 =	sld [smem:$0x3FD0];
	(tm) =	ssettm $0x1  }
0x93: {  	s5 =	sld [smem:$0x3FFB];
	_ =	sdelay $0x3  }
0x94: {  	_ =	strace s5  }
0x95: {  	s5 =	sld [smem:$0x3FFC];
	_ =	sdelay $0x3  }
0x96: {  	_ =	strace s5  }
0x97: {  	s5 =	sld [smem:$0x3FFD];
	_ =	sdelay $0x3  }
0x98: {  	_ =	strace s5  }
0x99: {  	_ =	strace $0x8FFFFFFF  }
0x9a: {  	s20 =	sld [smem:$0x3FDB];
	_ =	sdelay $0x1  }
0x9b: {  	s6 =	simm.s32 $_scs_section_size  }
0x9c: {  	s7 =	simm.s32 $_size__tile_overlayer_lowered;
	s8 =	simm.s32 $_tile_overlayer_lowered  }
0x9d: {  	s23 =	simm.s32 $0x1BFF;
	s22 =	sshll.u32 s8, $0x1;
	s5 =	sadd.s32 s6, s20  }
0x9e: {  	s9 =	simm.s32 $0x0;
	s21 =	sshll.u32 s7, $0x1;
	s7 =	sadd.s32 s22, s5  }
0x9f: {  	[timem:s9], [sflag:s23] =	dma.local [hbm:s7], s21  }
0xa0: {  	_ =	swait.ge [sflag:s23], s21  }
0xa1: {  	s6 =	ssub.s32 $0x0, s21;
	[sflag:s23] =	ssyncset.done $0x0  }
0xa2: {  	[sflag:s23] =	ssyncadd.s32 s6;
	_ =	sdelay $0x1  }
0xa3: {  	s24 =	simm.s32 $0x1B8B  }
0xa4: {  	_ =	swait.ge [sflag:s24], $0x1  }
0xa5: {  	[sflag:s24] =	ssyncset.done $0x0  }
0xa6: {  	s25 =	simm.s32 $0x1B8E;
	[sflag:s24] =	ssyncadd.s32 $0xFFFFFFFF  }
0xa7: {  	s26 =	simm.s32 $execute0_lowered;
	[smem:$0x3FD2] =	sst s25  }
0xa8: {  	s6 =	sshll.u32 s26, $0x1;
	_ =	strace $0x80000046;
	[dreg:$0x1] =	wrdreg $0xFFFFFFFF  }
0xa9: {  	s28 =	simm.s32 $_size_execute0_lowered;
	s5 =	sadd.s32 s5, s6;
	[dreg:$0x0] =	wrdreg $0x0  }
0xaa: {  	s6 =	sshll.u32 s28, $0x1;
	[dreg:$0x2] =	wrdreg s5  }
0xab: {  	[dreg:$0x3] =	wrdreg s6  }
0xac: {  	[dreg:$0x4] =	wrdreg $0xC0  }
0xad: {  	_ =	task [dreg:s9], $0x5FFFF  }
0xae: {  	[dreg:$0x1] =	wrdreg $0xFFFFFFFF  }
0xaf: {  	[dreg:$0x0] =	wrdreg $0x60  }
0xb0: {  	[dreg:$0x2] =	wrdreg s2  }
0xb1: {  	[dreg:$0x3] =	wrdreg s19  }
0xb2: {  	[dreg:$0x4] =	wrdreg s4  }
0xb3: {  	[dreg:$0x5] =	wrdreg $0x9  }
0xb4: {  	_ =	task.clear_ibuf [dreg:s9], $0x6FFFF;
	_ =	strace $0x90000046  }
0xb5: {  	s29 =	simm.s32 $0x9;
	_ =	strace $0x80000048  }
0xb6: {  	_ =	swait.ge [sflag:s29], $0x1  }
0xb7: {  	[sflag:s29] =	ssyncadd.s32 $0xFFFFFFFF  }
0xb8: {  	_ =	strace $0x90000048  }
0xb9: {  	_ =	sfence  }
0xba: {  	s30 =	sld [smem:$0x0];
	_ =	sdelay $0x2  }
0xbb: {  	s31 =	sshll.u32 s1, $0xD;
	s1 =	sshrl.u32 s1, $0x2  }
0xbc: {  	s3 =	sand.u32 $0x4000, s31;
	s1 =	sadd.s32 s1, s30  }
0xbd: {  	s0 =	sor.u32 s3, s0;
	s1 =	sshll.u32 s1, $0x11  }
0xbe: {  	s0 =	sor.u32 s1, s0  }
0xbf: {  	s0 =	sadd.s32 $0x8F2B, s0  }
0xc0: {  	[sflag:s0] =	ssyncadd.remote.s32 $0x1  }
0xc1: {  	_ =	sfence.sel $0xFFFF  }
0xc2: {  	[dreg:$0x0] =	wrdreg $0xFFFFFFFF;
	(pc) =	sbr.abs _section_cstart, $3  }
0xc3: {  	[dreg:$0x1] =	wrdreg $0xFFFFFFFF  }
0xc4: {  	_ =	task.clear_ibuf [dreg:s9], $0x2FFFF;
	_ =	strace $0x9FFFFFFF  }
0xc5: {  	(tm) =	ssettm $0x7FFFFFFF  }
tec
execute0_lowered:
.L_overlay_start_1:
0x0: {  	(tag) =	ssettag $0x1  }
0x1: {  	s0 =	rddreg [dreg:$0x0];
	s1 =	srdreg.scid  }
0x2: {  	s2 =	rddreg [dreg:$0x1];
	s7 =	stileid.u32;
	s4 =	sand.u32 $0x1, s1  }
0x3: {  	s7 =	sshll.u32 s7, $0xE;
	s5 =	ssub.s32 $0x2, s4;
	s4 =	sshll.u32 s4, $0xD  }
0x4: {  	s3 =	rddreg [dreg:$0x2];
	s1 =	simm.s32 $0x0;
	s4 =	sor.u32 s4, s7  }
0x5: {  	[smem:$0x7FF] =	sst s1;
	s25 =	sadd.s32 s2, s4  }
0x6: {  	s26 =	sadd.s32 s0, s4;
	s28 =	sor.u32 $0x400, s4;
	[dreg:$0x4] =	wrdreg s25  }
0x7: {  	s6 =	sshrl.u32 s5, $0x1;
	[dreg:$0x5] =	wrdreg s26;
	s8 =	sadd.s32 s2, s28  }
0x8: {  	s10 =	sor.u32 $0x800, s4;
	s9 =	sadd.s32 s0, s28;
	[dreg:$0x6] =	wrdreg s8  }
0x9: {  	s5 =	ssub.s32 s5, s6;
	s11 =	sadd.s32 s0, s10;
	[dreg:$0x7] =	wrdreg s9  }
0xa: {  	s12 =	sor.u32 $0xC00, s4;
	s6 =	sadd.s32 s3, s28;
	[dreg:$0x9] =	wrdreg s11  }
0xb: {  	s13 =	sadd.s32 s2, s12;
	[dreg:$0xb] =	wrdreg s6  }
0xc: {  	s14 =	sadd.s32 s0, s12;
	[dreg:$0xc] =	wrdreg s13  }
0xd: {  	s16 =	sor.u32 $0x1000, s4;
	s15 =	sadd.s32 s3, s10;
	[dreg:$0xd] =	wrdreg s14  }
0xe: {  	s17 =	sadd.s32 s2, s16;
	[dreg:$0xe] =	wrdreg s15  }
0xf: {  	s19 =	sor.u32 $0x1400, s4;
	s18 =	sadd.s32 s0, s16;
	[dreg:$0xf] =	wrdreg s17  }
0x10: {  	s29 =	simm.s32 $0x18000;
	s20 =	sadd.s32 s2, s19;
	[dreg:$0x10] =	wrdreg s18  }
0x11: {  	s30 =	simm.s32 $0x2000;
	s21 =	sadd.s32 s0, s19;
	[dreg:$0x12] =	wrdreg s20  }
0x12: {  	s22 =	sor.u32 $0x1800, s4;
	s7 =	sadd.s32 s3, s19;
	[dreg:$0x13] =	wrdreg s21  }
0x13: {  	s31 =	simm.s32 $0x200000;
	s23 =	sadd.s32 s2, s22;
	[dreg:$0x15] =	wrdreg s7  }
0x14: {  	s24 =	sadd.s32 s0, s22;
	s25 =	sadd.s32 s3, s22;
	[dreg:$0x16] =	wrdreg s23  }
0x15: {  	s28 =	smax.u32 s5, $0x1;
	s19 =	simm.s32 $0x1A000;
	[dreg:$0x18] =	wrdreg s24  }
0x16: {  	s5 =	simm.s32 $0x2;
	s8 =	sadd.s32 s2, s10;
	[dreg:$0x1a] =	wrdreg s25  }
0x17: {  	s9 =	sadd.s32 s3, s4;
	s6 =	sadd.s32 s3, s16;
	[dreg:$0x8] =	wrdreg s8  }
0x18: {  	s4 =	sor.u32 $0x1C00, s4;
	s7 =	simm.s32 $0x3;
	[dreg:$0xa] =	wrdreg s9  }
0x19: {  	s10 =	simm.s32 $0x0;
	s8 =	sadd.s32 s3, s12;
	[dreg:$0x14] =	wrdreg s6  }
0x1a: {  	s2 =	sadd.s32 s2, s4;
	s0 =	sadd.s32 s0, s4;
	[dreg:$0x11] =	wrdreg s8  }
0x1b: {  	s26 =	sadd.s32 s3, s4;
	s3 =	simm.s32 $0x10000;
	[dreg:$0x17] =	wrdreg s2  }
0x1c: {  	s4 =	simm.s32 $0x1;
	s6 =	simm.s32 $0x4;
	[dreg:$0x19] =	wrdreg s0  }
0x1d: {  	s9 =	simm.s32 $0x6;
	[dreg:$0x1b] =	wrdreg s26;
	s0 =	simm.s32 $0x8000  }
0x1e: {  	s8 =	simm.s32 $0x5;
	_ =	strace $0x80000047;
	[dreg:$0x1c] =	wrdreg s28  }
.LBB2_1:
0x1f: {  	s2 =	rddreg [dreg:$0x4]  }
0x20: {  	[tilespmem:s29], [sflag:$0x1] =	stream.linear.gather [hbm4b:s2+s1], $0x2000, $0x38;
	[tilespmem:$0x1E000] =	vst v63  }
0x21: {  	s23 =	rddreg [dreg:$0x5]  }
0x22: {  	[tilespmem:s1], [sflag:$0x1] =	stream.strided.gather [hbm4b:s23+s30], $0x8000, s31, s30, $0x38;
	[tilespmem:$0x1E000] =	vst v63  }
0x23: {  	s24 =	rddreg [dreg:$0x6]  }
0x24: {  	[tilespmem:s19], [sflag:$0x2] =	stream.linear.gather [hbm4b:s24+s1], $0x2000, $0x38;
	[tilespmem:$0x1E000] =	vst v63  }
0x25: {  	s25 =	rddreg [dreg:$0x7]  }
0x26: {  	[tilespmem:s0], [sflag:$0x2] =	stream.strided.gather [hbm4b:s25+s30], $0x8000, s31, s30, $0x38;
	[tilespmem:$0x1E000] =	vst v63  }
0x27: {  	s26 =	rddreg [dreg:$0x8];
	s11 =	simm.s32 $0x1C000  }
0x28: {  	[tilespmem:s11], [sflag:$0x3] =	stream.linear.gather [hbm4b:s26+s1], $0x2000, $0x38;
	[tilespmem:$0x1E000] =	vst v63  }
0x29: {  	s28 =	rddreg [dreg:$0x9]  }
0x2a: {  	[tilespmem:s3], [sflag:$0x3] =	stream.strided.gather [hbm4b:s28+s30], $0x8000, s31, s30, $0x38;
	[tilespmem:$0x1E000] =	vst v63  }
0x2b: {  	_ =	swait.ge [sflag:s4], $0x2000  }
0x2c: {  	[sflag:s4] =	ssyncset.done $0x0  }
0x2d: {  	[sflag:s4] =	ssyncadd.s32 $0xFFFFE000  }
0x2e: {  	_ =	swait.ge [sflag:s4], $0x8000  }
0x2f: {  	[sflag:s4] =	ssyncset.done $0x0  }
0x30: {  	s11 =	simm.s32 $0x0;
	[sflag:s4] =	ssyncadd.s32 $0xFFFF8000  }
.LBB2_2:
0x31: {  	s12 =	simm.s32 $0x0  }
0x32: {  	s2 =	sshll.u32 s11, $0x7;
	s15 =	sand.u32 $0x1C00, s12  }
0x33: {  	s16 =	sand.u32 $0x40, s12;
	s17 =	sor.u32 s2, s15  }
0x34: {  	s18 =	sor.u32 s16, s17  }
0x35: {  	v0 =	vld [tilespmem:s18+$0x18000];
	_ =	sdelay $0x2  }
0x36: {  	s13 =	sadd.s32 $0x2000, s2  }
0x37: {  	s14 =	sadd.s32 $0x4000, s2;
	s20 =	sadd.s32 s15, s13  }
0x38: {  	s12 =	sadd.s32 $0x6000, s2;
	s21 =	sadd.s32 s15, s14;
	s23 =	sadd.s32 s16, s20;
	[tilespmem:s18+$0x0] =	vst.add.f32.msk $0xffff, v0  }
0x39: {  	s15 =	sadd.s32 s15, s12;
	s24 =	sadd.s32 s16, s21;
	[tilespmem:s23+$0x0] =	vst.add.f32.msk $0xffff, v0  }
0x3a: {  	s22 =	sor.u32 $0x10, s16;
	s25 =	sadd.s32 s16, s15;
	[tilespmem:s24+$0x0] =	vst.add.f32.msk $0xffff, v0  }
0x3b: {  	s26 =	sor.u32 s22, s17;
	[tilespmem:s25+$0x0] =	vst.add.f32.msk $0xffff, v0  }
0x3c: {  	v0 =	vld [tilespmem:s26+$0x18000];
	_ =	sdelay $0x4  }
0x3d: {  	s28 =	sadd.s32 s22, s20;
	[tilespmem:s26+$0x0] =	vst.add.f32.msk $0xffff, v0  }
0x3e: {  	s23 =	sadd.s32 s22, s21;
	[tilespmem:s28+$0x0] =	vst.add.f32.msk $0xffff, v0  }
0x3f: {  	s24 =	sadd.s32 s22, s15;
	s25 =	sor.u32 $0x20, s16;
	[tilespmem:s23+$0x0] =	vst.add.f32.msk $0xffff, v0  }
0x40: {  	s26 =	sor.u32 s25, s17;
	[tilespmem:s24+$0x0] =	vst.add.f32.msk $0xffff, v0  }
0x41: {  	v0 =	vld [tilespmem:s26+$0x18000];
	_ =	sdelay $0x4  }
0x42: {  	s28 =	sadd.s32 s25, s20;
	[tilespmem:s26+$0x0] =	vst.add.f32.msk $0xffff, v0  }
0x43: {  	s23 =	sadd.s32 s25, s21;
	[tilespmem:s28+$0x0] =	vst.add.f32.msk $0xffff, v0  }
0x44: {  	s24 =	sadd.s32 s25, s15;
	s25 =	sor.u32 $0x30, s16;
	[tilespmem:s23+$0x0] =	vst.add.f32.msk $0xffff, v0  }
0x45: {  	s17 =	sor.u32 s25, s17;
	[tilespmem:s24+$0x0] =	vst.add.f32.msk $0xffff, v0  }
0x46: {  	v0 =	vld [tilespmem:s17+$0x18000];
	_ =	sdelay $0x3  }
0x47: {  	s21 =	sadd.s32 s25, s21;
	s26 =	simm.s32 $0x40  }
0x48: {  	s16 =	sand.u32 $0x40, s26;
	s28 =	sadd.s32 s25, s20;
	s20 =	simm.s32 $0x200;
	[tilespmem:s17+$0x0] =	vst.add.f32.msk $0xffff, v0  }
0x49: {  	s25 =	sadd.s32 s25, s15;
	s23 =	sand.u32 $0x1C00, s20;
	s24 =	simm.s32 $0x80;
	[tilespmem:s28+$0x0] =	vst.add.f32.msk $0xffff, v0  }
0x4a: {  	s18 =	sor.u32 s2, s23;
	s15 =	sadd.s32 s23, s14;
	s17 =	sadd.s32 s23, s13;
	[tilespmem:s21+$0x0] =	vst.add.f32.msk $0xffff, v0  }
.LBB2_3:
0x4b: {  	s26 =	sor.u32 s16, s18  }
0x4c: {  	s22 =	sadd.s32 s23, s12;
	[tilespmem:s25+$0x0] =	vst.add.f32.msk $0xffff, v0;
	s23 =	smov.u32 s24;
	s21 =	sadd.s32 $0x40, s24  }
0x4d: {  	p0 =	sne.s32 s24, $0x3C0;
	v0 =	vld [tilespmem:s26+$0x18000];
	_ =	sdelay $0x4  }
0x4e: {  	s24 =	sadd.s32 s16, s17;
	[tilespmem:s26+$0x0] =	vst.add.f32.msk $0xffff, v0  }
0x4f: {  	[tilespmem:s24+$0x0] =	vst.add.f32.msk $0xffff, v0;
	s24 =	sadd.s32 s16, s15  }
0x50: {  	s25 =	sor.u32 $0x10, s16;
	[tilespmem:s24+$0x0] =	vst.add.f32.msk $0xffff, v0;
	s24 =	sadd.s32 s16, s22  }
0x51: {  	[tilespmem:s24+$0x0] =	vst.add.f32.msk $0xffff, v0;
	s24 =	sor.u32 s25, s18  }
0x52: {  	v0 =	vld [tilespmem:s24+$0x18000];
	_ =	sdelay $0x4  }
0x53: {  	[tilespmem:s24+$0x0] =	vst.add.f32.msk $0xffff, v0;
	s24 =	sadd.s32 s25, s17  }
0x54: {  	[tilespmem:s24+$0x0] =	vst.add.f32.msk $0xffff, v0;
	s24 =	sadd.s32 s25, s15  }
0x55: {  	[tilespmem:s24+$0x0] =	vst.add.f32.msk $0xffff, v0;
	s24 =	sadd.s32 s25, s22;
	s25 =	sor.u32 $0x20, s16  }
0x56: {  	[tilespmem:s24+$0x0] =	vst.add.f32.msk $0xffff, v0;
	s24 =	sor.u32 s25, s18  }
0x57: {  	v0 =	vld [tilespmem:s24+$0x18000];
	_ =	sdelay $0x4  }
0x58: {  	[tilespmem:s24+$0x0] =	vst.add.f32.msk $0xffff, v0;
	s24 =	sadd.s32 s25, s17  }
0x59: {  	[tilespmem:s24+$0x0] =	vst.add.f32.msk $0xffff, v0;
	s24 =	sadd.s32 s25, s15  }
0x5a: {  	[tilespmem:s24+$0x0] =	vst.add.f32.msk $0xffff, v0;
	s24 =	sadd.s32 s25, s22;
	s25 =	sor.u32 $0x30, s16  }
0x5b: {  	[tilespmem:s24+$0x0] =	vst.add.f32.msk $0xffff, v0;
	s18 =	sor.u32 s25, s18  }
0x5c: {  	v0 =	vld [tilespmem:s18+$0x18000];
	_ =	sdelay $0x2  }
.Ltmp0:
0x5d: {  	(pc) =	sbr.rel @p0 .LBB2_3-.Ltmp0, $4  }
0x5e: {  	s20 =	sadd.s32 $0x200, s20  }
0x5f: {  	s16 =	sand.u32 $0x40, s23;
	s23 =	sand.u32 $0x1C00, s20;
	s17 =	sadd.s32 s25, s17;
	[tilespmem:s18+$0x0] =	vst.add.f32.msk $0xffff, v0  }
0x60: {  	s24 =	sadd.s32 s25, s15;
	s25 =	sadd.s32 s25, s22;
	s15 =	sadd.s32 s23, s14;
	[tilespmem:s17+$0x0] =	vst.add.f32.msk $0xffff, v0  }
0x61: {  	s18 =	sor.u32 s2, s23;
	s17 =	sadd.s32 s23, s13;
	[tilespmem:s24+$0x0] =	vst.add.f32.msk $0xffff, v0;
	s24 =	smov.u32 s21  }
0x62: {  	s2 =	sor.u32 s16, s18;
	[tilespmem:s25+$0x0] =	vst.add.f32.msk $0xffff, v0  }
0x63: {  	v0 =	vld [tilespmem:s2+$0x18000];
	_ =	sdelay $0x4  }
0x64: {  	s22 =	sadd.s32 s16, s17;
	[tilespmem:s2+$0x0] =	vst.add.f32.msk $0xffff, v0  }
0x65: {  	s12 =	sadd.s32 s23, s12;
	s23 =	sadd.s32 s16, s15;
	[tilespmem:s22+$0x0] =	vst.add.f32.msk $0xffff, v0  }
0x66: {  	s13 =	sor.u32 $0x10, s16;
	s24 =	sadd.s32 s16, s12;
	[tilespmem:s23+$0x0] =	vst.add.f32.msk $0xffff, v0  }
0x67: {  	s25 =	sor.u32 s13, s18;
	[tilespmem:s24+$0x0] =	vst.add.f32.msk $0xffff, v0  }
0x68: {  	v0 =	vld [tilespmem:s25+$0x18000];
	_ =	sdelay $0x4  }
0x69: {  	s26 =	sadd.s32 s13, s17;
	[tilespmem:s25+$0x0] =	vst.add.f32.msk $0xffff, v0  }
0x6a: {  	s28 =	sadd.s32 s13, s15;
	[tilespmem:s26+$0x0] =	vst.add.f32.msk $0xffff, v0  }
0x6b: {  	s14 =	sor.u32 $0x20, s16;
	s13 =	sadd.s32 s13, s12;
	[tilespmem:s28+$0x0] =	vst.add.f32.msk $0xffff, v0  }
0x6c: {  	s20 =	sor.u32 s14, s18;
	[tilespmem:s13+$0x0] =	vst.add.f32.msk $0xffff, v0  }
0x6d: {  	v0 =	vld [tilespmem:s20+$0x18000];
	_ =	sdelay $0x4  }
0x6e: {  	s21 =	sadd.s32 s14, s17;
	[tilespmem:s20+$0x0] =	vst.add.f32.msk $0xffff, v0  }
0x6f: {  	s22 =	sadd.s32 s14, s15;
	[tilespmem:s21+$0x0] =	vst.add.f32.msk $0xffff, v0  }
0x70: {  	s23 =	sadd.s32 s14, s12;
	s24 =	sor.u32 $0x30, s16;
	[tilespmem:s22+$0x0] =	vst.add.f32.msk $0xffff, v0  }
0x71: {  	s25 =	sor.u32 s24, s18;
	[tilespmem:s23+$0x0] =	vst.add.f32.msk $0xffff, v0  }
0x72: {  	v0 =	vld [tilespmem:s25+$0x18000];
	_ =	sdelay $0x1  }
0x73: {  	s11 =	sadd.s32 $0x1, s11  }
0x74: {  	p0 =	sne.s32 s11, $0x8  }
.Ltmp1:
0x75: {  	_ = 	snop;
	(pc) =	sbr.rel @p0 .LBB2_2-.Ltmp1, $4  }
0x76: {  	s26 =	sadd.s32 s24, s17;
	[tilespmem:s25+$0x0] =	vst.add.f32.msk $0xffff, v0  }
0x77: {  	s28 =	sadd.s32 s24, s15;
	[tilespmem:s26+$0x0] =	vst.add.f32.msk $0xffff, v0  }
0x78: {  	s12 =	sadd.s32 s24, s12;
	[tilespmem:s28+$0x0] =	vst.add.f32.msk $0xffff, v0  }
0x79: {  	[tilespmem:s12+$0x0] =	vst.add.f32.msk $0xffff, v0  }
0x7a: {  	s11 =	simm.s32 $0x0;
	s2 =	rddreg [dreg:$0xa]  }
0x7b: {  	[hbm4b:s2+s30] =	stream.strided.scatter [tilespmem:s11], [sflag:$0x4], $0x8000, s31, s30, $0x38;
	[tilespmem:$0x1E000] =	vst v63  }
0x7c: {  	_ =	swait.ge [sflag:s5], $0x2000  }
0x7d: {  	[sflag:s5] =	ssyncset.done $0x0  }
0x7e: {  	[sflag:s5] =	ssyncadd.s32 $0xFFFFE000  }
0x7f: {  	_ =	swait.ge [sflag:s5], $0x8000  }
0x80: {  	[sflag:s5] =	ssyncset.done $0x0  }
0x81: {  	s2 =	simm.s32 $0x0;
	[sflag:s5] =	ssyncadd.s32 $0xFFFF8000  }
.LBB2_6:
0x82: {  	s12 =	sshll.u32 s2, $0x7;
	s16 =	sand.u32 $0x1C00, s11  }
0x83: {  	s17 =	sand.u32 $0x40, s11;
	s18 =	sor.u32 s12, s16  }
0x84: {  	s20 =	sor.u32 s17, s18  }
0x85: {  	v0 =	vld [tilespmem:s20+$0x1A000];
	_ =	sdelay $0x2  }
0x86: {  	s14 =	sadd.s32 $0xA000, s12  }
0x87: {  	s15 =	sadd.s32 $0xC000, s12;
	s21 =	sadd.s32 s16, s14  }
0x88: {  	s13 =	sadd.s32 $0xE000, s12;
	s23 =	sadd.s32 s16, s15;
	s28 =	sadd.s32 s17, s21;
	[tilespmem:s20+$0x8000] =	vst.add.f32.msk $0xffff, v0  }
0x89: {  	s16 =	sadd.s32 s16, s13;
	s22 =	sadd.s32 s17, s23;
	[tilespmem:s28+$0x0] =	vst.add.f32.msk $0xffff, v0  }
0x8a: {  	s24 =	sadd.s32 s17, s16;
	[tilespmem:s22+$0x0] =	vst.add.f32.msk $0xffff, v0;
	s22 =	sor.u32 $0x10, s17  }
0x8b: {  	[tilespmem:s24+$0x0] =	vst.add.f32.msk $0xffff, v0;
	s25 =	sor.u32 s22, s18  }
0x8c: {  	v0 =	vld [tilespmem:s25+$0x1A000];
	_ =	sdelay $0x4  }
0x8d: {  	s26 =	sadd.s32 s22, s21;
	[tilespmem:s25+$0x8000] =	vst.add.f32.msk $0xffff, v0  }
0x8e: {  	s28 =	sadd.s32 s22, s23;
	[tilespmem:s26+$0x0] =	vst.add.f32.msk $0xffff, v0  }
0x8f: {  	s22 =	sadd.s32 s22, s16;
	s24 =	sor.u32 $0x20, s17;
	[tilespmem:s28+$0x0] =	vst.add.f32.msk $0xffff, v0  }
0x90: {  	s25 =	sor.u32 s24, s18;
	[tilespmem:s22+$0x0] =	vst.add.f32.msk $0xffff, v0  }
0x91: {  	v0 =	vld [tilespmem:s25+$0x1A000];
	_ =	sdelay $0x4  }
0x92: {  	s26 =	sadd.s32 s24, s21;
	[tilespmem:s25+$0x8000] =	vst.add.f32.msk $0xffff, v0  }
0x93: {  	s28 =	sadd.s32 s24, s23;
	[tilespmem:s26+$0x0] =	vst.add.f32.msk $0xffff, v0  }
0x94: {  	s24 =	sadd.s32 s24, s16;
	s25 =	sor.u32 $0x30, s17;
	[tilespmem:s28+$0x0] =	vst.add.f32.msk $0xffff, v0  }
0x95: {  	s18 =	sor.u32 s25, s18;
	[tilespmem:s24+$0x0] =	vst.add.f32.msk $0xffff, v0  }
0x96: {  	v0 =	vld [tilespmem:s18+$0x1A000];
	_ =	sdelay $0x3  }
0x97: {  	s22 =	simm.s32 $0x80;
	s26 =	simm.s32 $0x40  }
0x98: {  	s23 =	sadd.s32 s25, s23;
	s28 =	sadd.s32 s25, s21;
	s21 =	simm.s32 $0x200;
	[tilespmem:s18+$0x8000] =	vst.add.f32.msk $0xffff, v0  }
0x99: {  	s17 =	sand.u32 $0x40, s26;
	s26 =	sadd.s32 s25, s16;
	s24 =	sand.u32 $0x1C00, s21;
	[tilespmem:s28+$0x0] =	vst.add.f32.msk $0xffff, v0  }
0x9a: {  	s20 =	sor.u32 s12, s24;
	s16 =	sadd.s32 s24, s15;
	s18 =	sadd.s32 s24, s14;
	[tilespmem:s23+$0x0] =	vst.add.f32.msk $0xffff, v0  }
.LBB2_7:
0x9b: {  	s28 =	sor.u32 s17, s20  }
0x9c: {  	s23 =	sadd.s32 s24, s13;
	[tilespmem:s26+$0x0] =	vst.add.f32.msk $0xffff, v0;
	s24 =	smov.u32 s22;
	s25 =	sadd.s32 $0x40, s22  }
0x9d: {  	p0 =	sne.s32 s22, $0x3C0;
	v0 =	vld [tilespmem:s28+$0x1A000];
	_ =	sdelay $0x4  }
0x9e: {  	s22 =	sadd.s32 s17, s18;
	[tilespmem:s28+$0x8000] =	vst.add.f32.msk $0xffff, v0  }
0x9f: {  	[tilespmem:s22+$0x0] =	vst.add.f32.msk $0xffff, v0;
	s22 =	sadd.s32 s17, s16  }
0xa0: {  	s26 =	sor.u32 $0x10, s17;
	[tilespmem:s22+$0x0] =	vst.add.f32.msk $0xffff, v0;
	s22 =	sadd.s32 s17, s23  }
0xa1: {  	[tilespmem:s22+$0x0] =	vst.add.f32.msk $0xffff, v0;
	s22 =	sor.u32 s26, s20  }
0xa2: {  	v0 =	vld [tilespmem:s22+$0x1A000];
	_ =	sdelay $0x4  }
0xa3: {  	[tilespmem:s22+$0x8000] =	vst.add.f32.msk $0xffff, v0;
	s22 =	sadd.s32 s26, s18  }
0xa4: {  	[tilespmem:s22+$0x0] =	vst.add.f32.msk $0xffff, v0;
	s22 =	sadd.s32 s26, s16  }
0xa5: {  	[tilespmem:s22+$0x0] =	vst.add.f32.msk $0xffff, v0;
	s22 =	sadd.s32 s26, s23;
	s26 =	sor.u32 $0x20, s17  }
0xa6: {  	[tilespmem:s22+$0x0] =	vst.add.f32.msk $0xffff, v0;
	s22 =	sor.u32 s26, s20  }
0xa7: {  	v0 =	vld [tilespmem:s22+$0x1A000];
	_ =	sdelay $0x4  }
0xa8: {  	[tilespmem:s22+$0x8000] =	vst.add.f32.msk $0xffff, v0;
	s22 =	sadd.s32 s26, s18  }
0xa9: {  	[tilespmem:s22+$0x0] =	vst.add.f32.msk $0xffff, v0;
	s22 =	sadd.s32 s26, s16  }
0xaa: {  	[tilespmem:s22+$0x0] =	vst.add.f32.msk $0xffff, v0;
	s22 =	sadd.s32 s26, s23;
	s26 =	sor.u32 $0x30, s17  }
0xab: {  	[tilespmem:s22+$0x0] =	vst.add.f32.msk $0xffff, v0;
	s20 =	sor.u32 s26, s20  }
0xac: {  	v0 =	vld [tilespmem:s20+$0x1A000];
	_ =	sdelay $0x2  }
.Ltmp2:
0xad: {  	(pc) =	sbr.rel @p0 .LBB2_7-.Ltmp2, $4  }
0xae: {  	s21 =	sadd.s32 $0x200, s21  }
0xaf: {  	s17 =	sand.u32 $0x40, s24;
	s24 =	sand.u32 $0x1C00, s21;
	s18 =	sadd.s32 s26, s18;
	[tilespmem:s20+$0x8000] =	vst.add.f32.msk $0xffff, v0  }
0xb0: {  	s22 =	sadd.s32 s26, s16;
	s26 =	sadd.s32 s26, s23;
	s16 =	sadd.s32 s24, s15;
	[tilespmem:s18+$0x0] =	vst.add.f32.msk $0xffff, v0  }
0xb1: {  	s20 =	sor.u32 s12, s24;
	s18 =	sadd.s32 s24, s14;
	[tilespmem:s22+$0x0] =	vst.add.f32.msk $0xffff, v0;
	s22 =	smov.u32 s25  }
0xb2: {  	s12 =	sor.u32 s17, s20;
	[tilespmem:s26+$0x0] =	vst.add.f32.msk $0xffff, v0  }
0xb3: {  	v0 =	vld [tilespmem:s12+$0x1A000];
	_ =	sdelay $0x4  }
0xb4: {  	s15 =	sadd.s32 s17, s18;
	[tilespmem:s12+$0x8000] =	vst.add.f32.msk $0xffff, v0  }
0xb5: {  	s13 =	sadd.s32 s24, s13;
	s21 =	sadd.s32 s17, s16;
	[tilespmem:s15+$0x0] =	vst.add.f32.msk $0xffff, v0  }
0xb6: {  	s14 =	sor.u32 $0x10, s17;
	s22 =	sadd.s32 s17, s13;
	[tilespmem:s21+$0x0] =	vst.add.f32.msk $0xffff, v0  }
0xb7: {  	s23 =	sor.u32 s14, s20;
	[tilespmem:s22+$0x0] =	vst.add.f32.msk $0xffff, v0  }
0xb8: {  	v0 =	vld [tilespmem:s23+$0x1A000];
	_ =	sdelay $0x4  }
0xb9: {  	s24 =	sadd.s32 s14, s18;
	[tilespmem:s23+$0x8000] =	vst.add.f32.msk $0xffff, v0  }
0xba: {  	s25 =	sadd.s32 s14, s16;
	[tilespmem:s24+$0x0] =	vst.add.f32.msk $0xffff, v0  }
0xbb: {  	s28 =	sor.u32 $0x20, s17;
	s26 =	sadd.s32 s14, s13;
	[tilespmem:s25+$0x0] =	vst.add.f32.msk $0xffff, v0  }
0xbc: {  	s15 =	sor.u32 s28, s20;
	[tilespmem:s26+$0x0] =	vst.add.f32.msk $0xffff, v0  }
0xbd: {  	v0 =	vld [tilespmem:s15+$0x1A000];
	_ =	sdelay $0x4  }
0xbe: {  	s21 =	sadd.s32 s28, s18;
	[tilespmem:s15+$0x8000] =	vst.add.f32.msk $0xffff, v0  }
0xbf: {  	s22 =	sadd.s32 s28, s16;
	[tilespmem:s21+$0x0] =	vst.add.f32.msk $0xffff, v0  }
0xc0: {  	s23 =	sadd.s32 s28, s13;
	s24 =	sor.u32 $0x30, s17;
	[tilespmem:s22+$0x0] =	vst.add.f32.msk $0xffff, v0  }
0xc1: {  	s25 =	sor.u32 s24, s20;
	[tilespmem:s23+$0x0] =	vst.add.f32.msk $0xffff, v0  }
0xc2: {  	v0 =	vld [tilespmem:s25+$0x1A000];
	_ =	sdelay $0x1  }
0xc3: {  	s2 =	sadd.s32 $0x1, s2  }
0xc4: {  	p0 =	sne.s32 s2, $0x8  }
.Ltmp3:
0xc5: {  	_ = 	snop;
	(pc) =	sbr.rel @p0 .LBB2_6-.Ltmp3, $4  }
0xc6: {  	s26 =	sadd.s32 s24, s18;
	[tilespmem:s25+$0x8000] =	vst.add.f32.msk $0xffff, v0  }
0xc7: {  	s28 =	sadd.s32 s24, s16;
	[tilespmem:s26+$0x0] =	vst.add.f32.msk $0xffff, v0  }
0xc8: {  	s13 =	sadd.s32 s24, s13;
	[tilespmem:s28+$0x0] =	vst.add.f32.msk $0xffff, v0  }
0xc9: {  	[tilespmem:s13+$0x0] =	vst.add.f32.msk $0xffff, v0  }
0xca: {  	s2 =	rddreg [dreg:$0xb]  }
0xcb: {  	[hbm4b:s2+s30] =	stream.strided.scatter [tilespmem:s0], [sflag:$0x5], $0x8000, s31, s30, $0x38;
	[tilespmem:$0x1E000] =	vst v63  }
0xcc: {  	_ =	swait.ge [sflag:s6], $0x8000  }
0xcd: {  	[sflag:s6] =	ssyncset.done $0x0  }
0xce: {  	s11 =	simm.s32 $0x0;
	s26 =	rddreg [dreg:$0xc];
	[sflag:s6] =	ssyncadd.s32 $0xFFFF8000  }
0xcf: {  	[tilespmem:s29], [sflag:$0x1] =	stream.linear.gather [hbm4b:s26+s11], $0x2000, $0x38;
	[tilespmem:$0x1E000] =	vst v63  }
0xd0: {  	s28 =	rddreg [dreg:$0xd]  }
0xd1: {  	[tilespmem:s11], [sflag:$0x1] =	stream.strided.gather [hbm4b:s28+s30], $0x8000, s31, s30, $0x38;
	[tilespmem:$0x1E000] =	vst v63  }
0xd2: {  	_ =	swait.ge [sflag:s7], $0x2000  }
0xd3: {  	[sflag:s7] =	ssyncset.done $0x0  }
0xd4: {  	[sflag:s7] =	ssyncadd.s32 $0xFFFFE000  }
0xd5: {  	_ =	swait.ge [sflag:s7], $0x8000  }
0xd6: {  	[sflag:s7] =	ssyncset.done $0x0  }
0xd7: {  	s2 =	simm.s32 $0x0;
	[sflag:s7] =	ssyncadd.s32 $0xFFFF8000  }
.LBB2_10:
0xd8: {  	s12 =	sshll.u32 s2, $0x7;
	s16 =	sand.u32 $0x1C00, s11  }
0xd9: {  	s17 =	sand.u32 $0x40, s11;
	s18 =	sor.u32 s12, s16  }
0xda: {  	s20 =	sor.u32 s17, s18  }
0xdb: {  	v0 =	vld [tilespmem:s20+$0x1C000];
	_ =	sdelay $0x2  }
0xdc: {  	s14 =	sadd.s32 $0x12000, s12  }
0xdd: {  	s15 =	sadd.s32 $0x14000, s12;
	s21 =	sadd.s32 s16, s14  }
0xde: {  	s13 =	sadd.s32 $0x16000, s12;
	s22 =	sadd.s32 s16, s15;
	s28 =	sadd.s32 s17, s21;
	[tilespmem:s20+$0x10000] =	vst.add.f32.msk $0xffff, v0  }
0xdf: {  	s16 =	sadd.s32 s16, s13;
	s23 =	sadd.s32 s17, s22;
	[tilespmem:s28+$0x0] =	vst.add.f32.msk $0xffff, v0  }
0xe0: {  	s24 =	sadd.s32 s17, s16;
	[tilespmem:s23+$0x0] =	vst.add.f32.msk $0xffff, v0;
	s23 =	sor.u32 $0x10, s17  }
0xe1: {  	[tilespmem:s24+$0x0] =	vst.add.f32.msk $0xffff, v0;
	s25 =	sor.u32 s23, s18  }
0xe2: {  	v0 =	vld [tilespmem:s25+$0x1C000];
	_ =	sdelay $0x4  }
0xe3: {  	s26 =	sadd.s32 s23, s21;
	[tilespmem:s25+$0x10000] =	vst.add.f32.msk $0xffff, v0  }
0xe4: {  	s28 =	sadd.s32 s23, s22;
	[tilespmem:s26+$0x0] =	vst.add.f32.msk $0xffff, v0  }
0xe5: {  	s24 =	sadd.s32 s23, s16;
	s25 =	sor.u32 $0x20, s17;
	[tilespmem:s28+$0x0] =	vst.add.f32.msk $0xffff, v0  }
0xe6: {  	s26 =	sor.u32 s25, s18;
	[tilespmem:s24+$0x0] =	vst.add.f32.msk $0xffff, v0  }
0xe7: {  	v0 =	vld [tilespmem:s26+$0x1C000];
	_ =	sdelay $0x4  }
0xe8: {  	s28 =	sadd.s32 s25, s21;
	[tilespmem:s26+$0x10000] =	vst.add.f32.msk $0xffff, v0  }
0xe9: {  	s24 =	sadd.s32 s25, s22;
	[tilespmem:s28+$0x0] =	vst.add.f32.msk $0xffff, v0  }
0xea: {  	s23 =	sor.u32 $0x30, s17;
	s25 =	sadd.s32 s25, s16;
	[tilespmem:s24+$0x0] =	vst.add.f32.msk $0xffff, v0  }
0xeb: {  	s18 =	sor.u32 s23, s18;
	[tilespmem:s25+$0x0] =	vst.add.f32.msk $0xffff, v0  }
0xec: {  	v0 =	vld [tilespmem:s18+$0x1C000];
	_ =	sdelay $0x3  }
0xed: {  	s22 =	sadd.s32 s23, s22;
	s26 =	simm.s32 $0x40  }
0xee: {  	s17 =	sand.u32 $0x40, s26;
	s28 =	sadd.s32 s23, s21;
	s21 =	simm.s32 $0x200;
	[tilespmem:s18+$0x10000] =	vst.add.f32.msk $0xffff, v0  }
0xef: {  	s26 =	sadd.s32 s23, s16;
	s24 =	sand.u32 $0x1C00, s21;
	s25 =	simm.s32 $0x80;
	[tilespmem:s28+$0x0] =	vst.add.f32.msk $0xffff, v0  }
0xf0: {  	s20 =	sor.u32 s12, s24;
	s16 =	sadd.s32 s24, s15;
	s18 =	sadd.s32 s24, s14;
	[tilespmem:s22+$0x0] =	vst.add.f32.msk $0xffff, v0  }
.LBB2_11:
0xf1: {  	s28 =	sor.u32 s17, s20  }
0xf2: {  	s23 =	sadd.s32 s24, s13;
	[tilespmem:s26+$0x0] =	vst.add.f32.msk $0xffff, v0;
	s24 =	smov.u32 s25;
	s22 =	sadd.s32 $0x40, s25  }
0xf3: {  	p0 =	sne.s32 s25, $0x3C0;
	v0 =	vld [tilespmem:s28+$0x1C000];
	_ =	sdelay $0x4  }
0xf4: {  	s25 =	sadd.s32 s17, s18;
	[tilespmem:s28+$0x10000] =	vst.add.f32.msk $0xffff, v0  }
0xf5: {  	[tilespmem:s25+$0x0] =	vst.add.f32.msk $0xffff, v0;
	s25 =	sadd.s32 s17, s16  }
0xf6: {  	s26 =	sor.u32 $0x10, s17;
	[tilespmem:s25+$0x0] =	vst.add.f32.msk $0xffff, v0;
	s25 =	sadd.s32 s17, s23  }
0xf7: {  	[tilespmem:s25+$0x0] =	vst.add.f32.msk $0xffff, v0;
	s25 =	sor.u32 s26, s20  }
0xf8: {  	v0 =	vld [tilespmem:s25+$0x1C000];
	_ =	sdelay $0x4  }
0xf9: {  	[tilespmem:s25+$0x10000] =	vst.add.f32.msk $0xffff, v0;
	s25 =	sadd.s32 s26, s18  }
0xfa: {  	[tilespmem:s25+$0x0] =	vst.add.f32.msk $0xffff, v0;
	s25 =	sadd.s32 s26, s16  }
0xfb: {  	[tilespmem:s25+$0x0] =	vst.add.f32.msk $0xffff, v0;
	s25 =	sadd.s32 s26, s23;
	s26 =	sor.u32 $0x20, s17  }
0xfc: {  	[tilespmem:s25+$0x0] =	vst.add.f32.msk $0xffff, v0;
	s25 =	sor.u32 s26, s20  }
0xfd: {  	v0 =	vld [tilespmem:s25+$0x1C000];
	_ =	sdelay $0x4  }
0xfe: {  	[tilespmem:s25+$0x10000] =	vst.add.f32.msk $0xffff, v0;
	s25 =	sadd.s32 s26, s18  }
0xff: {  	[tilespmem:s25+$0x0] =	vst.add.f32.msk $0xffff, v0;
	s25 =	sadd.s32 s26, s16  }
0x100: {  	[tilespmem:s25+$0x0] =	vst.add.f32.msk $0xffff, v0;
	s25 =	sadd.s32 s26, s23;
	s26 =	sor.u32 $0x30, s17  }
0x101: {  	[tilespmem:s25+$0x0] =	vst.add.f32.msk $0xffff, v0;
	s20 =	sor.u32 s26, s20  }
0x102: {  	v0 =	vld [tilespmem:s20+$0x1C000];
	_ =	sdelay $0x2  }
.Ltmp4:
0x103: {  	(pc) =	sbr.rel @p0 .LBB2_11-.Ltmp4, $4  }
0x104: {  	s21 =	sadd.s32 $0x200, s21  }
0x105: {  	s17 =	sand.u32 $0x40, s24;
	s24 =	sand.u32 $0x1C00, s21;
	s18 =	sadd.s32 s26, s18;
	[tilespmem:s20+$0x10000] =	vst.add.f32.msk $0xffff, v0  }
0x106: {  	s25 =	sadd.s32 s26, s16;
	s26 =	sadd.s32 s26, s23;
	s16 =	sadd.s32 s24, s15;
	[tilespmem:s18+$0x0] =	vst.add.f32.msk $0xffff, v0  }
0x107: {  	s20 =	sor.u32 s12, s24;
	s18 =	sadd.s32 s24, s14;
	[tilespmem:s25+$0x0] =	vst.add.f32.msk $0xffff, v0;
	s25 =	smov.u32 s22  }
0x108: {  	s12 =	sor.u32 s17, s20;
	[tilespmem:s26+$0x0] =	vst.add.f32.msk $0xffff, v0  }
0x109: {  	v0 =	vld [tilespmem:s12+$0x1C000];
	_ =	sdelay $0x4  }
0x10a: {  	s15 =	sadd.s32 s17, s18;
	[tilespmem:s12+$0x10000] =	vst.add.f32.msk $0xffff, v0  }
0x10b: {  	s13 =	sadd.s32 s24, s13;
	s21 =	sadd.s32 s17, s16;
	[tilespmem:s15+$0x0] =	vst.add.f32.msk $0xffff, v0  }
0x10c: {  	s14 =	sor.u32 $0x10, s17;
	s22 =	sadd.s32 s17, s13;
	[tilespmem:s21+$0x0] =	vst.add.f32.msk $0xffff, v0  }
0x10d: {  	s23 =	sor.u32 s14, s20;
	[tilespmem:s22+$0x0] =	vst.add.f32.msk $0xffff, v0  }
0x10e: {  	v0 =	vld [tilespmem:s23+$0x1C000];
	_ =	sdelay $0x4  }
0x10f: {  	s24 =	sadd.s32 s14, s18;
	[tilespmem:s23+$0x10000] =	vst.add.f32.msk $0xffff, v0  }
0x110: {  	s25 =	sadd.s32 s14, s16;
	[tilespmem:s24+$0x0] =	vst.add.f32.msk $0xffff, v0  }
0x111: {  	s28 =	sor.u32 $0x20, s17;
	s26 =	sadd.s32 s14, s13;
	[tilespmem:s25+$0x0] =	vst.add.f32.msk $0xffff, v0  }
0x112: {  	s15 =	sor.u32 s28, s20;
	[tilespmem:s26+$0x0] =	vst.add.f32.msk $0xffff, v0  }
0x113: {  	v0 =	vld [tilespmem:s15+$0x1C000];
	_ =	sdelay $0x4  }
0x114: {  	s21 =	sadd.s32 s28, s18;
	[tilespmem:s15+$0x10000] =	vst.add.f32.msk $0xffff, v0  }
0x115: {  	s22 =	sadd.s32 s28, s16;
	[tilespmem:s21+$0x0] =	vst.add.f32.msk $0xffff, v0  }
0x116: {  	s23 =	sadd.s32 s28, s13;
	s24 =	sor.u32 $0x30, s17;
	[tilespmem:s22+$0x0] =	vst.add.f32.msk $0xffff, v0  }
0x117: {  	s25 =	sor.u32 s24, s20;
	[tilespmem:s23+$0x0] =	vst.add.f32.msk $0xffff, v0  }
0x118: {  	v0 =	vld [tilespmem:s25+$0x1C000];
	_ =	sdelay $0x1  }
0x119: {  	s2 =	sadd.s32 $0x1, s2  }
0x11a: {  	p0 =	sne.s32 s2, $0x8  }
.Ltmp5:
0x11b: {  	_ = 	snop;
	(pc) =	sbr.rel @p0 .LBB2_10-.Ltmp5, $4  }
0x11c: {  	s26 =	sadd.s32 s24, s18;
	[tilespmem:s25+$0x10000] =	vst.add.f32.msk $0xffff, v0  }
0x11d: {  	s28 =	sadd.s32 s24, s16;
	[tilespmem:s26+$0x0] =	vst.add.f32.msk $0xffff, v0  }
0x11e: {  	s13 =	sadd.s32 s24, s13;
	[tilespmem:s28+$0x0] =	vst.add.f32.msk $0xffff, v0  }
0x11f: {  	[tilespmem:s13+$0x0] =	vst.add.f32.msk $0xffff, v0  }
0x120: {  	s2 =	rddreg [dreg:$0xe]  }
0x121: {  	[hbm4b:s2+s30] =	stream.strided.scatter [tilespmem:s3], [sflag:$0x6], $0x8000, s31, s30, $0x38;
	[tilespmem:$0x1E000] =	vst v63  }
0x122: {  	_ =	swait.ge [sflag:s8], $0x8000  }
0x123: {  	[sflag:s8] =	ssyncset.done $0x0  }
0x124: {  	s11 =	simm.s32 $0x0;
	s26 =	rddreg [dreg:$0xf];
	[sflag:s8] =	ssyncadd.s32 $0xFFFF8000  }
0x125: {  	[tilespmem:s19], [sflag:$0x2] =	stream.linear.gather [hbm4b:s26+s11], $0x2000, $0x38;
	[tilespmem:$0x1E000] =	vst v63  }
0x126: {  	s28 =	rddreg [dreg:$0x10]  }
0x127: {  	[tilespmem:s0], [sflag:$0x2] =	stream.strided.gather [hbm4b:s28+s30], $0x8000, s31, s30, $0x38;
	[tilespmem:$0x1E000] =	vst v63  }
0x128: {  	_ =	swait.ge [sflag:s4], $0x2000  }
0x129: {  	[sflag:s4] =	ssyncset.done $0x0  }
0x12a: {  	[sflag:s4] =	ssyncadd.s32 $0xFFFFE000  }
0x12b: {  	_ =	swait.ge [sflag:s4], $0x8000  }
0x12c: {  	[sflag:s4] =	ssyncset.done $0x0  }
0x12d: {  	s2 =	simm.s32 $0x0;
	[sflag:s4] =	ssyncadd.s32 $0xFFFF8000  }
.LBB2_14:
0x12e: {  	s12 =	sshll.u32 s2, $0x7;
	s16 =	sand.u32 $0x1C00, s11  }
0x12f: {  	s17 =	sand.u32 $0x40, s11;
	s18 =	sor.u32 s12, s16  }
0x130: {  	s20 =	sor.u32 s17, s18  }
0x131: {  	v0 =	vld [tilespmem:s20+$0x18000];
	_ =	sdelay $0x2  }
0x132: {  	s14 =	sadd.s32 $0x2000, s12  }
0x133: {  	s15 =	sadd.s32 $0x4000, s12;
	s21 =	sadd.s32 s16, s14  }
0x134: {  	s13 =	sadd.s32 $0x6000, s12;
	s22 =	sadd.s32 s16, s15;
	s28 =	sadd.s32 s17, s21;
	[tilespmem:s20+$0x0] =	vst.add.f32.msk $0xffff, v0  }
0x135: {  	s16 =	sadd.s32 s16, s13;
	s23 =	sadd.s32 s17, s22;
	[tilespmem:s28+$0x0] =	vst.add.f32.msk $0xffff, v0  }
0x136: {  	s24 =	sadd.s32 s17, s16;
	[tilespmem:s23+$0x0] =	vst.add.f32.msk $0xffff, v0;
	s23 =	sor.u32 $0x10, s17  }
0x137: {  	[tilespmem:s24+$0x0] =	vst.add.f32.msk $0xffff, v0;
	s25 =	sor.u32 s23, s18  }
0x138: {  	v0 =	vld [tilespmem:s25+$0x18000];
	_ =	sdelay $0x4  }
0x139: {  	s26 =	sadd.s32 s23, s21;
	[tilespmem:s25+$0x0] =	vst.add.f32.msk $0xffff, v0  }
0x13a: {  	s28 =	sadd.s32 s23, s22;
	[tilespmem:s26+$0x0] =	vst.add.f32.msk $0xffff, v0  }
0x13b: {  	s24 =	sadd.s32 s23, s16;
	s25 =	sor.u32 $0x20, s17;
	[tilespmem:s28+$0x0] =	vst.add.f32.msk $0xffff, v0  }
0x13c: {  	s26 =	sor.u32 s25, s18;
	[tilespmem:s24+$0x0] =	vst.add.f32.msk $0xffff, v0  }
0x13d: {  	v0 =	vld [tilespmem:s26+$0x18000];
	_ =	sdelay $0x4  }
0x13e: {  	s28 =	sadd.s32 s25, s21;
	[tilespmem:s26+$0x0] =	vst.add.f32.msk $0xffff, v0  }
0x13f: {  	s24 =	sadd.s32 s25, s22;
	[tilespmem:s28+$0x0] =	vst.add.f32.msk $0xffff, v0  }
0x140: {  	s23 =	sor.u32 $0x30, s17;
	s25 =	sadd.s32 s25, s16;
	[tilespmem:s24+$0x0] =	vst.add.f32.msk $0xffff, v0  }
0x141: {  	s18 =	sor.u32 s23, s18;
	[tilespmem:s25+$0x0] =	vst.add.f32.msk $0xffff, v0  }
0x142: {  	v0 =	vld [tilespmem:s18+$0x18000];
	_ =	sdelay $0x3  }
0x143: {  	s22 =	sadd.s32 s23, s22;
	s26 =	simm.s32 $0x40  }
0x144: {  	s17 =	sand.u32 $0x40, s26;
	s28 =	sadd.s32 s23, s21;
	s21 =	simm.s32 $0x200;
	[tilespmem:s18+$0x0] =	vst.add.f32.msk $0xffff, v0  }
0x145: {  	s26 =	sadd.s32 s23, s16;
	s24 =	sand.u32 $0x1C00, s21;
	s25 =	simm.s32 $0x80;
	[tilespmem:s28+$0x0] =	vst.add.f32.msk $0xffff, v0  }
0x146: {  	s20 =	sor.u32 s12, s24;
	s16 =	sadd.s32 s24, s15;
	s18 =	sadd.s32 s24, s14;
	[tilespmem:s22+$0x0] =	vst.add.f32.msk $0xffff, v0  }
.LBB2_15:
0x147: {  	s28 =	sor.u32 s17, s20  }
0x148: {  	s23 =	sadd.s32 s24, s13;
	[tilespmem:s26+$0x0] =	vst.add.f32.msk $0xffff, v0;
	s24 =	smov.u32 s25;
	s22 =	sadd.s32 $0x40, s25  }
0x149: {  	p0 =	sne.s32 s25, $0x3C0;
	v0 =	vld [tilespmem:s28+$0x18000];
	_ =	sdelay $0x4  }
0x14a: {  	s25 =	sadd.s32 s17, s18;
	[tilespmem:s28+$0x0] =	vst.add.f32.msk $0xffff, v0  }
0x14b: {  	[tilespmem:s25+$0x0] =	vst.add.f32.msk $0xffff, v0;
	s25 =	sadd.s32 s17, s16  }
0x14c: {  	s26 =	sor.u32 $0x10, s17;
	[tilespmem:s25+$0x0] =	vst.add.f32.msk $0xffff, v0;
	s25 =	sadd.s32 s17, s23  }
0x14d: {  	[tilespmem:s25+$0x0] =	vst.add.f32.msk $0xffff, v0;
	s25 =	sor.u32 s26, s20  }
0x14e: {  	v0 =	vld [tilespmem:s25+$0x18000];
	_ =	sdelay $0x4  }
0x14f: {  	[tilespmem:s25+$0x0] =	vst.add.f32.msk $0xffff, v0;
	s25 =	sadd.s32 s26, s18  }
0x150: {  	[tilespmem:s25+$0x0] =	vst.add.f32.msk $0xffff, v0;
	s25 =	sadd.s32 s26, s16  }
0x151: {  	[tilespmem:s25+$0x0] =	vst.add.f32.msk $0xffff, v0;
	s25 =	sadd.s32 s26, s23;
	s26 =	sor.u32 $0x20, s17  }
0x152: {  	[tilespmem:s25+$0x0] =	vst.add.f32.msk $0xffff, v0;
	s25 =	sor.u32 s26, s20  }
0x153: {  	v0 =	vld [tilespmem:s25+$0x18000];
	_ =	sdelay $0x4  }
0x154: {  	[tilespmem:s25+$0x0] =	vst.add.f32.msk $0xffff, v0;
	s25 =	sadd.s32 s26, s18  }
0x155: {  	[tilespmem:s25+$0x0] =	vst.add.f32.msk $0xffff, v0;
	s25 =	sadd.s32 s26, s16  }
0x156: {  	[tilespmem:s25+$0x0] =	vst.add.f32.msk $0xffff, v0;
	s25 =	sadd.s32 s26, s23;
	s26 =	sor.u32 $0x30, s17  }
0x157: {  	[tilespmem:s25+$0x0] =	vst.add.f32.msk $0xffff, v0;
	s20 =	sor.u32 s26, s20  }
0x158: {  	v0 =	vld [tilespmem:s20+$0x18000];
	_ =	sdelay $0x2  }
.Ltmp6:
0x159: {  	(pc) =	sbr.rel @p0 .LBB2_15-.Ltmp6, $4  }
0x15a: {  	s21 =	sadd.s32 $0x200, s21  }
0x15b: {  	s17 =	sand.u32 $0x40, s24;
	s24 =	sand.u32 $0x1C00, s21;
	s18 =	sadd.s32 s26, s18;
	[tilespmem:s20+$0x0] =	vst.add.f32.msk $0xffff, v0  }
0x15c: {  	s25 =	sadd.s32 s26, s16;
	s26 =	sadd.s32 s26, s23;
	s16 =	sadd.s32 s24, s15;
	[tilespmem:s18+$0x0] =	vst.add.f32.msk $0xffff, v0  }
0x15d: {  	s20 =	sor.u32 s12, s24;
	s18 =	sadd.s32 s24, s14;
	[tilespmem:s25+$0x0] =	vst.add.f32.msk $0xffff, v0;
	s25 =	smov.u32 s22  }
0x15e: {  	s12 =	sor.u32 s17, s20;
	[tilespmem:s26+$0x0] =	vst.add.f32.msk $0xffff, v0  }
0x15f: {  	v0 =	vld [tilespmem:s12+$0x18000];
	_ =	sdelay $0x4  }
0x160: {  	s15 =	sadd.s32 s17, s18;
	[tilespmem:s12+$0x0] =	vst.add.f32.msk $0xffff, v0  }
0x161: {  	s13 =	sadd.s32 s24, s13;
	s21 =	sadd.s32 s17, s16;
	[tilespmem:s15+$0x0] =	vst.add.f32.msk $0xffff, v0  }
0x162: {  	s14 =	sor.u32 $0x10, s17;
	s22 =	sadd.s32 s17, s13;
	[tilespmem:s21+$0x0] =	vst.add.f32.msk $0xffff, v0  }
0x163: {  	s23 =	sor.u32 s14, s20;
	[tilespmem:s22+$0x0] =	vst.add.f32.msk $0xffff, v0  }
0x164: {  	v0 =	vld [tilespmem:s23+$0x18000];
	_ =	sdelay $0x4  }
0x165: {  	s24 =	sadd.s32 s14, s18;
	[tilespmem:s23+$0x0] =	vst.add.f32.msk $0xffff, v0  }
0x166: {  	s25 =	sadd.s32 s14, s16;
	[tilespmem:s24+$0x0] =	vst.add.f32.msk $0xffff, v0  }
0x167: {  	s28 =	sor.u32 $0x20, s17;
	s26 =	sadd.s32 s14, s13;
	[tilespmem:s25+$0x0] =	vst.add.f32.msk $0xffff, v0  }
0x168: {  	s15 =	sor.u32 s28, s20;
	[tilespmem:s26+$0x0] =	vst.add.f32.msk $0xffff, v0  }
0x169: {  	v0 =	vld [tilespmem:s15+$0x18000];
	_ =	sdelay $0x4  }
0x16a: {  	s21 =	sadd.s32 s28, s18;
	[tilespmem:s15+$0x0] =	vst.add.f32.msk $0xffff, v0  }
0x16b: {  	s22 =	sadd.s32 s28, s16;
	[tilespmem:s21+$0x0] =	vst.add.f32.msk $0xffff, v0  }
0x16c: {  	s23 =	sadd.s32 s28, s13;
	s24 =	sor.u32 $0x30, s17;
	[tilespmem:s22+$0x0] =	vst.add.f32.msk $0xffff, v0  }
0x16d: {  	s25 =	sor.u32 s24, s20;
	[tilespmem:s23+$0x0] =	vst.add.f32.msk $0xffff, v0  }
0x16e: {  	v0 =	vld [tilespmem:s25+$0x18000];
	_ =	sdelay $0x1  }
0x16f: {  	s2 =	sadd.s32 $0x1, s2  }
0x170: {  	p0 =	sne.s32 s2, $0x8  }
.Ltmp7:
0x171: {  	_ = 	snop;
	(pc) =	sbr.rel @p0 .LBB2_14-.Ltmp7, $4  }
0x172: {  	s26 =	sadd.s32 s24, s18;
	[tilespmem:s25+$0x0] =	vst.add.f32.msk $0xffff, v0  }
0x173: {  	s28 =	sadd.s32 s24, s16;
	[tilespmem:s26+$0x0] =	vst.add.f32.msk $0xffff, v0  }
0x174: {  	s13 =	sadd.s32 s24, s13;
	[tilespmem:s28+$0x0] =	vst.add.f32.msk $0xffff, v0  }
0x175: {  	[tilespmem:s13+$0x0] =	vst.add.f32.msk $0xffff, v0  }
0x176: {  	s11 =	simm.s32 $0x0;
	s2 =	rddreg [dreg:$0x11]  }
0x177: {  	[hbm4b:s2+s30] =	stream.strided.scatter [tilespmem:s11], [sflag:$0x4], $0x8000, s31, s30, $0x38;
	[tilespmem:$0x1E000] =	vst v63  }
0x178: {  	_ =	swait.ge [sflag:s9], $0x8000  }
0x179: {  	[sflag:s9] =	ssyncset.done $0x0  }
0x17a: {  	s12 =	simm.s32 $0x1C000;
	s26 =	rddreg [dreg:$0x12];
	[sflag:s9] =	ssyncadd.s32 $0xFFFF8000  }
0x17b: {  	[tilespmem:s12], [sflag:$0x3] =	stream.linear.gather [hbm4b:s26+s11], $0x2000, $0x38;
	[tilespmem:$0x1E000] =	vst v63  }
0x17c: {  	s28 =	rddreg [dreg:$0x13]  }
0x17d: {  	[tilespmem:s3], [sflag:$0x3] =	stream.strided.gather [hbm4b:s28+s30], $0x8000, s31, s30, $0x38;
	[tilespmem:$0x1E000] =	vst v63  }
0x17e: {  	_ =	swait.ge [sflag:s5], $0x2000  }
0x17f: {  	[sflag:s5] =	ssyncset.done $0x0  }
0x180: {  	[sflag:s5] =	ssyncadd.s32 $0xFFFFE000  }
0x181: {  	_ =	swait.ge [sflag:s5], $0x8000  }
0x182: {  	[sflag:s5] =	ssyncset.done $0x0  }
0x183: {  	s2 =	simm.s32 $0x0;
	[sflag:s5] =	ssyncadd.s32 $0xFFFF8000  }
.LBB2_18:
0x184: {  	s12 =	sshll.u32 s2, $0x7;
	s16 =	sand.u32 $0x1C00, s11  }
0x185: {  	s17 =	sand.u32 $0x40, s11;
	s18 =	sor.u32 s12, s16  }
0x186: {  	s20 =	sor.u32 s17, s18  }
0x187: {  	v0 =	vld [tilespmem:s20+$0x1A000];
	_ =	sdelay $0x2  }
0x188: {  	s14 =	sadd.s32 $0xA000, s12  }
0x189: {  	s15 =	sadd.s32 $0xC000, s12;
	s21 =	sadd.s32 s16, s14  }
0x18a: {  	s13 =	sadd.s32 $0xE000, s12;
	s22 =	sadd.s32 s16, s15;
	s28 =	sadd.s32 s17, s21;
	[tilespmem:s20+$0x8000] =	vst.add.f32.msk $0xffff, v0  }
0x18b: {  	s16 =	sadd.s32 s16, s13;
	s23 =	sadd.s32 s17, s22;
	[tilespmem:s28+$0x0] =	vst.add.f32.msk $0xffff, v0  }
0x18c: {  	s24 =	sadd.s32 s17, s16;
	[tilespmem:s23+$0x0] =	vst.add.f32.msk $0xffff, v0;
	s23 =	sor.u32 $0x10, s17  }
0x18d: {  	[tilespmem:s24+$0x0] =	vst.add.f32.msk $0xffff, v0;
	s25 =	sor.u32 s23, s18  }
0x18e: {  	v0 =	vld [tilespmem:s25+$0x1A000];
	_ =	sdelay $0x4  }
0x18f: {  	s26 =	sadd.s32 s23, s21;
	[tilespmem:s25+$0x8000] =	vst.add.f32.msk $0xffff, v0  }
0x190: {  	s28 =	sadd.s32 s23, s22;
	[tilespmem:s26+$0x0] =	vst.add.f32.msk $0xffff, v0  }
0x191: {  	s24 =	sadd.s32 s23, s16;
	s25 =	sor.u32 $0x20, s17;
	[tilespmem:s28+$0x0] =	vst.add.f32.msk $0xffff, v0  }
0x192: {  	s26 =	sor.u32 s25, s18;
	[tilespmem:s24+$0x0] =	vst.add.f32.msk $0xffff, v0  }
0x193: {  	v0 =	vld [tilespmem:s26+$0x1A000];
	_ =	sdelay $0x4  }
0x194: {  	s28 =	sadd.s32 s25, s21;
	[tilespmem:s26+$0x8000] =	vst.add.f32.msk $0xffff, v0  }
0x195: {  	s24 =	sadd.s32 s25, s22;
	[tilespmem:s28+$0x0] =	vst.add.f32.msk $0xffff, v0  }
0x196: {  	s23 =	sor.u32 $0x30, s17;
	s25 =	sadd.s32 s25, s16;
	[tilespmem:s24+$0x0] =	vst.add.f32.msk $0xffff, v0  }
0x197: {  	s18 =	sor.u32 s23, s18;
	[tilespmem:s25+$0x0] =	vst.add.f32.msk $0xffff, v0  }
0x198: {  	v0 =	vld [tilespmem:s18+$0x1A000];
	_ =	sdelay $0x3  }
0x199: {  	s22 =	sadd.s32 s23, s22;
	s26 =	simm.s32 $0x40  }
0x19a: {  	s17 =	sand.u32 $0x40, s26;
	s28 =	sadd.s32 s23, s21;
	s21 =	simm.s32 $0x200;
	[tilespmem:s18+$0x8000] =	vst.add.f32.msk $0xffff, v0  }
0x19b: {  	s26 =	sadd.s32 s23, s16;
	s24 =	sand.u32 $0x1C00, s21;
	s25 =	simm.s32 $0x80;
	[tilespmem:s28+$0x0] =	vst.add.f32.msk $0xffff, v0  }
0x19c: {  	s20 =	sor.u32 s12, s24;
	s16 =	sadd.s32 s24, s15;
	s18 =	sadd.s32 s24, s14;
	[tilespmem:s22+$0x0] =	vst.add.f32.msk $0xffff, v0  }
.LBB2_19:
0x19d: {  	s28 =	sor.u32 s17, s20  }
0x19e: {  	s23 =	sadd.s32 s24, s13;
	[tilespmem:s26+$0x0] =	vst.add.f32.msk $0xffff, v0;
	s24 =	smov.u32 s25;
	s22 =	sadd.s32 $0x40, s25  }
0x19f: {  	p0 =	sne.s32 s25, $0x3C0;
	v0 =	vld [tilespmem:s28+$0x1A000];
	_ =	sdelay $0x4  }
0x1a0: {  	s25 =	sadd.s32 s17, s18;
	[tilespmem:s28+$0x8000] =	vst.add.f32.msk $0xffff, v0  }
0x1a1: {  	[tilespmem:s25+$0x0] =	vst.add.f32.msk $0xffff, v0;
	s25 =	sadd.s32 s17, s16  }
0x1a2: {  	s26 =	sor.u32 $0x10, s17;
	[tilespmem:s25+$0x0] =	vst.add.f32.msk $0xffff, v0;
	s25 =	sadd.s32 s17, s23  }
0x1a3: {  	[tilespmem:s25+$0x0] =	vst.add.f32.msk $0xffff, v0;
	s25 =	sor.u32 s26, s20  }
0x1a4: {  	v0 =	vld [tilespmem:s25+$0x1A000];
	_ =	sdelay $0x4  }
0x1a5: {  	[tilespmem:s25+$0x8000] =	vst.add.f32.msk $0xffff, v0;
	s25 =	sadd.s32 s26, s18  }
0x1a6: {  	[tilespmem:s25+$0x0] =	vst.add.f32.msk $0xffff, v0;
	s25 =	sadd.s32 s26, s16  }
0x1a7: {  	[tilespmem:s25+$0x0] =	vst.add.f32.msk $0xffff, v0;
	s25 =	sadd.s32 s26, s23;
	s26 =	sor.u32 $0x20, s17  }
0x1a8: {  	[tilespmem:s25+$0x0] =	vst.add.f32.msk $0xffff, v0;
	s25 =	sor.u32 s26, s20  }
0x1a9: {  	v0 =	vld [tilespmem:s25+$0x1A000];
	_ =	sdelay $0x4  }
0x1aa: {  	[tilespmem:s25+$0x8000] =	vst.add.f32.msk $0xffff, v0;
	s25 =	sadd.s32 s26, s18  }
0x1ab: {  	[tilespmem:s25+$0x0] =	vst.add.f32.msk $0xffff, v0;
	s25 =	sadd.s32 s26, s16  }
0x1ac: {  	[tilespmem:s25+$0x0] =	vst.add.f32.msk $0xffff, v0;
	s25 =	sadd.s32 s26, s23;
	s26 =	sor.u32 $0x30, s17  }
0x1ad: {  	[tilespmem:s25+$0x0] =	vst.add.f32.msk $0xffff, v0;
	s20 =	sor.u32 s26, s20  }
0x1ae: {  	v0 =	vld [tilespmem:s20+$0x1A000];
	_ =	sdelay $0x2  }
.Ltmp8:
0x1af: {  	(pc) =	sbr.rel @p0 .LBB2_19-.Ltmp8, $4  }
0x1b0: {  	s21 =	sadd.s32 $0x200, s21  }
0x1b1: {  	s17 =	sand.u32 $0x40, s24;
	s24 =	sand.u32 $0x1C00, s21;
	s18 =	sadd.s32 s26, s18;
	[tilespmem:s20+$0x8000] =	vst.add.f32.msk $0xffff, v0  }
0x1b2: {  	s25 =	sadd.s32 s26, s16;
	s26 =	sadd.s32 s26, s23;
	s16 =	sadd.s32 s24, s15;
	[tilespmem:s18+$0x0] =	vst.add.f32.msk $0xffff, v0  }
0x1b3: {  	s20 =	sor.u32 s12, s24;
	s18 =	sadd.s32 s24, s14;
	[tilespmem:s25+$0x0] =	vst.add.f32.msk $0xffff, v0;
	s25 =	smov.u32 s22  }
0x1b4: {  	s12 =	sor.u32 s17, s20;
	[tilespmem:s26+$0x0] =	vst.add.f32.msk $0xffff, v0  }
0x1b5: {  	v0 =	vld [tilespmem:s12+$0x1A000];
	_ =	sdelay $0x4  }
0x1b6: {  	s15 =	sadd.s32 s17, s18;
	[tilespmem:s12+$0x8000] =	vst.add.f32.msk $0xffff, v0  }
0x1b7: {  	s13 =	sadd.s32 s24, s13;
	s21 =	sadd.s32 s17, s16;
	[tilespmem:s15+$0x0] =	vst.add.f32.msk $0xffff, v0  }
0x1b8: {  	s14 =	sor.u32 $0x10, s17;
	s22 =	sadd.s32 s17, s13;
	[tilespmem:s21+$0x0] =	vst.add.f32.msk $0xffff, v0  }
0x1b9: {  	s23 =	sor.u32 s14, s20;
	[tilespmem:s22+$0x0] =	vst.add.f32.msk $0xffff, v0  }
0x1ba: {  	v0 =	vld [tilespmem:s23+$0x1A000];
	_ =	sdelay $0x4  }
0x1bb: {  	s24 =	sadd.s32 s14, s18;
	[tilespmem:s23+$0x8000] =	vst.add.f32.msk $0xffff, v0  }
0x1bc: {  	s25 =	sadd.s32 s14, s16;
	[tilespmem:s24+$0x0] =	vst.add.f32.msk $0xffff, v0  }
0x1bd: {  	s28 =	sor.u32 $0x20, s17;
	s26 =	sadd.s32 s14, s13;
	[tilespmem:s25+$0x0] =	vst.add.f32.msk $0xffff, v0  }
0x1be: {  	s15 =	sor.u32 s28, s20;
	[tilespmem:s26+$0x0] =	vst.add.f32.msk $0xffff, v0  }
0x1bf: {  	v0 =	vld [tilespmem:s15+$0x1A000];
	_ =	sdelay $0x4  }
0x1c0: {  	s21 =	sadd.s32 s28, s18;
	[tilespmem:s15+$0x8000] =	vst.add.f32.msk $0xffff, v0  }
0x1c1: {  	s22 =	sadd.s32 s28, s16;
	[tilespmem:s21+$0x0] =	vst.add.f32.msk $0xffff, v0  }
0x1c2: {  	s23 =	sadd.s32 s28, s13;
	s24 =	sor.u32 $0x30, s17;
	[tilespmem:s22+$0x0] =	vst.add.f32.msk $0xffff, v0  }
0x1c3: {  	s25 =	sor.u32 s24, s20;
	[tilespmem:s23+$0x0] =	vst.add.f32.msk $0xffff, v0  }
0x1c4: {  	v0 =	vld [tilespmem:s25+$0x1A000];
	_ =	sdelay $0x1  }
0x1c5: {  	s2 =	sadd.s32 $0x1, s2  }
0x1c6: {  	p0 =	sne.s32 s2, $0x8  }
.Ltmp9:
0x1c7: {  	_ = 	snop;
	(pc) =	sbr.rel @p0 .LBB2_18-.Ltmp9, $4  }
0x1c8: {  	s26 =	sadd.s32 s24, s18;
	[tilespmem:s25+$0x8000] =	vst.add.f32.msk $0xffff, v0  }
0x1c9: {  	s28 =	sadd.s32 s24, s16;
	[tilespmem:s26+$0x0] =	vst.add.f32.msk $0xffff, v0  }
0x1ca: {  	s13 =	sadd.s32 s24, s13;
	[tilespmem:s28+$0x0] =	vst.add.f32.msk $0xffff, v0  }
0x1cb: {  	[tilespmem:s13+$0x0] =	vst.add.f32.msk $0xffff, v0  }
0x1cc: {  	s2 =	rddreg [dreg:$0x14]  }
0x1cd: {  	[hbm4b:s2+s30] =	stream.strided.scatter [tilespmem:s0], [sflag:$0x5], $0x8000, s31, s30, $0x38;
	[tilespmem:$0x1E000] =	vst v63  }
0x1ce: {  	_ =	swait.ge [sflag:s6], $0x8000  }
0x1cf: {  	[sflag:s6] =	ssyncset.done $0x0  }
0x1d0: {  	s11 =	simm.s32 $0x0;
	s26 =	rddreg [dreg:$0x16];
	[sflag:s6] =	ssyncadd.s32 $0xFFFF8000  }
0x1d1: {  	[tilespmem:s29], [sflag:$0x1] =	stream.linear.gather [hbm4b:s26+s11], $0x2000, $0x38;
	[tilespmem:$0x1E000] =	vst v63  }
0x1d2: {  	s28 =	rddreg [dreg:$0x18]  }
0x1d3: {  	[tilespmem:s11], [sflag:$0x1] =	stream.strided.gather [hbm4b:s28+s30], $0x8000, s31, s30, $0x38;
	[tilespmem:$0x1E000] =	vst v63  }
0x1d4: {  	_ =	swait.ge [sflag:s7], $0x2000  }
0x1d5: {  	[sflag:s7] =	ssyncset.done $0x0  }
0x1d6: {  	[sflag:s7] =	ssyncadd.s32 $0xFFFFE000  }
0x1d7: {  	_ =	swait.ge [sflag:s7], $0x8000  }
0x1d8: {  	[sflag:s7] =	ssyncset.done $0x0  }
0x1d9: {  	s2 =	simm.s32 $0x0;
	[sflag:s7] =	ssyncadd.s32 $0xFFFF8000  }
.LBB2_22:
0x1da: {  	s12 =	sshll.u32 s2, $0x7;
	s16 =	sand.u32 $0x1C00, s11  }
0x1db: {  	s17 =	sand.u32 $0x40, s11;
	s18 =	sor.u32 s12, s16  }
0x1dc: {  	s20 =	sor.u32 s17, s18  }
0x1dd: {  	v0 =	vld [tilespmem:s20+$0x1C000];
	_ =	sdelay $0x2  }
0x1de: {  	s14 =	sadd.s32 $0x12000, s12  }
0x1df: {  	s15 =	sadd.s32 $0x14000, s12;
	s21 =	sadd.s32 s16, s14  }
0x1e0: {  	s13 =	sadd.s32 $0x16000, s12;
	s22 =	sadd.s32 s16, s15;
	s28 =	sadd.s32 s17, s21;
	[tilespmem:s20+$0x10000] =	vst.add.f32.msk $0xffff, v0  }
0x1e1: {  	s16 =	sadd.s32 s16, s13;
	s23 =	sadd.s32 s17, s22;
	[tilespmem:s28+$0x0] =	vst.add.f32.msk $0xffff, v0  }
0x1e2: {  	s24 =	sadd.s32 s17, s16;
	[tilespmem:s23+$0x0] =	vst.add.f32.msk $0xffff, v0;
	s23 =	sor.u32 $0x10, s17  }
0x1e3: {  	[tilespmem:s24+$0x0] =	vst.add.f32.msk $0xffff, v0;
	s25 =	sor.u32 s23, s18  }
0x1e4: {  	v0 =	vld [tilespmem:s25+$0x1C000];
	_ =	sdelay $0x4  }
0x1e5: {  	s26 =	sadd.s32 s23, s21;
	[tilespmem:s25+$0x10000] =	vst.add.f32.msk $0xffff, v0  }
0x1e6: {  	s28 =	sadd.s32 s23, s22;
	[tilespmem:s26+$0x0] =	vst.add.f32.msk $0xffff, v0  }
0x1e7: {  	s24 =	sadd.s32 s23, s16;
	s25 =	sor.u32 $0x20, s17;
	[tilespmem:s28+$0x0] =	vst.add.f32.msk $0xffff, v0  }
0x1e8: {  	s26 =	sor.u32 s25, s18;
	[tilespmem:s24+$0x0] =	vst.add.f32.msk $0xffff, v0  }
0x1e9: {  	v0 =	vld [tilespmem:s26+$0x1C000];
	_ =	sdelay $0x4  }
0x1ea: {  	s28 =	sadd.s32 s25, s21;
	[tilespmem:s26+$0x10000] =	vst.add.f32.msk $0xffff, v0  }
0x1eb: {  	s24 =	sadd.s32 s25, s22;
	[tilespmem:s28+$0x0] =	vst.add.f32.msk $0xffff, v0  }
0x1ec: {  	s23 =	sor.u32 $0x30, s17;
	s25 =	sadd.s32 s25, s16;
	[tilespmem:s24+$0x0] =	vst.add.f32.msk $0xffff, v0  }
0x1ed: {  	s18 =	sor.u32 s23, s18;
	[tilespmem:s25+$0x0] =	vst.add.f32.msk $0xffff, v0  }
0x1ee: {  	v0 =	vld [tilespmem:s18+$0x1C000];
	_ =	sdelay $0x3  }
0x1ef: {  	s22 =	sadd.s32 s23, s22;
	s26 =	simm.s32 $0x40  }
0x1f0: {  	s17 =	sand.u32 $0x40, s26;
	s28 =	sadd.s32 s23, s21;
	s21 =	simm.s32 $0x200;
	[tilespmem:s18+$0x10000] =	vst.add.f32.msk $0xffff, v0  }
0x1f1: {  	s26 =	sadd.s32 s23, s16;
	s24 =	sand.u32 $0x1C00, s21;
	s25 =	simm.s32 $0x80;
	[tilespmem:s28+$0x0] =	vst.add.f32.msk $0xffff, v0  }
0x1f2: {  	s20 =	sor.u32 s12, s24;
	s16 =	sadd.s32 s24, s15;
	s18 =	sadd.s32 s24, s14;
	[tilespmem:s22+$0x0] =	vst.add.f32.msk $0xffff, v0  }
.LBB2_23:
0x1f3: {  	s28 =	sor.u32 s17, s20  }
0x1f4: {  	s23 =	sadd.s32 s24, s13;
	[tilespmem:s26+$0x0] =	vst.add.f32.msk $0xffff, v0;
	s24 =	smov.u32 s25;
	s22 =	sadd.s32 $0x40, s25  }
0x1f5: {  	p0 =	sne.s32 s25, $0x3C0;
	v0 =	vld [tilespmem:s28+$0x1C000];
	_ =	sdelay $0x4  }
0x1f6: {  	s25 =	sadd.s32 s17, s18;
	[tilespmem:s28+$0x10000] =	vst.add.f32.msk $0xffff, v0  }
0x1f7: {  	[tilespmem:s25+$0x0] =	vst.add.f32.msk $0xffff, v0;
	s25 =	sadd.s32 s17, s16  }
0x1f8: {  	s26 =	sor.u32 $0x10, s17;
	[tilespmem:s25+$0x0] =	vst.add.f32.msk $0xffff, v0;
	s25 =	sadd.s32 s17, s23  }
0x1f9: {  	[tilespmem:s25+$0x0] =	vst.add.f32.msk $0xffff, v0;
	s25 =	sor.u32 s26, s20  }
0x1fa: {  	v0 =	vld [tilespmem:s25+$0x1C000];
	_ =	sdelay $0x4  }
0x1fb: {  	[tilespmem:s25+$0x10000] =	vst.add.f32.msk $0xffff, v0;
	s25 =	sadd.s32 s26, s18  }
0x1fc: {  	[tilespmem:s25+$0x0] =	vst.add.f32.msk $0xffff, v0;
	s25 =	sadd.s32 s26, s16  }
0x1fd: {  	[tilespmem:s25+$0x0] =	vst.add.f32.msk $0xffff, v0;
	s25 =	sadd.s32 s26, s23;
	s26 =	sor.u32 $0x20, s17  }
0x1fe: {  	[tilespmem:s25+$0x0] =	vst.add.f32.msk $0xffff, v0;
	s25 =	sor.u32 s26, s20  }
0x1ff: {  	v0 =	vld [tilespmem:s25+$0x1C000];
	_ =	sdelay $0x4  }
0x200: {  	[tilespmem:s25+$0x10000] =	vst.add.f32.msk $0xffff, v0;
	s25 =	sadd.s32 s26, s18  }
0x201: {  	[tilespmem:s25+$0x0] =	vst.add.f32.msk $0xffff, v0;
	s25 =	sadd.s32 s26, s16  }
0x202: {  	[tilespmem:s25+$0x0] =	vst.add.f32.msk $0xffff, v0;
	s25 =	sadd.s32 s26, s23;
	s26 =	sor.u32 $0x30, s17  }
0x203: {  	[tilespmem:s25+$0x0] =	vst.add.f32.msk $0xffff, v0;
	s20 =	sor.u32 s26, s20  }
0x204: {  	v0 =	vld [tilespmem:s20+$0x1C000];
	_ =	sdelay $0x2  }
.Ltmp10:
0x205: {  	(pc) =	sbr.rel @p0 .LBB2_23-.Ltmp10, $4  }
0x206: {  	s21 =	sadd.s32 $0x200, s21  }
0x207: {  	s17 =	sand.u32 $0x40, s24;
	s24 =	sand.u32 $0x1C00, s21;
	s18 =	sadd.s32 s26, s18;
	[tilespmem:s20+$0x10000] =	vst.add.f32.msk $0xffff, v0  }
0x208: {  	s25 =	sadd.s32 s26, s16;
	s26 =	sadd.s32 s26, s23;
	s16 =	sadd.s32 s24, s15;
	[tilespmem:s18+$0x0] =	vst.add.f32.msk $0xffff, v0  }
0x209: {  	s20 =	sor.u32 s12, s24;
	s18 =	sadd.s32 s24, s14;
	[tilespmem:s25+$0x0] =	vst.add.f32.msk $0xffff, v0;
	s25 =	smov.u32 s22  }
0x20a: {  	s12 =	sor.u32 s17, s20;
	[tilespmem:s26+$0x0] =	vst.add.f32.msk $0xffff, v0  }
0x20b: {  	v0 =	vld [tilespmem:s12+$0x1C000];
	_ =	sdelay $0x4  }
0x20c: {  	s15 =	sadd.s32 s17, s18;
	[tilespmem:s12+$0x10000] =	vst.add.f32.msk $0xffff, v0  }
0x20d: {  	s13 =	sadd.s32 s24, s13;
	s21 =	sadd.s32 s17, s16;
	[tilespmem:s15+$0x0] =	vst.add.f32.msk $0xffff, v0  }
0x20e: {  	s14 =	sor.u32 $0x10, s17;
	s22 =	sadd.s32 s17, s13;
	[tilespmem:s21+$0x0] =	vst.add.f32.msk $0xffff, v0  }
0x20f: {  	s23 =	sor.u32 s14, s20;
	[tilespmem:s22+$0x0] =	vst.add.f32.msk $0xffff, v0  }
0x210: {  	v0 =	vld [tilespmem:s23+$0x1C000];
	_ =	sdelay $0x4  }
0x211: {  	s24 =	sadd.s32 s14, s18;
	[tilespmem:s23+$0x10000] =	vst.add.f32.msk $0xffff, v0  }
0x212: {  	s25 =	sadd.s32 s14, s16;
	[tilespmem:s24+$0x0] =	vst.add.f32.msk $0xffff, v0  }
0x213: {  	s28 =	sor.u32 $0x20, s17;
	s26 =	sadd.s32 s14, s13;
	[tilespmem:s25+$0x0] =	vst.add.f32.msk $0xffff, v0  }
0x214: {  	s15 =	sor.u32 s28, s20;
	[tilespmem:s26+$0x0] =	vst.add.f32.msk $0xffff, v0  }
0x215: {  	v0 =	vld [tilespmem:s15+$0x1C000];
	_ =	sdelay $0x4  }
0x216: {  	s21 =	sadd.s32 s28, s18;
	[tilespmem:s15+$0x10000] =	vst.add.f32.msk $0xffff, v0  }
0x217: {  	s22 =	sadd.s32 s28, s16;
	[tilespmem:s21+$0x0] =	vst.add.f32.msk $0xffff, v0  }
0x218: {  	s23 =	sadd.s32 s28, s13;
	s24 =	sor.u32 $0x30, s17;
	[tilespmem:s22+$0x0] =	vst.add.f32.msk $0xffff, v0  }
0x219: {  	s25 =	sor.u32 s24, s20;
	[tilespmem:s23+$0x0] =	vst.add.f32.msk $0xffff, v0  }
0x21a: {  	v0 =	vld [tilespmem:s25+$0x1C000];
	_ =	sdelay $0x1  }
0x21b: {  	s2 =	sadd.s32 $0x1, s2  }
0x21c: {  	p0 =	sne.s32 s2, $0x8  }
.Ltmp11:
0x21d: {  	_ = 	snop;
	(pc) =	sbr.rel @p0 .LBB2_22-.Ltmp11, $4  }
0x21e: {  	s26 =	sadd.s32 s24, s18;
	[tilespmem:s25+$0x10000] =	vst.add.f32.msk $0xffff, v0  }
0x21f: {  	s28 =	sadd.s32 s24, s16;
	[tilespmem:s26+$0x0] =	vst.add.f32.msk $0xffff, v0  }
0x220: {  	s13 =	sadd.s32 s24, s13;
	[tilespmem:s28+$0x0] =	vst.add.f32.msk $0xffff, v0  }
0x221: {  	[tilespmem:s13+$0x0] =	vst.add.f32.msk $0xffff, v0  }
0x222: {  	s2 =	rddreg [dreg:$0x15]  }
0x223: {  	[hbm4b:s2+s30] =	stream.strided.scatter [tilespmem:s3], [sflag:$0x6], $0x8000, s31, s30, $0x38;
	[tilespmem:$0x1E000] =	vst v63  }
0x224: {  	_ =	swait.ge [sflag:s8], $0x8000  }
0x225: {  	[sflag:s8] =	ssyncset.done $0x0  }
0x226: {  	s11 =	simm.s32 $0x0;
	s26 =	rddreg [dreg:$0x17];
	[sflag:s8] =	ssyncadd.s32 $0xFFFF8000  }
0x227: {  	[tilespmem:s19], [sflag:$0x2] =	stream.linear.gather [hbm4b:s26+s11], $0x2000, $0x38;
	[tilespmem:$0x1E000] =	vst v63  }
0x228: {  	s28 =	rddreg [dreg:$0x19]  }
0x229: {  	[tilespmem:s0], [sflag:$0x2] =	stream.strided.gather [hbm4b:s28+s30], $0x8000, s31, s30, $0x38;
	[tilespmem:$0x1E000] =	vst v63  }
0x22a: {  	_ =	swait.ge [sflag:s4], $0x2000  }
0x22b: {  	[sflag:s4] =	ssyncset.done $0x0  }
0x22c: {  	[sflag:s4] =	ssyncadd.s32 $0xFFFFE000  }
0x22d: {  	_ =	swait.ge [sflag:s4], $0x8000  }
0x22e: {  	[sflag:s4] =	ssyncset.done $0x0  }
0x22f: {  	s2 =	simm.s32 $0x0;
	[sflag:s4] =	ssyncadd.s32 $0xFFFF8000  }
.LBB2_26:
0x230: {  	s12 =	sshll.u32 s2, $0x7;
	s16 =	sand.u32 $0x1C00, s11  }
0x231: {  	s17 =	sand.u32 $0x40, s11;
	s18 =	sor.u32 s12, s16  }
0x232: {  	s20 =	sor.u32 s17, s18  }
0x233: {  	v0 =	vld [tilespmem:s20+$0x18000];
	_ =	sdelay $0x2  }
0x234: {  	s14 =	sadd.s32 $0x2000, s12  }
0x235: {  	s15 =	sadd.s32 $0x4000, s12;
	s21 =	sadd.s32 s16, s14  }
0x236: {  	s13 =	sadd.s32 $0x6000, s12;
	s22 =	sadd.s32 s16, s15;
	s28 =	sadd.s32 s17, s21;
	[tilespmem:s20+$0x0] =	vst.add.f32.msk $0xffff, v0  }
0x237: {  	s16 =	sadd.s32 s16, s13;
	s23 =	sadd.s32 s17, s22;
	[tilespmem:s28+$0x0] =	vst.add.f32.msk $0xffff, v0  }
0x238: {  	s24 =	sadd.s32 s17, s16;
	[tilespmem:s23+$0x0] =	vst.add.f32.msk $0xffff, v0;
	s23 =	sor.u32 $0x10, s17  }
0x239: {  	[tilespmem:s24+$0x0] =	vst.add.f32.msk $0xffff, v0;
	s25 =	sor.u32 s23, s18  }
0x23a: {  	v0 =	vld [tilespmem:s25+$0x18000];
	_ =	sdelay $0x4  }
0x23b: {  	s26 =	sadd.s32 s23, s21;
	[tilespmem:s25+$0x0] =	vst.add.f32.msk $0xffff, v0  }
0x23c: {  	s28 =	sadd.s32 s23, s22;
	[tilespmem:s26+$0x0] =	vst.add.f32.msk $0xffff, v0  }
0x23d: {  	s24 =	sadd.s32 s23, s16;
	s25 =	sor.u32 $0x20, s17;
	[tilespmem:s28+$0x0] =	vst.add.f32.msk $0xffff, v0  }
0x23e: {  	s26 =	sor.u32 s25, s18;
	[tilespmem:s24+$0x0] =	vst.add.f32.msk $0xffff, v0  }
0x23f: {  	v0 =	vld [tilespmem:s26+$0x18000];
	_ =	sdelay $0x4  }
0x240: {  	s28 =	sadd.s32 s25, s21;
	[tilespmem:s26+$0x0] =	vst.add.f32.msk $0xffff, v0  }
0x241: {  	s24 =	sadd.s32 s25, s22;
	[tilespmem:s28+$0x0] =	vst.add.f32.msk $0xffff, v0  }
0x242: {  	s23 =	sor.u32 $0x30, s17;
	s25 =	sadd.s32 s25, s16;
	[tilespmem:s24+$0x0] =	vst.add.f32.msk $0xffff, v0  }
0x243: {  	s18 =	sor.u32 s23, s18;
	[tilespmem:s25+$0x0] =	vst.add.f32.msk $0xffff, v0  }
0x244: {  	v0 =	vld [tilespmem:s18+$0x18000];
	_ =	sdelay $0x3  }
0x245: {  	s22 =	sadd.s32 s23, s22;
	s26 =	simm.s32 $0x40  }
0x246: {  	s17 =	sand.u32 $0x40, s26;
	s28 =	sadd.s32 s23, s21;
	s21 =	simm.s32 $0x200;
	[tilespmem:s18+$0x0] =	vst.add.f32.msk $0xffff, v0  }
0x247: {  	s26 =	sadd.s32 s23, s16;
	s24 =	sand.u32 $0x1C00, s21;
	s25 =	simm.s32 $0x80;
	[tilespmem:s28+$0x0] =	vst.add.f32.msk $0xffff, v0  }
0x248: {  	s20 =	sor.u32 s12, s24;
	s16 =	sadd.s32 s24, s15;
	s18 =	sadd.s32 s24, s14;
	[tilespmem:s22+$0x0] =	vst.add.f32.msk $0xffff, v0  }
.LBB2_27:
0x249: {  	s28 =	sor.u32 s17, s20  }
0x24a: {  	s23 =	sadd.s32 s24, s13;
	[tilespmem:s26+$0x0] =	vst.add.f32.msk $0xffff, v0;
	s24 =	smov.u32 s25;
	s22 =	sadd.s32 $0x40, s25  }
0x24b: {  	p0 =	sne.s32 s25, $0x3C0;
	v0 =	vld [tilespmem:s28+$0x18000];
	_ =	sdelay $0x4  }
0x24c: {  	s25 =	sadd.s32 s17, s18;
	[tilespmem:s28+$0x0] =	vst.add.f32.msk $0xffff, v0  }
0x24d: {  	[tilespmem:s25+$0x0] =	vst.add.f32.msk $0xffff, v0;
	s25 =	sadd.s32 s17, s16  }
0x24e: {  	s26 =	sor.u32 $0x10, s17;
	[tilespmem:s25+$0x0] =	vst.add.f32.msk $0xffff, v0;
	s25 =	sadd.s32 s17, s23  }
0x24f: {  	[tilespmem:s25+$0x0] =	vst.add.f32.msk $0xffff, v0;
	s25 =	sor.u32 s26, s20  }
0x250: {  	v0 =	vld [tilespmem:s25+$0x18000];
	_ =	sdelay $0x4  }
0x251: {  	[tilespmem:s25+$0x0] =	vst.add.f32.msk $0xffff, v0;
	s25 =	sadd.s32 s26, s18  }
0x252: {  	[tilespmem:s25+$0x0] =	vst.add.f32.msk $0xffff, v0;
	s25 =	sadd.s32 s26, s16  }
0x253: {  	[tilespmem:s25+$0x0] =	vst.add.f32.msk $0xffff, v0;
	s25 =	sadd.s32 s26, s23;
	s26 =	sor.u32 $0x20, s17  }
0x254: {  	[tilespmem:s25+$0x0] =	vst.add.f32.msk $0xffff, v0;
	s25 =	sor.u32 s26, s20  }
0x255: {  	v0 =	vld [tilespmem:s25+$0x18000];
	_ =	sdelay $0x4  }
0x256: {  	[tilespmem:s25+$0x0] =	vst.add.f32.msk $0xffff, v0;
	s25 =	sadd.s32 s26, s18  }
0x257: {  	[tilespmem:s25+$0x0] =	vst.add.f32.msk $0xffff, v0;
	s25 =	sadd.s32 s26, s16  }
0x258: {  	[tilespmem:s25+$0x0] =	vst.add.f32.msk $0xffff, v0;
	s25 =	sadd.s32 s26, s23;
	s26 =	sor.u32 $0x30, s17  }
0x259: {  	[tilespmem:s25+$0x0] =	vst.add.f32.msk $0xffff, v0;
	s20 =	sor.u32 s26, s20  }
0x25a: {  	v0 =	vld [tilespmem:s20+$0x18000];
	_ =	sdelay $0x2  }
.Ltmp12:
0x25b: {  	(pc) =	sbr.rel @p0 .LBB2_27-.Ltmp12, $4  }
0x25c: {  	s21 =	sadd.s32 $0x200, s21  }
0x25d: {  	s17 =	sand.u32 $0x40, s24;
	s24 =	sand.u32 $0x1C00, s21;
	s18 =	sadd.s32 s26, s18;
	[tilespmem:s20+$0x0] =	vst.add.f32.msk $0xffff, v0  }
0x25e: {  	s25 =	sadd.s32 s26, s16;
	s26 =	sadd.s32 s26, s23;
	s16 =	sadd.s32 s24, s15;
	[tilespmem:s18+$0x0] =	vst.add.f32.msk $0xffff, v0  }
0x25f: {  	s20 =	sor.u32 s12, s24;
	s18 =	sadd.s32 s24, s14;
	[tilespmem:s25+$0x0] =	vst.add.f32.msk $0xffff, v0;
	s25 =	smov.u32 s22  }
0x260: {  	s12 =	sor.u32 s17, s20;
	[tilespmem:s26+$0x0] =	vst.add.f32.msk $0xffff, v0  }
0x261: {  	v0 =	vld [tilespmem:s12+$0x18000];
	_ =	sdelay $0x4  }
0x262: {  	s15 =	sadd.s32 s17, s18;
	[tilespmem:s12+$0x0] =	vst.add.f32.msk $0xffff, v0  }
0x263: {  	s13 =	sadd.s32 s24, s13;
	s21 =	sadd.s32 s17, s16;
	[tilespmem:s15+$0x0] =	vst.add.f32.msk $0xffff, v0  }
0x264: {  	s14 =	sor.u32 $0x10, s17;
	s22 =	sadd.s32 s17, s13;
	[tilespmem:s21+$0x0] =	vst.add.f32.msk $0xffff, v0  }
0x265: {  	s23 =	sor.u32 s14, s20;
	[tilespmem:s22+$0x0] =	vst.add.f32.msk $0xffff, v0  }
0x266: {  	v0 =	vld [tilespmem:s23+$0x18000];
	_ =	sdelay $0x4  }
0x267: {  	s24 =	sadd.s32 s14, s18;
	[tilespmem:s23+$0x0] =	vst.add.f32.msk $0xffff, v0  }
0x268: {  	s25 =	sadd.s32 s14, s16;
	[tilespmem:s24+$0x0] =	vst.add.f32.msk $0xffff, v0  }
0x269: {  	s28 =	sor.u32 $0x20, s17;
	s26 =	sadd.s32 s14, s13;
	[tilespmem:s25+$0x0] =	vst.add.f32.msk $0xffff, v0  }
0x26a: {  	s15 =	sor.u32 s28, s20;
	[tilespmem:s26+$0x0] =	vst.add.f32.msk $0xffff, v0  }
0x26b: {  	v0 =	vld [tilespmem:s15+$0x18000];
	_ =	sdelay $0x4  }
0x26c: {  	s21 =	sadd.s32 s28, s18;
	[tilespmem:s15+$0x0] =	vst.add.f32.msk $0xffff, v0  }
0x26d: {  	s22 =	sadd.s32 s28, s16;
	[tilespmem:s21+$0x0] =	vst.add.f32.msk $0xffff, v0  }
0x26e: {  	s23 =	sadd.s32 s28, s13;
	s24 =	sor.u32 $0x30, s17;
	[tilespmem:s22+$0x0] =	vst.add.f32.msk $0xffff, v0  }
0x26f: {  	s25 =	sor.u32 s24, s20;
	[tilespmem:s23+$0x0] =	vst.add.f32.msk $0xffff, v0  }
0x270: {  	v0 =	vld [tilespmem:s25+$0x18000];
	_ =	sdelay $0x1  }
0x271: {  	s2 =	sadd.s32 $0x1, s2  }
0x272: {  	p0 =	sne.s32 s2, $0x8  }
.Ltmp13:
0x273: {  	_ = 	snop;
	(pc) =	sbr.rel @p0 .LBB2_26-.Ltmp13, $4  }
0x274: {  	s26 =	sadd.s32 s24, s18;
	[tilespmem:s25+$0x0] =	vst.add.f32.msk $0xffff, v0  }
0x275: {  	s28 =	sadd.s32 s24, s16;
	[tilespmem:s26+$0x0] =	vst.add.f32.msk $0xffff, v0  }
0x276: {  	s13 =	sadd.s32 s24, s13;
	[tilespmem:s28+$0x0] =	vst.add.f32.msk $0xffff, v0  }
0x277: {  	[tilespmem:s13+$0x0] =	vst.add.f32.msk $0xffff, v0  }
0x278: {  	s11 =	simm.s32 $0x0;
	s2 =	rddreg [dreg:$0x1a]  }
0x279: {  	[hbm4b:s2+s30] =	stream.strided.scatter [tilespmem:s11], [sflag:$0x4], $0x8000, s31, s30, $0x38;
	[tilespmem:$0x1E000] =	vst v63  }
0x27a: {  	_ =	swait.ge [sflag:s9], $0x8000  }
0x27b: {  	[sflag:s9] =	ssyncset.done $0x0  }
0x27c: {  	[sflag:s9] =	ssyncadd.s32 $0xFFFF8000  }
0x27d: {  	_ =	swait.ge [sflag:s5], $0x2000  }
0x27e: {  	[sflag:s5] =	ssyncset.done $0x0  }
0x27f: {  	[sflag:s5] =	ssyncadd.s32 $0xFFFFE000  }
0x280: {  	_ =	swait.ge [sflag:s5], $0x8000  }
0x281: {  	[sflag:s5] =	ssyncset.done $0x0  }
0x282: {  	s2 =	simm.s32 $0x0;
	[sflag:s5] =	ssyncadd.s32 $0xFFFF8000  }
.LBB2_30:
0x283: {  	s12 =	sshll.u32 s2, $0x7;
	s16 =	sand.u32 $0x1C00, s11  }
0x284: {  	s17 =	sand.u32 $0x40, s11;
	s18 =	sor.u32 s12, s16  }
0x285: {  	s20 =	sor.u32 s17, s18  }
0x286: {  	v0 =	vld [tilespmem:s20+$0x1A000];
	_ =	sdelay $0x2  }
0x287: {  	s14 =	sadd.s32 $0xA000, s12  }
0x288: {  	s15 =	sadd.s32 $0xC000, s12;
	s21 =	sadd.s32 s16, s14  }
0x289: {  	s13 =	sadd.s32 $0xE000, s12;
	s22 =	sadd.s32 s16, s15;
	s28 =	sadd.s32 s17, s21;
	[tilespmem:s20+$0x8000] =	vst.add.f32.msk $0xffff, v0  }
0x28a: {  	s16 =	sadd.s32 s16, s13;
	s23 =	sadd.s32 s17, s22;
	[tilespmem:s28+$0x0] =	vst.add.f32.msk $0xffff, v0  }
0x28b: {  	s24 =	sadd.s32 s17, s16;
	[tilespmem:s23+$0x0] =	vst.add.f32.msk $0xffff, v0;
	s23 =	sor.u32 $0x10, s17  }
0x28c: {  	[tilespmem:s24+$0x0] =	vst.add.f32.msk $0xffff, v0;
	s25 =	sor.u32 s23, s18  }
0x28d: {  	v0 =	vld [tilespmem:s25+$0x1A000];
	_ =	sdelay $0x4  }
0x28e: {  	s26 =	sadd.s32 s23, s21;
	[tilespmem:s25+$0x8000] =	vst.add.f32.msk $0xffff, v0  }
0x28f: {  	s28 =	sadd.s32 s23, s22;
	[tilespmem:s26+$0x0] =	vst.add.f32.msk $0xffff, v0  }
0x290: {  	s24 =	sadd.s32 s23, s16;
	s25 =	sor.u32 $0x20, s17;
	[tilespmem:s28+$0x0] =	vst.add.f32.msk $0xffff, v0  }
0x291: {  	s26 =	sor.u32 s25, s18;
	[tilespmem:s24+$0x0] =	vst.add.f32.msk $0xffff, v0  }
0x292: {  	v0 =	vld [tilespmem:s26+$0x1A000];
	_ =	sdelay $0x4  }
0x293: {  	s28 =	sadd.s32 s25, s21;
	[tilespmem:s26+$0x8000] =	vst.add.f32.msk $0xffff, v0  }
0x294: {  	s24 =	sadd.s32 s25, s22;
	[tilespmem:s28+$0x0] =	vst.add.f32.msk $0xffff, v0  }
0x295: {  	s23 =	sor.u32 $0x30, s17;
	s25 =	sadd.s32 s25, s16;
	[tilespmem:s24+$0x0] =	vst.add.f32.msk $0xffff, v0  }
0x296: {  	s18 =	sor.u32 s23, s18;
	[tilespmem:s25+$0x0] =	vst.add.f32.msk $0xffff, v0  }
0x297: {  	v0 =	vld [tilespmem:s18+$0x1A000];
	_ =	sdelay $0x3  }
0x298: {  	s22 =	sadd.s32 s23, s22;
	s26 =	simm.s32 $0x40  }
0x299: {  	s17 =	sand.u32 $0x40, s26;
	s28 =	sadd.s32 s23, s21;
	s21 =	simm.s32 $0x200;
	[tilespmem:s18+$0x8000] =	vst.add.f32.msk $0xffff, v0  }
0x29a: {  	s26 =	sadd.s32 s23, s16;
	s24 =	sand.u32 $0x1C00, s21;
	s25 =	simm.s32 $0x80;
	[tilespmem:s28+$0x0] =	vst.add.f32.msk $0xffff, v0  }
0x29b: {  	s20 =	sor.u32 s12, s24;
	s16 =	sadd.s32 s24, s15;
	s18 =	sadd.s32 s24, s14;
	[tilespmem:s22+$0x0] =	vst.add.f32.msk $0xffff, v0  }
.LBB2_31:
0x29c: {  	s28 =	sor.u32 s17, s20  }
0x29d: {  	s23 =	sadd.s32 s24, s13;
	[tilespmem:s26+$0x0] =	vst.add.f32.msk $0xffff, v0;
	s24 =	smov.u32 s25;
	s22 =	sadd.s32 $0x40, s25  }
0x29e: {  	p0 =	sne.s32 s25, $0x3C0;
	v0 =	vld [tilespmem:s28+$0x1A000];
	_ =	sdelay $0x4  }
0x29f: {  	s25 =	sadd.s32 s17, s18;
	[tilespmem:s28+$0x8000] =	vst.add.f32.msk $0xffff, v0  }
0x2a0: {  	[tilespmem:s25+$0x0] =	vst.add.f32.msk $0xffff, v0;
	s25 =	sadd.s32 s17, s16  }
0x2a1: {  	s26 =	sor.u32 $0x10, s17;
	[tilespmem:s25+$0x0] =	vst.add.f32.msk $0xffff, v0;
	s25 =	sadd.s32 s17, s23  }
0x2a2: {  	[tilespmem:s25+$0x0] =	vst.add.f32.msk $0xffff, v0;
	s25 =	sor.u32 s26, s20  }
0x2a3: {  	v0 =	vld [tilespmem:s25+$0x1A000];
	_ =	sdelay $0x4  }
0x2a4: {  	[tilespmem:s25+$0x8000] =	vst.add.f32.msk $0xffff, v0;
	s25 =	sadd.s32 s26, s18  }
0x2a5: {  	[tilespmem:s25+$0x0] =	vst.add.f32.msk $0xffff, v0;
	s25 =	sadd.s32 s26, s16  }
0x2a6: {  	[tilespmem:s25+$0x0] =	vst.add.f32.msk $0xffff, v0;
	s25 =	sadd.s32 s26, s23;
	s26 =	sor.u32 $0x20, s17  }
0x2a7: {  	[tilespmem:s25+$0x0] =	vst.add.f32.msk $0xffff, v0;
	s25 =	sor.u32 s26, s20  }
0x2a8: {  	v0 =	vld [tilespmem:s25+$0x1A000];
	_ =	sdelay $0x4  }
0x2a9: {  	[tilespmem:s25+$0x8000] =	vst.add.f32.msk $0xffff, v0;
	s25 =	sadd.s32 s26, s18  }
0x2aa: {  	[tilespmem:s25+$0x0] =	vst.add.f32.msk $0xffff, v0;
	s25 =	sadd.s32 s26, s16  }
0x2ab: {  	[tilespmem:s25+$0x0] =	vst.add.f32.msk $0xffff, v0;
	s25 =	sadd.s32 s26, s23;
	s26 =	sor.u32 $0x30, s17  }
0x2ac: {  	[tilespmem:s25+$0x0] =	vst.add.f32.msk $0xffff, v0;
	s20 =	sor.u32 s26, s20  }
0x2ad: {  	v0 =	vld [tilespmem:s20+$0x1A000];
	_ =	sdelay $0x2  }
.Ltmp14:
0x2ae: {  	(pc) =	sbr.rel @p0 .LBB2_31-.Ltmp14, $4  }
0x2af: {  	s21 =	sadd.s32 $0x200, s21  }
0x2b0: {  	s17 =	sand.u32 $0x40, s24;
	s24 =	sand.u32 $0x1C00, s21;
	s18 =	sadd.s32 s26, s18;
	[tilespmem:s20+$0x8000] =	vst.add.f32.msk $0xffff, v0  }
0x2b1: {  	s25 =	sadd.s32 s26, s16;
	s26 =	sadd.s32 s26, s23;
	s16 =	sadd.s32 s24, s15;
	[tilespmem:s18+$0x0] =	vst.add.f32.msk $0xffff, v0  }
0x2b2: {  	s20 =	sor.u32 s12, s24;
	s18 =	sadd.s32 s24, s14;
	[tilespmem:s25+$0x0] =	vst.add.f32.msk $0xffff, v0;
	s25 =	smov.u32 s22  }
0x2b3: {  	s12 =	sor.u32 s17, s20;
	[tilespmem:s26+$0x0] =	vst.add.f32.msk $0xffff, v0  }
0x2b4: {  	v0 =	vld [tilespmem:s12+$0x1A000];
	_ =	sdelay $0x4  }
0x2b5: {  	s15 =	sadd.s32 s17, s18;
	[tilespmem:s12+$0x8000] =	vst.add.f32.msk $0xffff, v0  }
0x2b6: {  	s13 =	sadd.s32 s24, s13;
	s21 =	sadd.s32 s17, s16;
	[tilespmem:s15+$0x0] =	vst.add.f32.msk $0xffff, v0  }
0x2b7: {  	s14 =	sor.u32 $0x10, s17;
	s22 =	sadd.s32 s17, s13;
	[tilespmem:s21+$0x0] =	vst.add.f32.msk $0xffff, v0  }
0x2b8: {  	s23 =	sor.u32 s14, s20;
	[tilespmem:s22+$0x0] =	vst.add.f32.msk $0xffff, v0  }
0x2b9: {  	v0 =	vld [tilespmem:s23+$0x1A000];
	_ =	sdelay $0x4  }
0x2ba: {  	s24 =	sadd.s32 s14, s18;
	[tilespmem:s23+$0x8000] =	vst.add.f32.msk $0xffff, v0  }
0x2bb: {  	s25 =	sadd.s32 s14, s16;
	[tilespmem:s24+$0x0] =	vst.add.f32.msk $0xffff, v0  }
0x2bc: {  	s28 =	sor.u32 $0x20, s17;
	s26 =	sadd.s32 s14, s13;
	[tilespmem:s25+$0x0] =	vst.add.f32.msk $0xffff, v0  }
0x2bd: {  	s15 =	sor.u32 s28, s20;
	[tilespmem:s26+$0x0] =	vst.add.f32.msk $0xffff, v0  }
0x2be: {  	v0 =	vld [tilespmem:s15+$0x1A000];
	_ =	sdelay $0x4  }
0x2bf: {  	s21 =	sadd.s32 s28, s18;
	[tilespmem:s15+$0x8000] =	vst.add.f32.msk $0xffff, v0  }
0x2c0: {  	s22 =	sadd.s32 s28, s16;
	[tilespmem:s21+$0x0] =	vst.add.f32.msk $0xffff, v0  }
0x2c1: {  	s23 =	sadd.s32 s28, s13;
	s24 =	sor.u32 $0x30, s17;
	[tilespmem:s22+$0x0] =	vst.add.f32.msk $0xffff, v0  }
0x2c2: {  	s25 =	sor.u32 s24, s20;
	[tilespmem:s23+$0x0] =	vst.add.f32.msk $0xffff, v0  }
0x2c3: {  	v0 =	vld [tilespmem:s25+$0x1A000];
	_ =	sdelay $0x1  }
0x2c4: {  	s2 =	sadd.s32 $0x1, s2  }
0x2c5: {  	p0 =	sne.s32 s2, $0x8  }
.Ltmp15:
0x2c6: {  	_ = 	snop;
	(pc) =	sbr.rel @p0 .LBB2_30-.Ltmp15, $4  }
0x2c7: {  	s26 =	sadd.s32 s24, s18;
	[tilespmem:s25+$0x8000] =	vst.add.f32.msk $0xffff, v0  }
0x2c8: {  	s28 =	sadd.s32 s24, s16;
	[tilespmem:s26+$0x0] =	vst.add.f32.msk $0xffff, v0  }
0x2c9: {  	s13 =	sadd.s32 s24, s13;
	[tilespmem:s28+$0x0] =	vst.add.f32.msk $0xffff, v0  }
0x2ca: {  	[tilespmem:s13+$0x0] =	vst.add.f32.msk $0xffff, v0  }
0x2cb: {  	s2 =	rddreg [dreg:$0x1b]  }
0x2cc: {  	[hbm4b:s2+s30] =	stream.strided.scatter [tilespmem:s0], [sflag:$0x5], $0x8000, s31, s30, $0x38;
	[tilespmem:$0x1E000] =	vst v63  }
0x2cd: {  	_ =	swait.ge [sflag:s6], $0x8000  }
0x2ce: {  	[sflag:s6] =	ssyncset.done $0x0  }
0x2cf: {  	[sflag:s6] =	ssyncadd.s32 $0xFFFF8000  }
0x2d0: {  	_ =	swait.ge [sflag:s8], $0x8000  }
0x2d1: {  	s10 =	sadd.s32 $0x1, s10;
	s28 =	rddreg [dreg:$0x1c]  }
0x2d2: {  	p0 =	sne.s32 s10, s28  }
.Ltmp16:
0x2d3: {  	_ = 	snop;
	(pc) =	sbr.rel @p0 .LBB2_1-.Ltmp16, $3  }
0x2d4: {  	_ =	sdelay $0x1  }
0x2d5: {  	[sflag:s8] =	ssyncset.done $0x0  }
0x2d6: {  	[sflag:s8] =	ssyncadd.s32 $0xFFFF8000  }
0x2d7: {  	_ =	sfence.sel $0x180000  }
0x2d8: {  	[bflag:$0x0] =	sbarrier.arrive $0xFFFF  }
0x2d9: {  	_ =	strace $0x90000047  }
0x2da: {  	s0 =	stileid.u32;
	[bflag:$0x2] =	sbarrier.arrive $0xFFFF  }
0x2db: {  	p0 =	sne.s32 s0, $0x0;
	s0 =	rddreg [dreg:$0x3]  }
0x2dc: {  	s0 =	sadd.s32 @!p0 $0x100000, s0  }
0x2dd: {  	[sflag:s0] =	ssyncadd.tile.s32 @!p0 $0x1;
	_ =	shalt  }
.Lfunc_end2:
_tile_overlayer_lowered:
.L_overlay_start_2:
0x2de: {  	(tag) =	ssettag $0x2  }
0x2df: {  	s0 =	rddreg [dreg:$0x0];
	s2 =	stileid.u32  }
0x2e0: {  	s1 =	rddreg [dreg:$0x1];
	p0 =	sne.s32 s2, $0x0  }
0x2e1: {  	s3 =	rddreg [dreg:$0x2];
	[bflag:$0x3] =	sbarrier.arrive $0xFFFF;
	s2 =	simm.s32 @!p0 $0x1C07  }
0x2e2: {  	[timem:s3], [sflag:s2] =	dma.local @!p0 [hbm:s0], s1  }
0x2e3: {  	s0 =	simm.s32 @!p0 $0x7  }
0x2e4: {  	_ =	swait.ge @!p0 [sflag:s0], s1  }
0x2e5: {  	s1 =	ssub.s32 @!p0 $0x0, s1;
	[sflag:s0] =	ssyncset.done @!p0 $0x0  }
0x2e6: {  	[sflag:s0] =	ssyncadd.s32 @!p0 s1  }
0x2e7: {  	[bflag:$0x3] =	sbarrier.arrive $0xFFFF  }
0x2e8: {  	_ =	shalt  }

</sc_bundles>
